<compile_context>
chip_gen: v7x
topology: tpu7x:2x2x1
jax: 0.10.2.dev20260603
libtpu: 0.0.44.dev20260713+nightly
codegen_flags: <defaults>
</compile_context>

<pallas_src>
import functools

import jax
import jax.numpy as jnp
from jax import lax
from jax.experimental import pallas as pl
from jax.experimental.pallas import tpu as pltpu
from jax.experimental.pallas import tpu_sc as plsc

_NUM_CORES = 2
_NUM_SUBCORES = 16
_NUM_WORKERS = _NUM_CORES * _NUM_SUBCORES

_NBUF = 2
_LANES = 16


def kernel(edge, table):
    batch, seq, _ = edge.shape
    rows, depth = table.shape
    n = batch * seq * seq
    idx_flat = edge.reshape(n).astype(jnp.int32)
    table_flat = table.reshape(rows * depth)

    per_worker = n // _NUM_WORKERS
    planes = per_worker // seq
    jgroups = seq // _LANES

    mesh = plsc.VectorSubcoreMesh(core_axis_name="c", subcore_axis_name="s")

    @functools.partial(
        pl.kernel,
        mesh=mesh,
        out_type=jax.ShapeDtypeStruct((batch, seq, depth, seq), jnp.float32),
        scratch_types=[
            pltpu.VMEM((per_worker,), jnp.int32),
            pltpu.VMEM((rows * depth,), jnp.float32),
            pltpu.VMEM((rows * (depth + 1),), jnp.float32),
            pltpu.VMEM((_NBUF, depth, seq), jnp.float32),
        ]
        + [pltpu.SemaphoreType.DMA] * _NBUF,
        compiler_params=pltpu.CompilerParams(
            use_tc_tiling_on_sc=False, needs_layout_passes=False
        ),
    )
    def lookup(table_hbm, idx_hbm, out_hbm, idx_v, tab_v, tabp_v, buf_v, *sem_w):
        wid = lax.axis_index("s") * _NUM_CORES + lax.axis_index("c")
        bat = wid // 2
        half = wid % 2
        base = wid * per_worker
        stride = depth + 1

        pltpu.sync_copy(table_hbm, tab_v)
        pltpu.sync_copy(idx_hbm.at[pl.ds(base, per_worker)], idx_v)

        for r in range(rows):
            for g in range(depth // _LANES):
                tabp_v[pl.ds(r * stride + g * _LANES, _LANES)] = tab_v[
                    pl.ds(r * depth + g * _LANES, _LANES)
                ]

        @pl.loop(0, per_worker, step=8 * _LANES)
        def _(k):
            for u in range(8):
                sl = pl.ds(k + u * _LANES, _LANES)
                idx_v[sl] = idx_v[sl] * stride

        @pl.loop(0, planes, step=_NBUF)
        def _(p0):
            for b in range(_NBUF):
                p = p0 + b

                @pl.when(p0 > 0)
                def _():
                    pltpu.make_async_copy(
                        buf_v.at[b],
                        out_hbm.at[0, 0],
                        sem_w[b],
                    ).wait()

                jidx = [
                    idx_v[pl.ds(p * seq + jg * _LANES, _LANES)]
                    for jg in range(jgroups)
                ]

                @plsc.parallel_loop(0, depth, step=1, unroll=8)
                def _(d):
                    for jg in range(jgroups):
                        vals = plsc.load_gather(tabp_v, [jidx[jg] + d])
                        buf_v[b, d, pl.ds(jg * _LANES, _LANES)] = vals

                pltpu.async_copy(
                    buf_v.at[b],
                    out_hbm.at[bat, half * planes + p],
                    sem_w[b],
                )

        for b in range(_NBUF):
            pltpu.make_async_copy(
                buf_v.at[b],
                out_hbm.at[0, 0],
                sem_w[b],
            ).wait()

    out = lookup(table_flat, idx_flat)
    return jnp.swapaxes(out, 2, 3)

# --- scband reference (transcript-rebuilt; emitter-appended) ---
"""Pipeline reference for scband-edge-embeddings-50852412785287 (READ-ONLY COPY).

The authoritative reference and input builder live on the scoring server;
editing this copy changes nothing except your own understanding.
"""

import jax, jax.numpy as jnp
import numpy as np


def setup_inputs(seed: int = 0) -> dict:
    key = jax.random.key(seed)
    k1, k2 = jax.random.split(key)
    # edge-type ids per token pair: [batch, seq, seq], values in [0, 50)
    edge = jax.random.randint(k1, (16, 128, 128), 0, 50)
    # learned edge-type embedding table (dependency_matrix), padding_idx=0 row zeroed.
    # NOTE: the torch module's reset_parameters zeros the whole table; we use random
    # values so the benchmark computation is non-degenerate, and zero row 0 to mimic padding_idx.
    table = jax.random.normal(k2, (50, 64), dtype=jnp.float32)
    table = table.at[0].set(0.0)
    return {"edge": edge, "table": table}


def reference(edge, table):
    batch, seq, _ = edge.shape
    flat = edge.reshape(batch, -1)                 # [B, S*S]
    emb = jnp.take(table, flat, axis=0)            # [B, S*S, D] gather
    return emb.reshape(batch, seq, seq, -1)        # [B, S, S, D]

if __name__ == "__main__":
    import jax
    _d = setup_inputs()
    print(jax.jit(kernel)(*tuple(_d.values())))

</pallas_src>

<mosaic_0001>
#map = affine_map<(d0, d1) -> (0)>
#map1 = affine_map<(d0, d1) -> (0, 0, 0, 0)>
module attributes {stable_mosaic.version = 14 : i64} {
  func.func @lookup(%arg0: i32, %arg1: i32, %arg2: memref<3200xf32, #tpu.memory_space<hbm>>, %arg3: memref<262144xi32, #tpu.memory_space<hbm>>, %arg4: memref<16x128x64x128xf32, #tpu.memory_space<hbm>>, %arg5: memref<8192xi32, #tpu.memory_space<vmem>>, %arg6: memref<3200xf32, #tpu.memory_space<vmem>>, %arg7: memref<3250xf32, #tpu.memory_space<vmem>>, %arg8: memref<2x64x128xf32, #tpu.memory_space<vmem>>, %arg9: memref<!tpu.dma_semaphore, #tpu.memory_space<semaphore_mem>>, %arg10: memref<!tpu.dma_semaphore, #tpu.memory_space<semaphore_mem>>) attributes {dimension_semantics = [#tpu.dimension_semantics<core_parallel>, #tpu.dimension_semantics<subcore_parallel>], iteration_bounds = array<i64: 2, 16>, scalar_prefetch = 0 : i64, scratch_operands = 6 : i64, tpu.core_type = #tpu.core_type<sc_vector_subcore>, window_params = [{transform_indices = #map}, {transform_indices = #map}, {transform_indices = #map1}]} {
    %mul3A = arith.constant 2 : i32
    %mul3A_0 = arith.muli %arg1, %mul3A : i32
    %add3A = arith.addi %mul3A_0, %arg0 : i32
    %jit3A = arith.constant 2 : i32
    %div3A = arith.divsi %add3A, %jit3A : i32
    %sign3A = arith.constant 0 : i32
    %sign3A_1 = arith.cmpi sgt, %add3A, %sign3A : i32
    %sign3A_2 = arith.extui %sign3A_1 : i1 to i32
    %sign3A_3 = arith.constant 0 : i32
    %sign3A_4 = arith.cmpi slt, %add3A, %sign3A_3 : i32
    %sign3A_5 = arith.extui %sign3A_4 : i1 to i32
    %sign3A_6 = arith.subi %sign3A_2, %sign3A_5 : i32
    %sign3A_7 = arith.constant 0 : i32
    %sign3A_8 = arith.cmpi sgt, %jit3A, %sign3A_7 : i32
    %sign3A_9 = arith.extui %sign3A_8 : i1 to i32
    %sign3A_10 = arith.constant 0 : i32
    %sign3A_11 = arith.cmpi slt, %jit3A, %sign3A_10 : i32
    %sign3A_12 = arith.extui %sign3A_11 : i1 to i32
    %sign3A_13 = arith.subi %sign3A_9, %sign3A_12 : i32
    %ne3A = arith.cmpi ne, %sign3A_6, %sign3A_13 : i32
    %rem3A = arith.remsi %add3A, %jit3A : i32
    %ne3A_14 = arith.constant 0 : i32
    %ne3A_15 = arith.cmpi ne, %rem3A, %ne3A_14 : i32
    %and3A = arith.andi %ne3A, %ne3A_15 : i1
    %sub3A = arith.constant 1 : i32
    %sub3A_16 = arith.subi %div3A, %sub3A : i32
    %select_n3A = arith.select %and3A, %sub3A_16, %div3A : i32
    %jit3A_17 = arith.constant 2 : i32
    %eq3A = arith.constant 0 : i32
    %eq3A_18 = arith.cmpi eq, %jit3A_17, %eq3A : i32
    %jit3A_19 = arith.constant 1 : i32
    %select_n3A_20 = arith.select %eq3A_18, %jit3A_19, %jit3A_17 : i32
    %rem3A_21 = arith.remsi %add3A, %select_n3A_20 : i32
    %ne3A_22 = arith.constant 0 : i32
    %ne3A_23 = arith.cmpi ne, %rem3A_21, %ne3A_22 : i32
    %lt3A = arith.constant 0 : i32
    %lt3A_24 = arith.cmpi slt, %rem3A_21, %lt3A : i32
    %lt3A_25 = arith.constant 0 : i32
    %lt3A_26 = arith.cmpi slt, %select_n3A_20, %lt3A_25 : i32
    %ne3A_27 = arith.xori %lt3A_24, %lt3A_26 : i1
    %and3A_28 = arith.andi %ne3A_27, %ne3A_23 : i1
    %add3A_29 = arith.addi %rem3A_21, %select_n3A_20 : i32
    %select_n3A_30 = arith.select %and3A_28, %add3A_29, %rem3A_21 : i32
    %mul3A_31 = arith.constant 8192 : i32
    %mul3A_32 = arith.muli %add3A, %mul3A_31 : i32
    "tpu.region"() ({
      %run_scoped3A = tpu.sem_alloc : memref<!tpu.dma_semaphore, #tpu.memory_space<semaphore_mem>>
      tpu.enqueue_dma source(%arg2 : memref<3200xf32, #tpu.memory_space<hbm>>) target(%arg6 : memref<3200xf32, #tpu.memory_space<vmem>>) target_semaphore(%run_scoped3A : memref<!tpu.dma_semaphore, #tpu.memory_space<semaphore_mem>>)
      tpu.wait_dma2 semaphore(%run_scoped3A : memref<!tpu.dma_semaphore, #tpu.memory_space<semaphore_mem>>) src(%arg2 : memref<3200xf32, #tpu.memory_space<hbm>>) dst(%arg6 : memref<3200xf32, #tpu.memory_space<vmem>>)
      tpu.yield
    }) : () -> ()
    "tpu.region"() ({
      %run_scoped3A = tpu.sem_alloc : memref<!tpu.dma_semaphore, #tpu.memory_space<semaphore_mem>>
      %dma_start3A = tpu.memref_slice %arg3[%mul3A_32] : memref<262144xi32, #tpu.memory_space<hbm>> -> memref<8192xi32, #tpu.memory_space<hbm>>
      %dma_start3A_877 = tpu.memref_slice %arg3[%mul3A_32] : memref<262144xi32, #tpu.memory_space<hbm>> -> memref<8192xi32, #tpu.memory_space<hbm>>
      tpu.enqueue_dma source(%dma_start3A_877 : memref<8192xi32, #tpu.memory_space<hbm>>) target(%arg5 : memref<8192xi32, #tpu.memory_space<vmem>>) target_semaphore(%run_scoped3A : memref<!tpu.dma_semaphore, #tpu.memory_space<semaphore_mem>>)
      %dma_wait3A_878 = tpu.memref_slice %arg3[%mul3A_32] : memref<262144xi32, #tpu.memory_space<hbm>> -> memref<8192xi32, #tpu.memory_space<hbm>>
      %dma_wait3A_879 = tpu.memref_slice %arg3[%mul3A_32] : memref<262144xi32, #tpu.memory_space<hbm>> -> memref<8192xi32, #tpu.memory_space<hbm>>
      tpu.wait_dma2 semaphore(%run_scoped3A : memref<!tpu.dma_semaphore, #tpu.memory_space<semaphore_mem>>) src(%dma_wait3A_879 : memref<8192xi32, #tpu.memory_space<hbm>>) dst(%arg5 : memref<8192xi32, #tpu.memory_space<vmem>>)
      tpu.yield
    }) : () -> ()
    %get3A = arith.constant 0 : index
    %get3A_33 = tpu.vector_load %arg6[%get3A] {strides = array<i32>} : memref<3200xf32, #tpu.memory_space<vmem>>, vector<16xf32>,
    %swap3A = arith.constant 0 : index
    %swap3A_34 = tpu.vector_load %arg7[%swap3A] {strides = array<i32>} : memref<3250xf32, #tpu.memory_space<vmem>>, vector<16xf32>,
    tpu.vector_store %arg7[%swap3A], %get3A_33 {strides = array<i32>} : memref<3250xf32, #tpu.memory_space<vmem>>, vector<16xf32>,
    %get3A_35 = arith.constant 16 : index
    %get3A_36 = tpu.vector_load %arg6[%get3A_35] {strides = array<i32>} : memref<3200xf32, #tpu.memory_space<vmem>>, vector<16xf32>,
    %swap3A_37 = arith.constant 16 : index
    %swap3A_38 = tpu.vector_load %arg7[%swap3A_37] {strides = array<i32>} : memref<3250xf32, #tpu.memory_space<vmem>>, vector<16xf32>,
    tpu.vector_store %arg7[%swap3A_37], %get3A_36 {strides = array<i32>} : memref<3250xf32, #tpu.memory_space<vmem>>, vector<16xf32>,
    %get3A_39 = arith.constant 32 : index
    %get3A_40 = tpu.vector_load %arg6[%get3A_39] {strides = array<i32>} : memref<3200xf32, #tpu.memory_space<vmem>>, vector<16xf32>,
    %swap3A_41 = arith.constant 32 : index
    %swap3A_42 = tpu.vector_load %arg7[%swap3A_41] {strides = array<i32>} : memref<3250xf32, #tpu.memory_space<vmem>>, vector<16xf32>,
    tpu.vector_store %arg7[%swap3A_41], %get3A_40 {strides = array<i32>} : memref<3250xf32, #tpu.memory_space<vmem>>, vector<16xf32>,
    %get3A_43 = arith.constant 48 : index
    %get3A_44 = tpu.vector_load %arg6[%get3A_43] {strides = array<i32>} : memref<3200xf32, #tpu.memory_space<vmem>>, vector<16xf32>,
    %swap3A_45 = arith.constant 48 : index
    %swap3A_46 = tpu.vector_load %arg7[%swap3A_45] {strides = array<i32>} : memref<3250xf32, #tpu.memory_space<vmem>>, vector<16xf32>,
    tpu.vector_store %arg7[%swap3A_45], %get3A_44 {strides = array<i32>} : memref<3250xf32, #tpu.memory_space<vmem>>, vector<16xf32>,
    %get3A_47 = arith.constant 64 : index
    %get3A_48 = tpu.vector_load %arg6[%get3A_47] {strides = array<i32>} : memref<3200xf32, #tpu.memory_space<vmem>>, vector<16xf32>,
    %swap3A_49 = arith.constant 65 : index
    %swap3A_50 = tpu.vector_load %arg7[%swap3A_49] {strides = array<i32>} : memref<3250xf32, #tpu.memory_space<vmem>>, vector<16xf32>,
    tpu.vector_store %arg7[%swap3A_49], %get3A_48 {strides = array<i32>} : memref<3250xf32, #tpu.memory_space<vmem>>, vector<16xf32>,
    %get3A_51 = arith.constant 80 : index
    %get3A_52 = tpu.vector_load %arg6[%get3A_51] {strides = array<i32>} : memref<3200xf32, #tpu.memory_space<vmem>>, vector<16xf32>,
    %swap3A_53 = arith.constant 81 : index
    %swap3A_54 = tpu.vector_load %arg7[%swap3A_53] {strides = array<i32>} : memref<3250xf32, #tpu.memory_space<vmem>>, vector<16xf32>,
    tpu.vector_store %arg7[%swap3A_53], %get3A_52 {strides = array<i32>} : memref<3250xf32, #tpu.memory_space<vmem>>, vector<16xf32>,
    %get3A_55 = arith.constant 96 : index
    %get3A_56 = tpu.vector_load %arg6[%get3A_55] {strides = array<i32>} : memref<3200xf32, #tpu.memory_space<vmem>>, vector<16xf32>,
    %swap3A_57 = arith.constant 97 : index
    %swap3A_58 = tpu.vector_load %arg7[%swap3A_57] {strides = array<i32>} : memref<3250xf32, #tpu.memory_space<vmem>>, vector<16xf32>,
    tpu.vector_store %arg7[%swap3A_57], %get3A_56 {strides = array<i32>} : memref<3250xf32, #tpu.memory_space<vmem>>, vector<16xf32>,
    %get3A_59 = arith.constant 112 : index
    %get3A_60 = tpu.vector_load %arg6[%get3A_59] {strides = array<i32>} : memref<3200xf32, #tpu.memory_space<vmem>>, vector<16xf32>,
    %swap3A_61 = arith.constant 113 : index
    %swap3A_62 = tpu.vector_load %arg7[%swap3A_61] {strides = array<i32>} : memref<3250xf32, #tpu.memory_space<vmem>>, vector<16xf32>,
    tpu.vector_store %arg7[%swap3A_61], %get3A_60 {strides = array<i32>} : memref<3250xf32, #tpu.memory_space<vmem>>, vector<16xf32>,
    %get3A_63 = arith.constant 128 : index
    %get3A_64 = tpu.vector_load %arg6[%get3A_63] {strides = array<i32>} : memref<3200xf32, #tpu.memory_space<vmem>>, vector<16xf32>,
    %swap3A_65 = arith.constant 130 : index
    %swap3A_66 = tpu.vector_load %arg7[%swap3A_65] {strides = array<i32>} : memref<3250xf32, #tpu.memory_space<vmem>>, vector<16xf32>,
    tpu.vector_store %arg7[%swap3A_65], %get3A_64 {strides = array<i32>} : memref<3250xf32, #tpu.memory_space<vmem>>, vector<16xf32>,
    %get3A_67 = arith.constant 144 : index
    %get3A_68 = tpu.vector_load %arg6[%get3A_67] {strides = array<i32>} : memref<3200xf32, #tpu.memory_space<vmem>>, vector<16xf32>,
    %swap3A_69 = arith.constant 146 : index
    %swap3A_70 = tpu.vector_load %arg7[%swap3A_69] {strides = array<i32>} : memref<3250xf32, #tpu.memory_space<vmem>>, vector<16xf32>,
    tpu.vector_store %arg7[%swap3A_69], %get3A_68 {strides = array<i32>} : memref<3250xf32, #tpu.memory_space<vmem>>, vector<16xf32>,
    %get3A_71 = arith.constant 160 : index
    %get3A_72 = tpu.vector_load %arg6[%get3A_71] {strides = array<i32>} : memref<3200xf32, #tpu.memory_space<vmem>>, vector<16xf32>,
    %swap3A_73 = arith.constant 162 : index
    %swap3A_74 = tpu.vector_load %arg7[%swap3A_73] {strides = array<i32>} : memref<3250xf32, #tpu.memory_space<vmem>>, vector<16xf32>,
    tpu.vector_store %arg7[%swap3A_73], %get3A_72 {strides = array<i32>} : memref<3250xf32, #tpu.memory_space<vmem>>, vector<16xf32>,
    %get3A_75 = arith.constant 176 : index
    %get3A_76 = tpu.vector_load %arg6[%get3A_75] {strides = array<i32>} : memref<3200xf32, #tpu.memory_space<vmem>>, vector<16xf32>,
    %swap3A_77 = arith.constant 178 : index
    %swap3A_78 = tpu.vector_load %arg7[%swap3A_77] {strides = array<i32>} : memref<3250xf32, #tpu.memory_space<vmem>>, vector<16xf32>,
    tpu.vector_store %arg7[%swap3A_77], %get3A_76 {strides = array<i32>} : memref<3250xf32, #tpu.memory_space<vmem>>, vector<16xf32>,
    %get3A_79 = arith.constant 192 : index
    %get3A_80 = tpu.vector_load %arg6[%get3A_79] {strides = array<i32>} : memref<3200xf32, #tpu.memory_space<vmem>>, vector<16xf32>,
    %swap3A_81 = arith.constant 195 : index
    %swap3A_82 = tpu.vector_load %arg7[%swap3A_81] {strides = array<i32>} : memref<3250xf32, #tpu.memory_space<vmem>>, vector<16xf32>,
    tpu.vector_store %arg7[%swap3A_81], %get3A_80 {strides = array<i32>} : memref<3250xf32, #tpu.memory_space<vmem>>, vector<16xf32>,
    %get3A_83 = arith.constant 208 : index
    %get3A_84 = tpu.vector_load %arg6[%get3A_83] {strides = array<i32>} : memref<3200xf32, #tpu.memory_space<vmem>>, vector<16xf32>,
    %swap3A_85 = arith.constant 211 : index
    %swap3A_86 = tpu.vector_load %arg7[%swap3A_85] {strides = array<i32>} : memref<3250xf32, #tpu.memory_space<vmem>>, vector<16xf32>,
    tpu.vector_store %arg7[%swap3A_85], %get3A_84 {strides = array<i32>} : memref<3250xf32, #tpu.memory_space<vmem>>, vector<16xf32>,
    %get3A_87 = arith.constant 224 : index
    %get3A_88 = tpu.vector_load %arg6[%get3A_87] {strides = array<i32>} : memref<3200xf32, #tpu.memory_space<vmem>>, vector<16xf32>,
    %swap3A_89 = arith.constant 227 : index
    %swap3A_90 = tpu.vector_load %arg7[%swap3A_89] {strides = array<i32>} : memref<3250xf32, #tpu.memory_space<vmem>>, vector<16xf32>,
    tpu.vector_store %arg7[%swap3A_89], %get3A_88 {strides = array<i32>} : memref<3250xf32, #tpu.memory_space<vmem>>, vector<16xf32>,
    %get3A_91 = arith.constant 240 : index
    %get3A_92 = tpu.vector_load %arg6[%get3A_91] {strides = array<i32>} : memref<3200xf32, #tpu.memory_space<vmem>>, vector<16xf32>,
    %swap3A_93 = arith.constant 243 : index
    %swap3A_94 = tpu.vector_load %arg7[%swap3A_93] {strides = array<i32>} : memref<3250xf32, #tpu.memory_space<vmem>>, vector<16xf32>,
    tpu.vector_store %arg7[%swap3A_93], %get3A_92 {strides = array<i32>} : memref<3250xf32, #tpu.memory_space<vmem>>, vector<16xf32>,
    %get3A_95 = arith.constant 256 : index
    %get3A_96 = tpu.vector_load %arg6[%get3A_95] {strides = array<i32>} : memref<3200xf32, #tpu.memory_space<vmem>>, vector<16xf32>,
    %swap3A_97 = arith.constant 260 : index
    %swap3A_98 = tpu.vector_load %arg7[%swap3A_97] {strides = array<i32>} : memref<3250xf32, #tpu.memory_space<vmem>>, vector<16xf32>,
    tpu.vector_store %arg7[%swap3A_97], %get3A_96 {strides = array<i32>} : memref<3250xf32, #tpu.memory_space<vmem>>, vector<16xf32>,
    %get3A_99 = arith.constant 272 : index
    %get3A_100 = tpu.vector_load %arg6[%get3A_99] {strides = array<i32>} : memref<3200xf32, #tpu.memory_space<vmem>>, vector<16xf32>,
    %swap3A_101 = arith.constant 276 : index
    %swap3A_102 = tpu.vector_load %arg7[%swap3A_101] {strides = array<i32>} : memref<3250xf32, #tpu.memory_space<vmem>>, vector<16xf32>,
    tpu.vector_store %arg7[%swap3A_101], %get3A_100 {strides = array<i32>} : memref<3250xf32, #tpu.memory_space<vmem>>, vector<16xf32>,
    %get3A_103 = arith.constant 288 : index
    %get3A_104 = tpu.vector_load %arg6[%get3A_103] {strides = array<i32>} : memref<3200xf32, #tpu.memory_space<vmem>>, vector<16xf32>,
    %swap3A_105 = arith.constant 292 : index
    %swap3A_106 = tpu.vector_load %arg7[%swap3A_105] {strides = array<i32>} : memref<3250xf32, #tpu.memory_space<vmem>>, vector<16xf32>,
    tpu.vector_store %arg7[%swap3A_105], %get3A_104 {strides = array<i32>} : memref<3250xf32, #tpu.memory_space<vmem>>, vector<16xf32>,
    %get3A_107 = arith.constant 304 : index
    %get3A_108 = tpu.vector_load %arg6[%get3A_107] {strides = array<i32>} : memref<3200xf32, #tpu.memory_space<vmem>>, vector<16xf32>,
    %swap3A_109 = arith.constant 308 : index
    %swap3A_110 = tpu.vector_load %arg7[%swap3A_109] {strides = array<i32>} : memref<3250xf32, #tpu.memory_space<vmem>>, vector<16xf32>,
    tpu.vector_store %arg7[%swap3A_109], %get3A_108 {strides = array<i32>} : memref<3250xf32, #tpu.memory_space<vmem>>, vector<16xf32>,
    %get3A_111 = arith.constant 320 : index
    %get3A_112 = tpu.vector_load %arg6[%get3A_111] {strides = array<i32>} : memref<3200xf32, #tpu.memory_space<vmem>>, vector<16xf32>,
    %swap3A_113 = arith.constant 325 : index
    %swap3A_114 = tpu.vector_load %arg7[%swap3A_113] {strides = array<i32>} : memref<3250xf32, #tpu.memory_space<vmem>>, vector<16xf32>,
    tpu.vector_store %arg7[%swap3A_113], %get3A_112 {strides = array<i32>} : memref<3250xf32, #tpu.memory_space<vmem>>, vector<16xf32>,
    %get3A_115 = arith.constant 336 : index
    %get3A_116 = tpu.vector_load %arg6[%get3A_115] {strides = array<i32>} : memref<3200xf32, #tpu.memory_space<vmem>>, vector<16xf32>,
    %swap3A_117 = arith.constant 341 : index
    %swap3A_118 = tpu.vector_load %arg7[%swap3A_117] {strides = array<i32>} : memref<3250xf32, #tpu.memory_space<vmem>>, vector<16xf32>,
    tpu.vector_store %arg7[%swap3A_117], %get3A_116 {strides = array<i32>} : memref<3250xf32, #tpu.memory_space<vmem>>, vector<16xf32>,
    %get3A_119 = arith.constant 352 : index
    %get3A_120 = tpu.vector_load %arg6[%get3A_119] {strides = array<i32>} : memref<3200xf32, #tpu.memory_space<vmem>>, vector<16xf32>,
    %swap3A_121 = arith.constant 357 : index
    %swap3A_122 = tpu.vector_load %arg7[%swap3A_121] {strides = array<i32>} : memref<3250xf32, #tpu.memory_space<vmem>>, vector<16xf32>,
    tpu.vector_store %arg7[%swap3A_121], %get3A_120 {strides = array<i32>} : memref<3250xf32, #tpu.memory_space<vmem>>, vector<16xf32>,
    %get3A_123 = arith.constant 368 : index
    %get3A_124 = tpu.vector_load %arg6[%get3A_123] {strides = array<i32>} : memref<3200xf32, #tpu.memory_space<vmem>>, vector<16xf32>,
    %swap3A_125 = arith.constant 373 : index
    %swap3A_126 = tpu.vector_load %arg7[%swap3A_125] {strides = array<i32>} : memref<3250xf32, #tpu.memory_space<vmem>>, vector<16xf32>,
    tpu.vector_store %arg7[%swap3A_125], %get3A_124 {strides = array<i32>} : memref<3250xf32, #tpu.memory_space<vmem>>, vector<16xf32>,
    %get3A_127 = arith.constant 384 : index
    %get3A_128 = tpu.vector_load %arg6[%get3A_127] {strides = array<i32>} : memref<3200xf32, #tpu.memory_space<vmem>>, vector<16xf32>,
    %swap3A_129 = arith.constant 390 : index
    %swap3A_130 = tpu.vector_load %arg7[%swap3A_129] {strides = array<i32>} : memref<3250xf32, #tpu.memory_space<vmem>>, vector<16xf32>,
    tpu.vector_store %arg7[%swap3A_129], %get3A_128 {strides = array<i32>} : memref<3250xf32, #tpu.memory_space<vmem>>, vector<16xf32>,
    %get3A_131 = arith.constant 400 : index
    %get3A_132 = tpu.vector_load %arg6[%get3A_131] {strides = array<i32>} : memref<3200xf32, #tpu.memory_space<vmem>>, vector<16xf32>,
    %swap3A_133 = arith.constant 406 : index
    %swap3A_134 = tpu.vector_load %arg7[%swap3A_133] {strides = array<i32>} : memref<3250xf32, #tpu.memory_space<vmem>>, vector<16xf32>,
    tpu.vector_store %arg7[%swap3A_133], %get3A_132 {strides = array<i32>} : memref<3250xf32, #tpu.memory_space<vmem>>, vector<16xf32>,
    %get3A_135 = arith.constant 416 : index
    %get3A_136 = tpu.vector_load %arg6[%get3A_135] {strides = array<i32>} : memref<3200xf32, #tpu.memory_space<vmem>>, vector<16xf32>,
    %swap3A_137 = arith.constant 422 : index
    %swap3A_138 = tpu.vector_load %arg7[%swap3A_137] {strides = array<i32>} : memref<3250xf32, #tpu.memory_space<vmem>>, vector<16xf32>,
    tpu.vector_store %arg7[%swap3A_137], %get3A_136 {strides = array<i32>} : memref<3250xf32, #tpu.memory_space<vmem>>, vector<16xf32>,
    %get3A_139 = arith.constant 432 : index
    %get3A_140 = tpu.vector_load %arg6[%get3A_139] {strides = array<i32>} : memref<3200xf32, #tpu.memory_space<vmem>>, vector<16xf32>,
    %swap3A_141 = arith.constant 438 : index
    %swap3A_142 = tpu.vector_load %arg7[%swap3A_141] {strides = array<i32>} : memref<3250xf32, #tpu.memory_space<vmem>>, vector<16xf32>,
    tpu.vector_store %arg7[%swap3A_141], %get3A_140 {strides = array<i32>} : memref<3250xf32, #tpu.memory_space<vmem>>, vector<16xf32>,
    %get3A_143 = arith.constant 448 : index
    %get3A_144 = tpu.vector_load %arg6[%get3A_143] {strides = array<i32>} : memref<3200xf32, #tpu.memory_space<vmem>>, vector<16xf32>,
    %swap3A_145 = arith.constant 455 : index
    %swap3A_146 = tpu.vector_load %arg7[%swap3A_145] {strides = array<i32>} : memref<3250xf32, #tpu.memory_space<vmem>>, vector<16xf32>,
    tpu.vector_store %arg7[%swap3A_145], %get3A_144 {strides = array<i32>} : memref<3250xf32, #tpu.memory_space<vmem>>, vector<16xf32>,
    %get3A_147 = arith.constant 464 : index
    %get3A_148 = tpu.vector_load %arg6[%get3A_147] {strides = array<i32>} : memref<3200xf32, #tpu.memory_space<vmem>>, vector<16xf32>,
    %swap3A_149 = arith.constant 471 : index
    %swap3A_150 = tpu.vector_load %arg7[%swap3A_149] {strides = array<i32>} : memref<3250xf32, #tpu.memory_space<vmem>>, vector<16xf32>,
    tpu.vector_store %arg7[%swap3A_149], %get3A_148 {strides = array<i32>} : memref<3250xf32, #tpu.memory_space<vmem>>, vector<16xf32>,
    %get3A_151 = arith.constant 480 : index
    %get3A_152 = tpu.vector_load %arg6[%get3A_151] {strides = array<i32>} : memref<3200xf32, #tpu.memory_space<vmem>>, vector<16xf32>,
    %swap3A_153 = arith.constant 487 : index
    %swap3A_154 = tpu.vector_load %arg7[%swap3A_153] {strides = array<i32>} : memref<3250xf32, #tpu.memory_space<vmem>>, vector<16xf32>,
    tpu.vector_store %arg7[%swap3A_153], %get3A_152 {strides = array<i32>} : memref<3250xf32, #tpu.memory_space<vmem>>, vector<16xf32>,
    %get3A_155 = arith.constant 496 : index
    %get3A_156 = tpu.vector_load %arg6[%get3A_155] {strides = array<i32>} : memref<3200xf32, #tpu.memory_space<vmem>>, vector<16xf32>,
    %swap3A_157 = arith.constant 503 : index
    %swap3A_158 = tpu.vector_load %arg7[%swap3A_157] {strides = array<i32>} : memref<3250xf32, #tpu.memory_space<vmem>>, vector<16xf32>,
    tpu.vector_store %arg7[%swap3A_157], %get3A_156 {strides = array<i32>} : memref<3250xf32, #tpu.memory_space<vmem>>, vector<16xf32>,
    %get3A_159 = arith.constant 512 : index
    %get3A_160 = tpu.vector_load %arg6[%get3A_159] {strides = array<i32>} : memref<3200xf32, #tpu.memory_space<vmem>>, vector<16xf32>,
    %swap3A_161 = arith.constant 520 : index
    %swap3A_162 = tpu.vector_load %arg7[%swap3A_161] {strides = array<i32>} : memref<3250xf32, #tpu.memory_space<vmem>>, vector<16xf32>,
    tpu.vector_store %arg7[%swap3A_161], %get3A_160 {strides = array<i32>} : memref<3250xf32, #tpu.memory_space<vmem>>, vector<16xf32>,
    %get3A_163 = arith.constant 528 : index
    %get3A_164 = tpu.vector_load %arg6[%get3A_163] {strides = array<i32>} : memref<3200xf32, #tpu.memory_space<vmem>>, vector<16xf32>,
    %swap3A_165 = arith.constant 536 : index
    %swap3A_166 = tpu.vector_load %arg7[%swap3A_165] {strides = array<i32>} : memref<3250xf32, #tpu.memory_space<vmem>>, vector<16xf32>,
    tpu.vector_store %arg7[%swap3A_165], %get3A_164 {strides = array<i32>} : memref<3250xf32, #tpu.memory_space<vmem>>, vector<16xf32>,
    %get3A_167 = arith.constant 544 : index
    %get3A_168 = tpu.vector_load %arg6[%get3A_167] {strides = array<i32>} : memref<3200xf32, #tpu.memory_space<vmem>>, vector<16xf32>,
    %swap3A_169 = arith.constant 552 : index
    %swap3A_170 = tpu.vector_load %arg7[%swap3A_169] {strides = array<i32>} : memref<3250xf32, #tpu.memory_space<vmem>>, vector<16xf32>,
    tpu.vector_store %arg7[%swap3A_169], %get3A_168 {strides = array<i32>} : memref<3250xf32, #tpu.memory_space<vmem>>, vector<16xf32>,
    %get3A_171 = arith.constant 560 : index
    %get3A_172 = tpu.vector_load %arg6[%get3A_171] {strides = array<i32>} : memref<3200xf32, #tpu.memory_space<vmem>>, vector<16xf32>,
    %swap3A_173 = arith.constant 568 : index
    %swap3A_174 = tpu.vector_load %arg7[%swap3A_173] {strides = array<i32>} : memref<3250xf32, #tpu.memory_space<vmem>>, vector<16xf32>,
    tpu.vector_store %arg7[%swap3A_173], %get3A_172 {strides = array<i32>} : memref<3250xf32, #tpu.memory_space<vmem>>, vector<16xf32>,
    %get3A_175 = arith.constant 576 : index
    %get3A_176 = tpu.vector_load %arg6[%get3A_175] {strides = array<i32>} : memref<3200xf32, #tpu.memory_space<vmem>>, vector<16xf32>,
    %swap3A_177 = arith.constant 585 : index
    %swap3A_178 = tpu.vector_load %arg7[%swap3A_177] {strides = array<i32>} : memref<3250xf32, #tpu.memory_space<vmem>>, vector<16xf32>,
    tpu.vector_store %arg7[%swap3A_177], %get3A_176 {strides = array<i32>} : memref<3250xf32, #tpu.memory_space<vmem>>, vector<16xf32>,
    %get3A_179 = arith.constant 592 : index
    %get3A_180 = tpu.vector_load %arg6[%get3A_179] {strides = array<i32>} : memref<3200xf32, #tpu.memory_space<vmem>>, vector<16xf32>,
    %swap3A_181 = arith.constant 601 : index
    %swap3A_182 = tpu.vector_load %arg7[%swap3A_181] {strides = array<i32>} : memref<3250xf32, #tpu.memory_space<vmem>>, vector<16xf32>,
    tpu.vector_store %arg7[%swap3A_181], %get3A_180 {strides = array<i32>} : memref<3250xf32, #tpu.memory_space<vmem>>, vector<16xf32>,
    %get3A_183 = arith.constant 608 : index
    %get3A_184 = tpu.vector_load %arg6[%get3A_183] {strides = array<i32>} : memref<3200xf32, #tpu.memory_space<vmem>>, vector<16xf32>,
    %swap3A_185 = arith.constant 617 : index
    %swap3A_186 = tpu.vector_load %arg7[%swap3A_185] {strides = array<i32>} : memref<3250xf32, #tpu.memory_space<vmem>>, vector<16xf32>,
    tpu.vector_store %arg7[%swap3A_185], %get3A_184 {strides = array<i32>} : memref<3250xf32, #tpu.memory_space<vmem>>, vector<16xf32>,
    %get3A_187 = arith.constant 624 : index
    %get3A_188 = tpu.vector_load %arg6[%get3A_187] {strides = array<i32>} : memref<3200xf32, #tpu.memory_space<vmem>>, vector<16xf32>,
    %swap3A_189 = arith.constant 633 : index
    %swap3A_190 = tpu.vector_load %arg7[%swap3A_189] {strides = array<i32>} : memref<3250xf32, #tpu.memory_space<vmem>>, vector<16xf32>,
    tpu.vector_store %arg7[%swap3A_189], %get3A_188 {strides = array<i32>} : memref<3250xf32, #tpu.memory_space<vmem>>, vector<16xf32>,
    %get3A_191 = arith.constant 640 : index
    %get3A_192 = tpu.vector_load %arg6[%get3A_191] {strides = array<i32>} : memref<3200xf32, #tpu.memory_space<vmem>>, vector<16xf32>,
    %swap3A_193 = arith.constant 650 : index
    %swap3A_194 = tpu.vector_load %arg7[%swap3A_193] {strides = array<i32>} : memref<3250xf32, #tpu.memory_space<vmem>>, vector<16xf32>,
    tpu.vector_store %arg7[%swap3A_193], %get3A_192 {strides = array<i32>} : memref<3250xf32, #tpu.memory_space<vmem>>, vector<16xf32>,
    %get3A_195 = arith.constant 656 : index
    %get3A_196 = tpu.vector_load %arg6[%get3A_195] {strides = array<i32>} : memref<3200xf32, #tpu.memory_space<vmem>>, vector<16xf32>,
    %swap3A_197 = arith.constant 666 : index
    %swap3A_198 = tpu.vector_load %arg7[%swap3A_197] {strides = array<i32>} : memref<3250xf32, #tpu.memory_space<vmem>>, vector<16xf32>,
    tpu.vector_store %arg7[%swap3A_197], %get3A_196 {strides = array<i32>} : memref<3250xf32, #tpu.memory_space<vmem>>, vector<16xf32>,
    %get3A_199 = arith.constant 672 : index
    %get3A_200 = tpu.vector_load %arg6[%get3A_199] {strides = array<i32>} : memref<3200xf32, #tpu.memory_space<vmem>>, vector<16xf32>,
    %swap3A_201 = arith.constant 682 : index
    %swap3A_202 = tpu.vector_load %arg7[%swap3A_201] {strides = array<i32>} : memref<3250xf32, #tpu.memory_space<vmem>>, vector<16xf32>,
    tpu.vector_store %arg7[%swap3A_201], %get3A_200 {strides = array<i32>} : memref<3250xf32, #tpu.memory_space<vmem>>, vector<16xf32>,
    %get3A_203 = arith.constant 688 : index
    %get3A_204 = tpu.vector_load %arg6[%get3A_203] {strides = array<i32>} : memref<3200xf32, #tpu.memory_space<vmem>>, vector<16xf32>,
    %swap3A_205 = arith.constant 698 : index
    %swap3A_206 = tpu.vector_load %arg7[%swap3A_205] {strides = array<i32>} : memref<3250xf32, #tpu.memory_space<vmem>>, vector<16xf32>,
    tpu.vector_store %arg7[%swap3A_205], %get3A_204 {strides = array<i32>} : memref<3250xf32, #tpu.memory_space<vmem>>, vector<16xf32>,
    %get3A_207 = arith.constant 704 : index
    %get3A_208 = tpu.vector_load %arg6[%get3A_207] {strides = array<i32>} : memref<3200xf32, #tpu.memory_space<vmem>>, vector<16xf32>,
    %swap3A_209 = arith.constant 715 : index
    %swap3A_210 = tpu.vector_load %arg7[%swap3A_209] {strides = array<i32>} : memref<3250xf32, #tpu.memory_space<vmem>>, vector<16xf32>,
    tpu.vector_store %arg7[%swap3A_209], %get3A_208 {strides = array<i32>} : memref<3250xf32, #tpu.memory_space<vmem>>, vector<16xf32>,
    %get3A_211 = arith.constant 720 : index
    %get3A_212 = tpu.vector_load %arg6[%get3A_211] {strides = array<i32>} : memref<3200xf32, #tpu.memory_space<vmem>>, vector<16xf32>,
    %swap3A_213 = arith.constant 731 : index
    %swap3A_214 = tpu.vector_load %arg7[%swap3A_213] {strides = array<i32>} : memref<3250xf32, #tpu.memory_space<vmem>>, vector<16xf32>,
    tpu.vector_store %arg7[%swap3A_213], %get3A_212 {strides = array<i32>} : memref<3250xf32, #tpu.memory_space<vmem>>, vector<16xf32>,
    %get3A_215 = arith.constant 736 : index
    %get3A_216 = tpu.vector_load %arg6[%get3A_215] {strides = array<i32>} : memref<3200xf32, #tpu.memory_space<vmem>>, vector<16xf32>,
    %swap3A_217 = arith.constant 747 : index
    %swap3A_218 = tpu.vector_load %arg7[%swap3A_217] {strides = array<i32>} : memref<3250xf32, #tpu.memory_space<vmem>>, vector<16xf32>,
    tpu.vector_store %arg7[%swap3A_217], %get3A_216 {strides = array<i32>} : memref<3250xf32, #tpu.memory_space<vmem>>, vector<16xf32>,
    %get3A_219 = arith.constant 752 : index
    %get3A_220 = tpu.vector_load %arg6[%get3A_219] {strides = array<i32>} : memref<3200xf32, #tpu.memory_space<vmem>>, vector<16xf32>,
    %swap3A_221 = arith.constant 763 : index
    %swap3A_222 = tpu.vector_load %arg7[%swap3A_221] {strides = array<i32>} : memref<3250xf32, #tpu.memory_space<vmem>>, vector<16xf32>,
    tpu.vector_store %arg7[%swap3A_221], %get3A_220 {strides = array<i32>} : memref<3250xf32, #tpu.memory_space<vmem>>, vector<16xf32>,
    %get3A_223 = arith.constant 768 : index
    %get3A_224 = tpu.vector_load %arg6[%get3A_223] {strides = array<i32>} : memref<3200xf32, #tpu.memory_space<vmem>>, vector<16xf32>,
    %swap3A_225 = arith.constant 780 : index
    %swap3A_226 = tpu.vector_load %arg7[%swap3A_225] {strides = array<i32>} : memref<3250xf32, #tpu.memory_space<vmem>>, vector<16xf32>,
    tpu.vector_store %arg7[%swap3A_225], %get3A_224 {strides = array<i32>} : memref<3250xf32, #tpu.memory_space<vmem>>, vector<16xf32>,
    %get3A_227 = arith.constant 784 : index
    %get3A_228 = tpu.vector_load %arg6[%get3A_227] {strides = array<i32>} : memref<3200xf32, #tpu.memory_space<vmem>>, vector<16xf32>,
    %swap3A_229 = arith.constant 796 : index
    %swap3A_230 = tpu.vector_load %arg7[%swap3A_229] {strides = array<i32>} : memref<3250xf32, #tpu.memory_space<vmem>>, vector<16xf32>,
    tpu.vector_store %arg7[%swap3A_229], %get3A_228 {strides = array<i32>} : memref<3250xf32, #tpu.memory_space<vmem>>, vector<16xf32>,
    %get3A_231 = arith.constant 800 : index
    %get3A_232 = tpu.vector_load %arg6[%get3A_231] {strides = array<i32>} : memref<3200xf32, #tpu.memory_space<vmem>>, vector<16xf32>,
    %swap3A_233 = arith.constant 812 : index
    %swap3A_234 = tpu.vector_load %arg7[%swap3A_233] {strides = array<i32>} : memref<3250xf32, #tpu.memory_space<vmem>>, vector<16xf32>,
    tpu.vector_store %arg7[%swap3A_233], %get3A_232 {strides = array<i32>} : memref<3250xf32, #tpu.memory_space<vmem>>, vector<16xf32>,
    %get3A_235 = arith.constant 816 : index
    %get3A_236 = tpu.vector_load %arg6[%get3A_235] {strides = array<i32>} : memref<3200xf32, #tpu.memory_space<vmem>>, vector<16xf32>,
    %swap3A_237 = arith.constant 828 : index
    %swap3A_238 = tpu.vector_load %arg7[%swap3A_237] {strides = array<i32>} : memref<3250xf32, #tpu.memory_space<vmem>>, vector<16xf32>,
    tpu.vector_store %arg7[%swap3A_237], %get3A_236 {strides = array<i32>} : memref<3250xf32, #tpu.memory_space<vmem>>, vector<16xf32>,
    %get3A_239 = arith.constant 832 : index
    %get3A_240 = tpu.vector_load %arg6[%get3A_239] {strides = array<i32>} : memref<3200xf32, #tpu.memory_space<vmem>>, vector<16xf32>,
    %swap3A_241 = arith.constant 845 : index
    %swap3A_242 = tpu.vector_load %arg7[%swap3A_241] {strides = array<i32>} : memref<3250xf32, #tpu.memory_space<vmem>>, vector<16xf32>,
    tpu.vector_store %arg7[%swap3A_241], %get3A_240 {strides = array<i32>} : memref<3250xf32, #tpu.memory_space<vmem>>, vector<16xf32>,
    %get3A_243 = arith.constant 848 : index
    %get3A_244 = tpu.vector_load %arg6[%get3A_243] {strides = array<i32>} : memref<3200xf32, #tpu.memory_space<vmem>>, vector<16xf32>,
    %swap3A_245 = arith.constant 861 : index
    %swap3A_246 = tpu.vector_load %arg7[%swap3A_245] {strides = array<i32>} : memref<3250xf32, #tpu.memory_space<vmem>>, vector<16xf32>,
    tpu.vector_store %arg7[%swap3A_245], %get3A_244 {strides = array<i32>} : memref<3250xf32, #tpu.memory_space<vmem>>, vector<16xf32>,
    %get3A_247 = arith.constant 864 : index
    %get3A_248 = tpu.vector_load %arg6[%get3A_247] {strides = array<i32>} : memref<3200xf32, #tpu.memory_space<vmem>>, vector<16xf32>,
    %swap3A_249 = arith.constant 877 : index
    %swap3A_250 = tpu.vector_load %arg7[%swap3A_249] {strides = array<i32>} : memref<3250xf32, #tpu.memory_space<vmem>>, vector<16xf32>,
    tpu.vector_store %arg7[%swap3A_249], %get3A_248 {strides = array<i32>} : memref<3250xf32, #tpu.memory_space<vmem>>, vector<16xf32>,
    %get3A_251 = arith.constant 880 : index
    %get3A_252 = tpu.vector_load %arg6[%get3A_251] {strides = array<i32>} : memref<3200xf32, #tpu.memory_space<vmem>>, vector<16xf32>,
    %swap3A_253 = arith.constant 893 : index
    %swap3A_254 = tpu.vector_load %arg7[%swap3A_253] {strides = array<i32>} : memref<3250xf32, #tpu.memory_space<vmem>>, vector<16xf32>,
    tpu.vector_store %arg7[%swap3A_253], %get3A_252 {strides = array<i32>} : memref<3250xf32, #tpu.memory_space<vmem>>, vector<16xf32>,
    %get3A_255 = arith.constant 896 : index
    %get3A_256 = tpu.vector_load %arg6[%get3A_255] {strides = array<i32>} : memref<3200xf32, #tpu.memory_space<vmem>>, vector<16xf32>,
    %swap3A_257 = arith.constant 910 : index
    %swap3A_258 = tpu.vector_load %arg7[%swap3A_257] {strides = array<i32>} : memref<3250xf32, #tpu.memory_space<vmem>>, vector<16xf32>,
    tpu.vector_store %arg7[%swap3A_257], %get3A_256 {strides = array<i32>} : memref<3250xf32, #tpu.memory_space<vmem>>, vector<16xf32>,
    %get3A_259 = arith.constant 912 : index
    %get3A_260 = tpu.vector_load %arg6[%get3A_259] {strides = array<i32>} : memref<3200xf32, #tpu.memory_space<vmem>>, vector<16xf32>,
    %swap3A_261 = arith.constant 926 : index
    %swap3A_262 = tpu.vector_load %arg7[%swap3A_261] {strides = array<i32>} : memref<3250xf32, #tpu.memory_space<vmem>>, vector<16xf32>,
    tpu.vector_store %arg7[%swap3A_261], %get3A_260 {strides = array<i32>} : memref<3250xf32, #tpu.memory_space<vmem>>, vector<16xf32>,
    %get3A_263 = arith.constant 928 : index
    %get3A_264 = tpu.vector_load %arg6[%get3A_263] {strides = array<i32>} : memref<3200xf32, #tpu.memory_space<vmem>>, vector<16xf32>,
    %swap3A_265 = arith.constant 942 : index
    %swap3A_266 = tpu.vector_load %arg7[%swap3A_265] {strides = array<i32>} : memref<3250xf32, #tpu.memory_space<vmem>>, vector<16xf32>,
    tpu.vector_store %arg7[%swap3A_265], %get3A_264 {strides = array<i32>} : memref<3250xf32, #tpu.memory_space<vmem>>, vector<16xf32>,
    %get3A_267 = arith.constant 944 : index
    %get3A_268 = tpu.vector_load %arg6[%get3A_267] {strides = array<i32>} : memref<3200xf32, #tpu.memory_space<vmem>>, vector<16xf32>,
    %swap3A_269 = arith.constant 958 : index
    %swap3A_270 = tpu.vector_load %arg7[%swap3A_269] {strides = array<i32>} : memref<3250xf32, #tpu.memory_space<vmem>>, vector<16xf32>,
    tpu.vector_store %arg7[%swap3A_269], %get3A_268 {strides = array<i32>} : memref<3250xf32, #tpu.memory_space<vmem>>, vector<16xf32>,
    %get3A_271 = arith.constant 960 : index
    %get3A_272 = tpu.vector_load %arg6[%get3A_271] {strides = array<i32>} : memref<3200xf32, #tpu.memory_space<vmem>>, vector<16xf32>,
    %swap3A_273 = arith.constant 975 : index
    %swap3A_274 = tpu.vector_load %arg7[%swap3A_273] {strides = array<i32>} : memref<3250xf32, #tpu.memory_space<vmem>>, vector<16xf32>,
    tpu.vector_store %arg7[%swap3A_273], %get3A_272 {strides = array<i32>} : memref<3250xf32, #tpu.memory_space<vmem>>, vector<16xf32>,
    %get3A_275 = arith.constant 976 : index
    %get3A_276 = tpu.vector_load %arg6[%get3A_275] {strides = array<i32>} : memref<3200xf32, #tpu.memory_space<vmem>>, vector<16xf32>,
    %swap3A_277 = arith.constant 991 : index
    %swap3A_278 = tpu.vector_load %arg7[%swap3A_277] {strides = array<i32>} : memref<3250xf32, #tpu.memory_space<vmem>>, vector<16xf32>,
    tpu.vector_store %arg7[%swap3A_277], %get3A_276 {strides = array<i32>} : memref<3250xf32, #tpu.memory_space<vmem>>, vector<16xf32>,
    %get3A_279 = arith.constant 992 : index
    %get3A_280 = tpu.vector_load %arg6[%get3A_279] {strides = array<i32>} : memref<3200xf32, #tpu.memory_space<vmem>>, vector<16xf32>,
    %swap3A_281 = arith.constant 1007 : index
    %swap3A_282 = tpu.vector_load %arg7[%swap3A_281] {strides = array<i32>} : memref<3250xf32, #tpu.memory_space<vmem>>, vector<16xf32>,
    tpu.vector_store %arg7[%swap3A_281], %get3A_280 {strides = array<i32>} : memref<3250xf32, #tpu.memory_space<vmem>>, vector<16xf32>,
    %get3A_283 = arith.constant 1008 : index
    %get3A_284 = tpu.vector_load %arg6[%get3A_283] {strides = array<i32>} : memref<3200xf32, #tpu.memory_space<vmem>>, vector<16xf32>,
    %swap3A_285 = arith.constant 1023 : index
    %swap3A_286 = tpu.vector_load %arg7[%swap3A_285] {strides = array<i32>} : memref<3250xf32, #tpu.memory_space<vmem>>, vector<16xf32>,
    tpu.vector_store %arg7[%swap3A_285], %get3A_284 {strides = array<i32>} : memref<3250xf32, #tpu.memory_space<vmem>>, vector<16xf32>,
    %get3A_287 = arith.constant 1024 : index
    %get3A_288 = tpu.vector_load %arg6[%get3A_287] {strides = array<i32>} : memref<3200xf32, #tpu.memory_space<vmem>>, vector<16xf32>,
    %swap3A_289 = arith.constant 1040 : index
    %swap3A_290 = tpu.vector_load %arg7[%swap3A_289] {strides = array<i32>} : memref<3250xf32, #tpu.memory_space<vmem>>, vector<16xf32>,
    tpu.vector_store %arg7[%swap3A_289], %get3A_288 {strides = array<i32>} : memref<3250xf32, #tpu.memory_space<vmem>>, vector<16xf32>,
    %get3A_291 = arith.constant 1040 : index
    %get3A_292 = tpu.vector_load %arg6[%get3A_291] {strides = array<i32>} : memref<3200xf32, #tpu.memory_space<vmem>>, vector<16xf32>,
    %swap3A_293 = arith.constant 1056 : index
    %swap3A_294 = tpu.vector_load %arg7[%swap3A_293] {strides = array<i32>} : memref<3250xf32, #tpu.memory_space<vmem>>, vector<16xf32>,
    tpu.vector_store %arg7[%swap3A_293], %get3A_292 {strides = array<i32>} : memref<3250xf32, #tpu.memory_space<vmem>>, vector<16xf32>,
    %get3A_295 = arith.constant 1056 : index
    %get3A_296 = tpu.vector_load %arg6[%get3A_295] {strides = array<i32>} : memref<3200xf32, #tpu.memory_space<vmem>>, vector<16xf32>,
    %swap3A_297 = arith.constant 1072 : index
    %swap3A_298 = tpu.vector_load %arg7[%swap3A_297] {strides = array<i32>} : memref<3250xf32, #tpu.memory_space<vmem>>, vector<16xf32>,
    tpu.vector_store %arg7[%swap3A_297], %get3A_296 {strides = array<i32>} : memref<3250xf32, #tpu.memory_space<vmem>>, vector<16xf32>,
    %get3A_299 = arith.constant 1072 : index
    %get3A_300 = tpu.vector_load %arg6[%get3A_299] {strides = array<i32>} : memref<3200xf32, #tpu.memory_space<vmem>>, vector<16xf32>,
    %swap3A_301 = arith.constant 1088 : index
    %swap3A_302 = tpu.vector_load %arg7[%swap3A_301] {strides = array<i32>} : memref<3250xf32, #tpu.memory_space<vmem>>, vector<16xf32>,
    tpu.vector_store %arg7[%swap3A_301], %get3A_300 {strides = array<i32>} : memref<3250xf32, #tpu.memory_space<vmem>>, vector<16xf32>,
    %get3A_303 = arith.constant 1088 : index
    %get3A_304 = tpu.vector_load %arg6[%get3A_303] {strides = array<i32>} : memref<3200xf32, #tpu.memory_space<vmem>>, vector<16xf32>,
    %swap3A_305 = arith.constant 1105 : index
    %swap3A_306 = tpu.vector_load %arg7[%swap3A_305] {strides = array<i32>} : memref<3250xf32, #tpu.memory_space<vmem>>, vector<16xf32>,
    tpu.vector_store %arg7[%swap3A_305], %get3A_304 {strides = array<i32>} : memref<3250xf32, #tpu.memory_space<vmem>>, vector<16xf32>,
    %get3A_307 = arith.constant 1104 : index
    %get3A_308 = tpu.vector_load %arg6[%get3A_307] {strides = array<i32>} : memref<3200xf32, #tpu.memory_space<vmem>>, vector<16xf32>,
    %swap3A_309 = arith.constant 1121 : index
    %swap3A_310 = tpu.vector_load %arg7[%swap3A_309] {strides = array<i32>} : memref<3250xf32, #tpu.memory_space<vmem>>, vector<16xf32>,
    tpu.vector_store %arg7[%swap3A_309], %get3A_308 {strides = array<i32>} : memref<3250xf32, #tpu.memory_space<vmem>>, vector<16xf32>,
    %get3A_311 = arith.constant 1120 : index
    %get3A_312 = tpu.vector_load %arg6[%get3A_311] {strides = array<i32>} : memref<3200xf32, #tpu.memory_space<vmem>>, vector<16xf32>,
    %swap3A_313 = arith.constant 1137 : index
    %swap3A_314 = tpu.vector_load %arg7[%swap3A_313] {strides = array<i32>} : memref<3250xf32, #tpu.memory_space<vmem>>, vector<16xf32>,
    tpu.vector_store %arg7[%swap3A_313], %get3A_312 {strides = array<i32>} : memref<3250xf32, #tpu.memory_space<vmem>>, vector<16xf32>,
    %get3A_315 = arith.constant 1136 : index
    %get3A_316 = tpu.vector_load %arg6[%get3A_315] {strides = array<i32>} : memref<3200xf32, #tpu.memory_space<vmem>>, vector<16xf32>,
    %swap3A_317 = arith.constant 1153 : index
    %swap3A_318 = tpu.vector_load %arg7[%swap3A_317] {strides = array<i32>} : memref<3250xf32, #tpu.memory_space<vmem>>, vector<16xf32>,
    tpu.vector_store %arg7[%swap3A_317], %get3A_316 {strides = array<i32>} : memref<3250xf32, #tpu.memory_space<vmem>>, vector<16xf32>,
    %get3A_319 = arith.constant 1152 : index
    %get3A_320 = tpu.vector_load %arg6[%get3A_319] {strides = array<i32>} : memref<3200xf32, #tpu.memory_space<vmem>>, vector<16xf32>,
    %swap3A_321 = arith.constant 1170 : index
    %swap3A_322 = tpu.vector_load %arg7[%swap3A_321] {strides = array<i32>} : memref<3250xf32, #tpu.memory_space<vmem>>, vector<16xf32>,
    tpu.vector_store %arg7[%swap3A_321], %get3A_320 {strides = array<i32>} : memref<3250xf32, #tpu.memory_space<vmem>>, vector<16xf32>,
    %get3A_323 = arith.constant 1168 : index
    %get3A_324 = tpu.vector_load %arg6[%get3A_323] {strides = array<i32>} : memref<3200xf32, #tpu.memory_space<vmem>>, vector<16xf32>,
    %swap3A_325 = arith.constant 1186 : index
    %swap3A_326 = tpu.vector_load %arg7[%swap3A_325] {strides = array<i32>} : memref<3250xf32, #tpu.memory_space<vmem>>, vector<16xf32>,
    tpu.vector_store %arg7[%swap3A_325], %get3A_324 {strides = array<i32>} : memref<3250xf32, #tpu.memory_space<vmem>>, vector<16xf32>,
    %get3A_327 = arith.constant 1184 : index
    %get3A_328 = tpu.vector_load %arg6[%get3A_327] {strides = array<i32>} : memref<3200xf32, #tpu.memory_space<vmem>>, vector<16xf32>,
    %swap3A_329 = arith.constant 1202 : index
    %swap3A_330 = tpu.vector_load %arg7[%swap3A_329] {strides = array<i32>} : memref<3250xf32, #tpu.memory_space<vmem>>, vector<16xf32>,
    tpu.vector_store %arg7[%swap3A_329], %get3A_328 {strides = array<i32>} : memref<3250xf32, #tpu.memory_space<vmem>>, vector<16xf32>,
    %get3A_331 = arith.constant 1200 : index
    %get3A_332 = tpu.vector_load %arg6[%get3A_331] {strides = array<i32>} : memref<3200xf32, #tpu.memory_space<vmem>>, vector<16xf32>,
    %swap3A_333 = arith.constant 1218 : index
    %swap3A_334 = tpu.vector_load %arg7[%swap3A_333] {strides = array<i32>} : memref<3250xf32, #tpu.memory_space<vmem>>, vector<16xf32>,
    tpu.vector_store %arg7[%swap3A_333], %get3A_332 {strides = array<i32>} : memref<3250xf32, #tpu.memory_space<vmem>>, vector<16xf32>,
    %get3A_335 = arith.constant 1216 : index
    %get3A_336 = tpu.vector_load %arg6[%get3A_335] {strides = array<i32>} : memref<3200xf32, #tpu.memory_space<vmem>>, vector<16xf32>,
    %swap3A_337 = arith.constant 1235 : index
    %swap3A_338 = tpu.vector_load %arg7[%swap3A_337] {strides = array<i32>} : memref<3250xf32, #tpu.memory_space<vmem>>, vector<16xf32>,
    tpu.vector_store %arg7[%swap3A_337], %get3A_336 {strides = array<i32>} : memref<3250xf32, #tpu.memory_space<vmem>>, vector<16xf32>,
    %get3A_339 = arith.constant 1232 : index
    %get3A_340 = tpu.vector_load %arg6[%get3A_339] {strides = array<i32>} : memref<3200xf32, #tpu.memory_space<vmem>>, vector<16xf32>,
    %swap3A_341 = arith.constant 1251 : index
    %swap3A_342 = tpu.vector_load %arg7[%swap3A_341] {strides = array<i32>} : memref<3250xf32, #tpu.memory_space<vmem>>, vector<16xf32>,
    tpu.vector_store %arg7[%swap3A_341], %get3A_340 {strides = array<i32>} : memref<3250xf32, #tpu.memory_space<vmem>>, vector<16xf32>,
    %get3A_343 = arith.constant 1248 : index
    %get3A_344 = tpu.vector_load %arg6[%get3A_343] {strides = array<i32>} : memref<3200xf32, #tpu.memory_space<vmem>>, vector<16xf32>,
    %swap3A_345 = arith.constant 1267 : index
    %swap3A_346 = tpu.vector_load %arg7[%swap3A_345] {strides = array<i32>} : memref<3250xf32, #tpu.memory_space<vmem>>, vector<16xf32>,
    tpu.vector_store %arg7[%swap3A_345], %get3A_344 {strides = array<i32>} : memref<3250xf32, #tpu.memory_space<vmem>>, vector<16xf32>,
    %get3A_347 = arith.constant 1264 : index
    %get3A_348 = tpu.vector_load %arg6[%get3A_347] {strides = array<i32>} : memref<3200xf32, #tpu.memory_space<vmem>>, vector<16xf32>,
    %swap3A_349 = arith.constant 1283 : index
    %swap3A_350 = tpu.vector_load %arg7[%swap3A_349] {strides = array<i32>} : memref<3250xf32, #tpu.memory_space<vmem>>, vector<16xf32>,
    tpu.vector_store %arg7[%swap3A_349], %get3A_348 {strides = array<i32>} : memref<3250xf32, #tpu.memory_space<vmem>>, vector<16xf32>,
    %get3A_351 = arith.constant 1280 : index
    %get3A_352 = tpu.vector_load %arg6[%get3A_351] {strides = array<i32>} : memref<3200xf32, #tpu.memory_space<vmem>>, vector<16xf32>,
    %swap3A_353 = arith.constant 1300 : index
    %swap3A_354 = tpu.vector_load %arg7[%swap3A_353] {strides = array<i32>} : memref<3250xf32, #tpu.memory_space<vmem>>, vector<16xf32>,
    tpu.vector_store %arg7[%swap3A_353], %get3A_352 {strides = array<i32>} : memref<3250xf32, #tpu.memory_space<vmem>>, vector<16xf32>,
    %get3A_355 = arith.constant 1296 : index
    %get3A_356 = tpu.vector_load %arg6[%get3A_355] {strides = array<i32>} : memref<3200xf32, #tpu.memory_space<vmem>>, vector<16xf32>,
    %swap3A_357 = arith.constant 1316 : index
    %swap3A_358 = tpu.vector_load %arg7[%swap3A_357] {strides = array<i32>} : memref<3250xf32, #tpu.memory_space<vmem>>, vector<16xf32>,
    tpu.vector_store %arg7[%swap3A_357], %get3A_356 {strides = array<i32>} : memref<3250xf32, #tpu.memory_space<vmem>>, vector<16xf32>,
    %get3A_359 = arith.constant 1312 : index
    %get3A_360 = tpu.vector_load %arg6[%get3A_359] {strides = array<i32>} : memref<3200xf32, #tpu.memory_space<vmem>>, vector<16xf32>,
    %swap3A_361 = arith.constant 1332 : index
    %swap3A_362 = tpu.vector_load %arg7[%swap3A_361] {strides = array<i32>} : memref<3250xf32, #tpu.memory_space<vmem>>, vector<16xf32>,
    tpu.vector_store %arg7[%swap3A_361], %get3A_360 {strides = array<i32>} : memref<3250xf32, #tpu.memory_space<vmem>>, vector<16xf32>,
    %get3A_363 = arith.constant 1328 : index
    %get3A_364 = tpu.vector_load %arg6[%get3A_363] {strides = array<i32>} : memref<3200xf32, #tpu.memory_space<vmem>>, vector<16xf32>,
    %swap3A_365 = arith.constant 1348 : index
    %swap3A_366 = tpu.vector_load %arg7[%swap3A_365] {strides = array<i32>} : memref<3250xf32, #tpu.memory_space<vmem>>, vector<16xf32>,
    tpu.vector_store %arg7[%swap3A_365], %get3A_364 {strides = array<i32>} : memref<3250xf32, #tpu.memory_space<vmem>>, vector<16xf32>,
    %get3A_367 = arith.constant 1344 : index
    %get3A_368 = tpu.vector_load %arg6[%get3A_367] {strides = array<i32>} : memref<3200xf32, #tpu.memory_space<vmem>>, vector<16xf32>,
    %swap3A_369 = arith.constant 1365 : index
    %swap3A_370 = tpu.vector_load %arg7[%swap3A_369] {strides = array<i32>} : memref<3250xf32, #tpu.memory_space<vmem>>, vector<16xf32>,
    tpu.vector_store %arg7[%swap3A_369], %get3A_368 {strides = array<i32>} : memref<3250xf32, #tpu.memory_space<vmem>>, vector<16xf32>,
    %get3A_371 = arith.constant 1360 : index
    %get3A_372 = tpu.vector_load %arg6[%get3A_371] {strides = array<i32>} : memref<3200xf32, #tpu.memory_space<vmem>>, vector<16xf32>,
    %swap3A_373 = arith.constant 1381 : index
    %swap3A_374 = tpu.vector_load %arg7[%swap3A_373] {strides = array<i32>} : memref<3250xf32, #tpu.memory_space<vmem>>, vector<16xf32>,
    tpu.vector_store %arg7[%swap3A_373], %get3A_372 {strides = array<i32>} : memref<3250xf32, #tpu.memory_space<vmem>>, vector<16xf32>,
    %get3A_375 = arith.constant 1376 : index
    %get3A_376 = tpu.vector_load %arg6[%get3A_375] {strides = array<i32>} : memref<3200xf32, #tpu.memory_space<vmem>>, vector<16xf32>,
    %swap3A_377 = arith.constant 1397 : index
    %swap3A_378 = tpu.vector_load %arg7[%swap3A_377] {strides = array<i32>} : memref<3250xf32, #tpu.memory_space<vmem>>, vector<16xf32>,
    tpu.vector_store %arg7[%swap3A_377], %get3A_376 {strides = array<i32>} : memref<3250xf32, #tpu.memory_space<vmem>>, vector<16xf32>,
    %get3A_379 = arith.constant 1392 : index
    %get3A_380 = tpu.vector_load %arg6[%get3A_379] {strides = array<i32>} : memref<3200xf32, #tpu.memory_space<vmem>>, vector<16xf32>,
    %swap3A_381 = arith.constant 1413 : index
    %swap3A_382 = tpu.vector_load %arg7[%swap3A_381] {strides = array<i32>} : memref<3250xf32, #tpu.memory_space<vmem>>, vector<16xf32>,
    tpu.vector_store %arg7[%swap3A_381], %get3A_380 {strides = array<i32>} : memref<3250xf32, #tpu.memory_space<vmem>>, vector<16xf32>,
    %get3A_383 = arith.constant 1408 : index
    %get3A_384 = tpu.vector_load %arg6[%get3A_383] {strides = array<i32>} : memref<3200xf32, #tpu.memory_space<vmem>>, vector<16xf32>,
    %swap3A_385 = arith.constant 1430 : index
    %swap3A_386 = tpu.vector_load %arg7[%swap3A_385] {strides = array<i32>} : memref<3250xf32, #tpu.memory_space<vmem>>, vector<16xf32>,
    tpu.vector_store %arg7[%swap3A_385], %get3A_384 {strides = array<i32>} : memref<3250xf32, #tpu.memory_space<vmem>>, vector<16xf32>,
    %get3A_387 = arith.constant 1424 : index
    %get3A_388 = tpu.vector_load %arg6[%get3A_387] {strides = array<i32>} : memref<3200xf32, #tpu.memory_space<vmem>>, vector<16xf32>,
    %swap3A_389 = arith.constant 1446 : index
    %swap3A_390 = tpu.vector_load %arg7[%swap3A_389] {strides = array<i32>} : memref<3250xf32, #tpu.memory_space<vmem>>, vector<16xf32>,
    tpu.vector_store %arg7[%swap3A_389], %get3A_388 {strides = array<i32>} : memref<3250xf32, #tpu.memory_space<vmem>>, vector<16xf32>,
    %get3A_391 = arith.constant 1440 : index
    %get3A_392 = tpu.vector_load %arg6[%get3A_391] {strides = array<i32>} : memref<3200xf32, #tpu.memory_space<vmem>>, vector<16xf32>,
    %swap3A_393 = arith.constant 1462 : index
    %swap3A_394 = tpu.vector_load %arg7[%swap3A_393] {strides = array<i32>} : memref<3250xf32, #tpu.memory_space<vmem>>, vector<16xf32>,
    tpu.vector_store %arg7[%swap3A_393], %get3A_392 {strides = array<i32>} : memref<3250xf32, #tpu.memory_space<vmem>>, vector<16xf32>,
    %get3A_395 = arith.constant 1456 : index
    %get3A_396 = tpu.vector_load %arg6[%get3A_395] {strides = array<i32>} : memref<3200xf32, #tpu.memory_space<vmem>>, vector<16xf32>,
    %swap3A_397 = arith.constant 1478 : index
    %swap3A_398 = tpu.vector_load %arg7[%swap3A_397] {strides = array<i32>} : memref<3250xf32, #tpu.memory_space<vmem>>, vector<16xf32>,
    tpu.vector_store %arg7[%swap3A_397], %get3A_396 {strides = array<i32>} : memref<3250xf32, #tpu.memory_space<vmem>>, vector<16xf32>,
    %get3A_399 = arith.constant 1472 : index
    %get3A_400 = tpu.vector_load %arg6[%get3A_399] {strides = array<i32>} : memref<3200xf32, #tpu.memory_space<vmem>>, vector<16xf32>,
    %swap3A_401 = arith.constant 1495 : index
    %swap3A_402 = tpu.vector_load %arg7[%swap3A_401] {strides = array<i32>} : memref<3250xf32, #tpu.memory_space<vmem>>, vector<16xf32>,
    tpu.vector_store %arg7[%swap3A_401], %get3A_400 {strides = array<i32>} : memref<3250xf32, #tpu.memory_space<vmem>>, vector<16xf32>,
    %get3A_403 = arith.constant 1488 : index
    %get3A_404 = tpu.vector_load %arg6[%get3A_403] {strides = array<i32>} : memref<3200xf32, #tpu.memory_space<vmem>>, vector<16xf32>,
    %swap3A_405 = arith.constant 1511 : index
    %swap3A_406 = tpu.vector_load %arg7[%swap3A_405] {strides = array<i32>} : memref<3250xf32, #tpu.memory_space<vmem>>, vector<16xf32>,
    tpu.vector_store %arg7[%swap3A_405], %get3A_404 {strides = array<i32>} : memref<3250xf32, #tpu.memory_space<vmem>>, vector<16xf32>,
    %get3A_407 = arith.constant 1504 : index
    %get3A_408 = tpu.vector_load %arg6[%get3A_407] {strides = array<i32>} : memref<3200xf32, #tpu.memory_space<vmem>>, vector<16xf32>,
    %swap3A_409 = arith.constant 1527 : index
    %swap3A_410 = tpu.vector_load %arg7[%swap3A_409] {strides = array<i32>} : memref<3250xf32, #tpu.memory_space<vmem>>, vector<16xf32>,
    tpu.vector_store %arg7[%swap3A_409], %get3A_408 {strides = array<i32>} : memref<3250xf32, #tpu.memory_space<vmem>>, vector<16xf32>,
    %get3A_411 = arith.constant 1520 : index
    %get3A_412 = tpu.vector_load %arg6[%get3A_411] {strides = array<i32>} : memref<3200xf32, #tpu.memory_space<vmem>>, vector<16xf32>,
    %swap3A_413 = arith.constant 1543 : index
    %swap3A_414 = tpu.vector_load %arg7[%swap3A_413] {strides = array<i32>} : memref<3250xf32, #tpu.memory_space<vmem>>, vector<16xf32>,
    tpu.vector_store %arg7[%swap3A_413], %get3A_412 {strides = array<i32>} : memref<3250xf32, #tpu.memory_space<vmem>>, vector<16xf32>,
    %get3A_415 = arith.constant 1536 : index
    %get3A_416 = tpu.vector_load %arg6[%get3A_415] {strides = array<i32>} : memref<3200xf32, #tpu.memory_space<vmem>>, vector<16xf32>,
    %swap3A_417 = arith.constant 1560 : index
    %swap3A_418 = tpu.vector_load %arg7[%swap3A_417] {strides = array<i32>} : memref<3250xf32, #tpu.memory_space<vmem>>, vector<16xf32>,
    tpu.vector_store %arg7[%swap3A_417], %get3A_416 {strides = array<i32>} : memref<3250xf32, #tpu.memory_space<vmem>>, vector<16xf32>,
    %get3A_419 = arith.constant 1552 : index
    %get3A_420 = tpu.vector_load %arg6[%get3A_419] {strides = array<i32>} : memref<3200xf32, #tpu.memory_space<vmem>>, vector<16xf32>,
    %swap3A_421 = arith.constant 1576 : index
    %swap3A_422 = tpu.vector_load %arg7[%swap3A_421] {strides = array<i32>} : memref<3250xf32, #tpu.memory_space<vmem>>, vector<16xf32>,
    tpu.vector_store %arg7[%swap3A_421], %get3A_420 {strides = array<i32>} : memref<3250xf32, #tpu.memory_space<vmem>>, vector<16xf32>,
    %get3A_423 = arith.constant 1568 : index
    %get3A_424 = tpu.vector_load %arg6[%get3A_423] {strides = array<i32>} : memref<3200xf32, #tpu.memory_space<vmem>>, vector<16xf32>,
    %swap3A_425 = arith.constant 1592 : index
    %swap3A_426 = tpu.vector_load %arg7[%swap3A_425] {strides = array<i32>} : memref<3250xf32, #tpu.memory_space<vmem>>, vector<16xf32>,
    tpu.vector_store %arg7[%swap3A_425], %get3A_424 {strides = array<i32>} : memref<3250xf32, #tpu.memory_space<vmem>>, vector<16xf32>,
    %get3A_427 = arith.constant 1584 : index
    %get3A_428 = tpu.vector_load %arg6[%get3A_427] {strides = array<i32>} : memref<3200xf32, #tpu.memory_space<vmem>>, vector<16xf32>,
    %swap3A_429 = arith.constant 1608 : index
    %swap3A_430 = tpu.vector_load %arg7[%swap3A_429] {strides = array<i32>} : memref<3250xf32, #tpu.memory_space<vmem>>, vector<16xf32>,
    tpu.vector_store %arg7[%swap3A_429], %get3A_428 {strides = array<i32>} : memref<3250xf32, #tpu.memory_space<vmem>>, vector<16xf32>,
    %get3A_431 = arith.constant 1600 : index
    %get3A_432 = tpu.vector_load %arg6[%get3A_431] {strides = array<i32>} : memref<3200xf32, #tpu.memory_space<vmem>>, vector<16xf32>,
    %swap3A_433 = arith.constant 1625 : index
    %swap3A_434 = tpu.vector_load %arg7[%swap3A_433] {strides = array<i32>} : memref<3250xf32, #tpu.memory_space<vmem>>, vector<16xf32>,
    tpu.vector_store %arg7[%swap3A_433], %get3A_432 {strides = array<i32>} : memref<3250xf32, #tpu.memory_space<vmem>>, vector<16xf32>,
    %get3A_435 = arith.constant 1616 : index
    %get3A_436 = tpu.vector_load %arg6[%get3A_435] {strides = array<i32>} : memref<3200xf32, #tpu.memory_space<vmem>>, vector<16xf32>,
    %swap3A_437 = arith.constant 1641 : index
    %swap3A_438 = tpu.vector_load %arg7[%swap3A_437] {strides = array<i32>} : memref<3250xf32, #tpu.memory_space<vmem>>, vector<16xf32>,
    tpu.vector_store %arg7[%swap3A_437], %get3A_436 {strides = array<i32>} : memref<3250xf32, #tpu.memory_space<vmem>>, vector<16xf32>,
    %get3A_439 = arith.constant 1632 : index
    %get3A_440 = tpu.vector_load %arg6[%get3A_439] {strides = array<i32>} : memref<3200xf32, #tpu.memory_space<vmem>>, vector<16xf32>,
    %swap3A_441 = arith.constant 1657 : index
    %swap3A_442 = tpu.vector_load %arg7[%swap3A_441] {strides = array<i32>} : memref<3250xf32, #tpu.memory_space<vmem>>, vector<16xf32>,
    tpu.vector_store %arg7[%swap3A_441], %get3A_440 {strides = array<i32>} : memref<3250xf32, #tpu.memory_space<vmem>>, vector<16xf32>,
    %get3A_443 = arith.constant 1648 : index
    %get3A_444 = tpu.vector_load %arg6[%get3A_443] {strides = array<i32>} : memref<3200xf32, #tpu.memory_space<vmem>>, vector<16xf32>,
    %swap3A_445 = arith.constant 1673 : index
    %swap3A_446 = tpu.vector_load %arg7[%swap3A_445] {strides = array<i32>} : memref<3250xf32, #tpu.memory_space<vmem>>, vector<16xf32>,
    tpu.vector_store %arg7[%swap3A_445], %get3A_444 {strides = array<i32>} : memref<3250xf32, #tpu.memory_space<vmem>>, vector<16xf32>,
    %get3A_447 = arith.constant 1664 : index
    %get3A_448 = tpu.vector_load %arg6[%get3A_447] {strides = array<i32>} : memref<3200xf32, #tpu.memory_space<vmem>>, vector<16xf32>,
    %swap3A_449 = arith.constant 1690 : index
    %swap3A_450 = tpu.vector_load %arg7[%swap3A_449] {strides = array<i32>} : memref<3250xf32, #tpu.memory_space<vmem>>, vector<16xf32>,
    tpu.vector_store %arg7[%swap3A_449], %get3A_448 {strides = array<i32>} : memref<3250xf32, #tpu.memory_space<vmem>>, vector<16xf32>,
    %get3A_451 = arith.constant 1680 : index
    %get3A_452 = tpu.vector_load %arg6[%get3A_451] {strides = array<i32>} : memref<3200xf32, #tpu.memory_space<vmem>>, vector<16xf32>,
    %swap3A_453 = arith.constant 1706 : index
    %swap3A_454 = tpu.vector_load %arg7[%swap3A_453] {strides = array<i32>} : memref<3250xf32, #tpu.memory_space<vmem>>, vector<16xf32>,
    tpu.vector_store %arg7[%swap3A_453], %get3A_452 {strides = array<i32>} : memref<3250xf32, #tpu.memory_space<vmem>>, vector<16xf32>,
    %get3A_455 = arith.constant 1696 : index
    %get3A_456 = tpu.vector_load %arg6[%get3A_455] {strides = array<i32>} : memref<3200xf32, #tpu.memory_space<vmem>>, vector<16xf32>,
    %swap3A_457 = arith.constant 1722 : index
    %swap3A_458 = tpu.vector_load %arg7[%swap3A_457] {strides = array<i32>} : memref<3250xf32, #tpu.memory_space<vmem>>, vector<16xf32>,
    tpu.vector_store %arg7[%swap3A_457], %get3A_456 {strides = array<i32>} : memref<3250xf32, #tpu.memory_space<vmem>>, vector<16xf32>,
    %get3A_459 = arith.constant 1712 : index
    %get3A_460 = tpu.vector_load %arg6[%get3A_459] {strides = array<i32>} : memref<3200xf32, #tpu.memory_space<vmem>>, vector<16xf32>,
    %swap3A_461 = arith.constant 1738 : index
    %swap3A_462 = tpu.vector_load %arg7[%swap3A_461] {strides = array<i32>} : memref<3250xf32, #tpu.memory_space<vmem>>, vector<16xf32>,
    tpu.vector_store %arg7[%swap3A_461], %get3A_460 {strides = array<i32>} : memref<3250xf32, #tpu.memory_space<vmem>>, vector<16xf32>,
    %get3A_463 = arith.constant 1728 : index
    %get3A_464 = tpu.vector_load %arg6[%get3A_463] {strides = array<i32>} : memref<3200xf32, #tpu.memory_space<vmem>>, vector<16xf32>,
    %swap3A_465 = arith.constant 1755 : index
    %swap3A_466 = tpu.vector_load %arg7[%swap3A_465] {strides = array<i32>} : memref<3250xf32, #tpu.memory_space<vmem>>, vector<16xf32>,
    tpu.vector_store %arg7[%swap3A_465], %get3A_464 {strides = array<i32>} : memref<3250xf32, #tpu.memory_space<vmem>>, vector<16xf32>,
    %get3A_467 = arith.constant 1744 : index
    %get3A_468 = tpu.vector_load %arg6[%get3A_467] {strides = array<i32>} : memref<3200xf32, #tpu.memory_space<vmem>>, vector<16xf32>,
    %swap3A_469 = arith.constant 1771 : index
    %swap3A_470 = tpu.vector_load %arg7[%swap3A_469] {strides = array<i32>} : memref<3250xf32, #tpu.memory_space<vmem>>, vector<16xf32>,
    tpu.vector_store %arg7[%swap3A_469], %get3A_468 {strides = array<i32>} : memref<3250xf32, #tpu.memory_space<vmem>>, vector<16xf32>,
    %get3A_471 = arith.constant 1760 : index
    %get3A_472 = tpu.vector_load %arg6[%get3A_471] {strides = array<i32>} : memref<3200xf32, #tpu.memory_space<vmem>>, vector<16xf32>,
    %swap3A_473 = arith.constant 1787 : index
    %swap3A_474 = tpu.vector_load %arg7[%swap3A_473] {strides = array<i32>} : memref<3250xf32, #tpu.memory_space<vmem>>, vector<16xf32>,
    tpu.vector_store %arg7[%swap3A_473], %get3A_472 {strides = array<i32>} : memref<3250xf32, #tpu.memory_space<vmem>>, vector<16xf32>,
    %get3A_475 = arith.constant 1776 : index
    %get3A_476 = tpu.vector_load %arg6[%get3A_475] {strides = array<i32>} : memref<3200xf32, #tpu.memory_space<vmem>>, vector<16xf32>,
    %swap3A_477 = arith.constant 1803 : index
    %swap3A_478 = tpu.vector_load %arg7[%swap3A_477] {strides = array<i32>} : memref<3250xf32, #tpu.memory_space<vmem>>, vector<16xf32>,
    tpu.vector_store %arg7[%swap3A_477], %get3A_476 {strides = array<i32>} : memref<3250xf32, #tpu.memory_space<vmem>>, vector<16xf32>,
    %get3A_479 = arith.constant 1792 : index
    %get3A_480 = tpu.vector_load %arg6[%get3A_479] {strides = array<i32>} : memref<3200xf32, #tpu.memory_space<vmem>>, vector<16xf32>,
    %swap3A_481 = arith.constant 1820 : index
    %swap3A_482 = tpu.vector_load %arg7[%swap3A_481] {strides = array<i32>} : memref<3250xf32, #tpu.memory_space<vmem>>, vector<16xf32>,
    tpu.vector_store %arg7[%swap3A_481], %get3A_480 {strides = array<i32>} : memref<3250xf32, #tpu.memory_space<vmem>>, vector<16xf32>,
    %get3A_483 = arith.constant 1808 : index
    %get3A_484 = tpu.vector_load %arg6[%get3A_483] {strides = array<i32>} : memref<3200xf32, #tpu.memory_space<vmem>>, vector<16xf32>,
    %swap3A_485 = arith.constant 1836 : index
    %swap3A_486 = tpu.vector_load %arg7[%swap3A_485] {strides = array<i32>} : memref<3250xf32, #tpu.memory_space<vmem>>, vector<16xf32>,
    tpu.vector_store %arg7[%swap3A_485], %get3A_484 {strides = array<i32>} : memref<3250xf32, #tpu.memory_space<vmem>>, vector<16xf32>,
    %get3A_487 = arith.constant 1824 : index
    %get3A_488 = tpu.vector_load %arg6[%get3A_487] {strides = array<i32>} : memref<3200xf32, #tpu.memory_space<vmem>>, vector<16xf32>,
    %swap3A_489 = arith.constant 1852 : index
    %swap3A_490 = tpu.vector_load %arg7[%swap3A_489] {strides = array<i32>} : memref<3250xf32, #tpu.memory_space<vmem>>, vector<16xf32>,
    tpu.vector_store %arg7[%swap3A_489], %get3A_488 {strides = array<i32>} : memref<3250xf32, #tpu.memory_space<vmem>>, vector<16xf32>,
    %get3A_491 = arith.constant 1840 : index
    %get3A_492 = tpu.vector_load %arg6[%get3A_491] {strides = array<i32>} : memref<3200xf32, #tpu.memory_space<vmem>>, vector<16xf32>,
    %swap3A_493 = arith.constant 1868 : index
    %swap3A_494 = tpu.vector_load %arg7[%swap3A_493] {strides = array<i32>} : memref<3250xf32, #tpu.memory_space<vmem>>, vector<16xf32>,
    tpu.vector_store %arg7[%swap3A_493], %get3A_492 {strides = array<i32>} : memref<3250xf32, #tpu.memory_space<vmem>>, vector<16xf32>,
    %get3A_495 = arith.constant 1856 : index
    %get3A_496 = tpu.vector_load %arg6[%get3A_495] {strides = array<i32>} : memref<3200xf32, #tpu.memory_space<vmem>>, vector<16xf32>,
    %swap3A_497 = arith.constant 1885 : index
    %swap3A_498 = tpu.vector_load %arg7[%swap3A_497] {strides = array<i32>} : memref<3250xf32, #tpu.memory_space<vmem>>, vector<16xf32>,
    tpu.vector_store %arg7[%swap3A_497], %get3A_496 {strides = array<i32>} : memref<3250xf32, #tpu.memory_space<vmem>>, vector<16xf32>,
    %get3A_499 = arith.constant 1872 : index
    %get3A_500 = tpu.vector_load %arg6[%get3A_499] {strides = array<i32>} : memref<3200xf32, #tpu.memory_space<vmem>>, vector<16xf32>,
    %swap3A_501 = arith.constant 1901 : index
    %swap3A_502 = tpu.vector_load %arg7[%swap3A_501] {strides = array<i32>} : memref<3250xf32, #tpu.memory_space<vmem>>, vector<16xf32>,
    tpu.vector_store %arg7[%swap3A_501], %get3A_500 {strides = array<i32>} : memref<3250xf32, #tpu.memory_space<vmem>>, vector<16xf32>,
    %get3A_503 = arith.constant 1888 : index
    %get3A_504 = tpu.vector_load %arg6[%get3A_503] {strides = array<i32>} : memref<3200xf32, #tpu.memory_space<vmem>>, vector<16xf32>,
    %swap3A_505 = arith.constant 1917 : index
    %swap3A_506 = tpu.vector_load %arg7[%swap3A_505] {strides = array<i32>} : memref<3250xf32, #tpu.memory_space<vmem>>, vector<16xf32>,
    tpu.vector_store %arg7[%swap3A_505], %get3A_504 {strides = array<i32>} : memref<3250xf32, #tpu.memory_space<vmem>>, vector<16xf32>,
    %get3A_507 = arith.constant 1904 : index
    %get3A_508 = tpu.vector_load %arg6[%get3A_507] {strides = array<i32>} : memref<3200xf32, #tpu.memory_space<vmem>>, vector<16xf32>,
    %swap3A_509 = arith.constant 1933 : index
    %swap3A_510 = tpu.vector_load %arg7[%swap3A_509] {strides = array<i32>} : memref<3250xf32, #tpu.memory_space<vmem>>, vector<16xf32>,
    tpu.vector_store %arg7[%swap3A_509], %get3A_508 {strides = array<i32>} : memref<3250xf32, #tpu.memory_space<vmem>>, vector<16xf32>,
    %get3A_511 = arith.constant 1920 : index
    %get3A_512 = tpu.vector_load %arg6[%get3A_511] {strides = array<i32>} : memref<3200xf32, #tpu.memory_space<vmem>>, vector<16xf32>,
    %swap3A_513 = arith.constant 1950 : index
    %swap3A_514 = tpu.vector_load %arg7[%swap3A_513] {strides = array<i32>} : memref<3250xf32, #tpu.memory_space<vmem>>, vector<16xf32>,
    tpu.vector_store %arg7[%swap3A_513], %get3A_512 {strides = array<i32>} : memref<3250xf32, #tpu.memory_space<vmem>>, vector<16xf32>,
    %get3A_515 = arith.constant 1936 : index
    %get3A_516 = tpu.vector_load %arg6[%get3A_515] {strides = array<i32>} : memref<3200xf32, #tpu.memory_space<vmem>>, vector<16xf32>,
    %swap3A_517 = arith.constant 1966 : index
    %swap3A_518 = tpu.vector_load %arg7[%swap3A_517] {strides = array<i32>} : memref<3250xf32, #tpu.memory_space<vmem>>, vector<16xf32>,
    tpu.vector_store %arg7[%swap3A_517], %get3A_516 {strides = array<i32>} : memref<3250xf32, #tpu.memory_space<vmem>>, vector<16xf32>,
    %get3A_519 = arith.constant 1952 : index
    %get3A_520 = tpu.vector_load %arg6[%get3A_519] {strides = array<i32>} : memref<3200xf32, #tpu.memory_space<vmem>>, vector<16xf32>,
    %swap3A_521 = arith.constant 1982 : index
    %swap3A_522 = tpu.vector_load %arg7[%swap3A_521] {strides = array<i32>} : memref<3250xf32, #tpu.memory_space<vmem>>, vector<16xf32>,
    tpu.vector_store %arg7[%swap3A_521], %get3A_520 {strides = array<i32>} : memref<3250xf32, #tpu.memory_space<vmem>>, vector<16xf32>,
    %get3A_523 = arith.constant 1968 : index
    %get3A_524 = tpu.vector_load %arg6[%get3A_523] {strides = array<i32>} : memref<3200xf32, #tpu.memory_space<vmem>>, vector<16xf32>,
    %swap3A_525 = arith.constant 1998 : index
    %swap3A_526 = tpu.vector_load %arg7[%swap3A_525] {strides = array<i32>} : memref<3250xf32, #tpu.memory_space<vmem>>, vector<16xf32>,
    tpu.vector_store %arg7[%swap3A_525], %get3A_524 {strides = array<i32>} : memref<3250xf32, #tpu.memory_space<vmem>>, vector<16xf32>,
    %get3A_527 = arith.constant 1984 : index
    %get3A_528 = tpu.vector_load %arg6[%get3A_527] {strides = array<i32>} : memref<3200xf32, #tpu.memory_space<vmem>>, vector<16xf32>,
    %swap3A_529 = arith.constant 2015 : index
    %swap3A_530 = tpu.vector_load %arg7[%swap3A_529] {strides = array<i32>} : memref<3250xf32, #tpu.memory_space<vmem>>, vector<16xf32>,
    tpu.vector_store %arg7[%swap3A_529], %get3A_528 {strides = array<i32>} : memref<3250xf32, #tpu.memory_space<vmem>>, vector<16xf32>,
    %get3A_531 = arith.constant 2000 : index
    %get3A_532 = tpu.vector_load %arg6[%get3A_531] {strides = array<i32>} : memref<3200xf32, #tpu.memory_space<vmem>>, vector<16xf32>,
    %swap3A_533 = arith.constant 2031 : index
    %swap3A_534 = tpu.vector_load %arg7[%swap3A_533] {strides = array<i32>} : memref<3250xf32, #tpu.memory_space<vmem>>, vector<16xf32>,
    tpu.vector_store %arg7[%swap3A_533], %get3A_532 {strides = array<i32>} : memref<3250xf32, #tpu.memory_space<vmem>>, vector<16xf32>,
    %get3A_535 = arith.constant 2016 : index
    %get3A_536 = tpu.vector_load %arg6[%get3A_535] {strides = array<i32>} : memref<3200xf32, #tpu.memory_space<vmem>>, vector<16xf32>,
    %swap3A_537 = arith.constant 2047 : index
    %swap3A_538 = tpu.vector_load %arg7[%swap3A_537] {strides = array<i32>} : memref<3250xf32, #tpu.memory_space<vmem>>, vector<16xf32>,
    tpu.vector_store %arg7[%swap3A_537], %get3A_536 {strides = array<i32>} : memref<3250xf32, #tpu.memory_space<vmem>>, vector<16xf32>,
    %get3A_539 = arith.constant 2032 : index
    %get3A_540 = tpu.vector_load %arg6[%get3A_539] {strides = array<i32>} : memref<3200xf32, #tpu.memory_space<vmem>>, vector<16xf32>,
    %swap3A_541 = arith.constant 2063 : index
    %swap3A_542 = tpu.vector_load %arg7[%swap3A_541] {strides = array<i32>} : memref<3250xf32, #tpu.memory_space<vmem>>, vector<16xf32>,
    tpu.vector_store %arg7[%swap3A_541], %get3A_540 {strides = array<i32>} : memref<3250xf32, #tpu.memory_space<vmem>>, vector<16xf32>,
    %get3A_543 = arith.constant 2048 : index
    %get3A_544 = tpu.vector_load %arg6[%get3A_543] {strides = array<i32>} : memref<3200xf32, #tpu.memory_space<vmem>>, vector<16xf32>,
    %swap3A_545 = arith.constant 2080 : index
    %swap3A_546 = tpu.vector_load %arg7[%swap3A_545] {strides = array<i32>} : memref<3250xf32, #tpu.memory_space<vmem>>, vector<16xf32>,
    tpu.vector_store %arg7[%swap3A_545], %get3A_544 {strides = array<i32>} : memref<3250xf32, #tpu.memory_space<vmem>>, vector<16xf32>,
    %get3A_547 = arith.constant 2064 : index
    %get3A_548 = tpu.vector_load %arg6[%get3A_547] {strides = array<i32>} : memref<3200xf32, #tpu.memory_space<vmem>>, vector<16xf32>,
    %swap3A_549 = arith.constant 2096 : index
    %swap3A_550 = tpu.vector_load %arg7[%swap3A_549] {strides = array<i32>} : memref<3250xf32, #tpu.memory_space<vmem>>, vector<16xf32>,
    tpu.vector_store %arg7[%swap3A_549], %get3A_548 {strides = array<i32>} : memref<3250xf32, #tpu.memory_space<vmem>>, vector<16xf32>,
    %get3A_551 = arith.constant 2080 : index
    %get3A_552 = tpu.vector_load %arg6[%get3A_551] {strides = array<i32>} : memref<3200xf32, #tpu.memory_space<vmem>>, vector<16xf32>,
    %swap3A_553 = arith.constant 2112 : index
    %swap3A_554 = tpu.vector_load %arg7[%swap3A_553] {strides = array<i32>} : memref<3250xf32, #tpu.memory_space<vmem>>, vector<16xf32>,
    tpu.vector_store %arg7[%swap3A_553], %get3A_552 {strides = array<i32>} : memref<3250xf32, #tpu.memory_space<vmem>>, vector<16xf32>,
    %get3A_555 = arith.constant 2096 : index
    %get3A_556 = tpu.vector_load %arg6[%get3A_555] {strides = array<i32>} : memref<3200xf32, #tpu.memory_space<vmem>>, vector<16xf32>,
    %swap3A_557 = arith.constant 2128 : index
    %swap3A_558 = tpu.vector_load %arg7[%swap3A_557] {strides = array<i32>} : memref<3250xf32, #tpu.memory_space<vmem>>, vector<16xf32>,
    tpu.vector_store %arg7[%swap3A_557], %get3A_556 {strides = array<i32>} : memref<3250xf32, #tpu.memory_space<vmem>>, vector<16xf32>,
    %get3A_559 = arith.constant 2112 : index
    %get3A_560 = tpu.vector_load %arg6[%get3A_559] {strides = array<i32>} : memref<3200xf32, #tpu.memory_space<vmem>>, vector<16xf32>,
    %swap3A_561 = arith.constant 2145 : index
    %swap3A_562 = tpu.vector_load %arg7[%swap3A_561] {strides = array<i32>} : memref<3250xf32, #tpu.memory_space<vmem>>, vector<16xf32>,
    tpu.vector_store %arg7[%swap3A_561], %get3A_560 {strides = array<i32>} : memref<3250xf32, #tpu.memory_space<vmem>>, vector<16xf32>,
    %get3A_563 = arith.constant 2128 : index
    %get3A_564 = tpu.vector_load %arg6[%get3A_563] {strides = array<i32>} : memref<3200xf32, #tpu.memory_space<vmem>>, vector<16xf32>,
    %swap3A_565 = arith.constant 2161 : index
    %swap3A_566 = tpu.vector_load %arg7[%swap3A_565] {strides = array<i32>} : memref<3250xf32, #tpu.memory_space<vmem>>, vector<16xf32>,
    tpu.vector_store %arg7[%swap3A_565], %get3A_564 {strides = array<i32>} : memref<3250xf32, #tpu.memory_space<vmem>>, vector<16xf32>,
    %get3A_567 = arith.constant 2144 : index
    %get3A_568 = tpu.vector_load %arg6[%get3A_567] {strides = array<i32>} : memref<3200xf32, #tpu.memory_space<vmem>>, vector<16xf32>,
    %swap3A_569 = arith.constant 2177 : index
    %swap3A_570 = tpu.vector_load %arg7[%swap3A_569] {strides = array<i32>} : memref<3250xf32, #tpu.memory_space<vmem>>, vector<16xf32>,
    tpu.vector_store %arg7[%swap3A_569], %get3A_568 {strides = array<i32>} : memref<3250xf32, #tpu.memory_space<vmem>>, vector<16xf32>,
    %get3A_571 = arith.constant 2160 : index
    %get3A_572 = tpu.vector_load %arg6[%get3A_571] {strides = array<i32>} : memref<3200xf32, #tpu.memory_space<vmem>>, vector<16xf32>,
    %swap3A_573 = arith.constant 2193 : index
    %swap3A_574 = tpu.vector_load %arg7[%swap3A_573] {strides = array<i32>} : memref<3250xf32, #tpu.memory_space<vmem>>, vector<16xf32>,
    tpu.vector_store %arg7[%swap3A_573], %get3A_572 {strides = array<i32>} : memref<3250xf32, #tpu.memory_space<vmem>>, vector<16xf32>,
    %get3A_575 = arith.constant 2176 : index
    %get3A_576 = tpu.vector_load %arg6[%get3A_575] {strides = array<i32>} : memref<3200xf32, #tpu.memory_space<vmem>>, vector<16xf32>,
    %swap3A_577 = arith.constant 2210 : index
    %swap3A_578 = tpu.vector_load %arg7[%swap3A_577] {strides = array<i32>} : memref<3250xf32, #tpu.memory_space<vmem>>, vector<16xf32>,
    tpu.vector_store %arg7[%swap3A_577], %get3A_576 {strides = array<i32>} : memref<3250xf32, #tpu.memory_space<vmem>>, vector<16xf32>,
    %get3A_579 = arith.constant 2192 : index
    %get3A_580 = tpu.vector_load %arg6[%get3A_579] {strides = array<i32>} : memref<3200xf32, #tpu.memory_space<vmem>>, vector<16xf32>,
    %swap3A_581 = arith.constant 2226 : index
    %swap3A_582 = tpu.vector_load %arg7[%swap3A_581] {strides = array<i32>} : memref<3250xf32, #tpu.memory_space<vmem>>, vector<16xf32>,
    tpu.vector_store %arg7[%swap3A_581], %get3A_580 {strides = array<i32>} : memref<3250xf32, #tpu.memory_space<vmem>>, vector<16xf32>,
    %get3A_583 = arith.constant 2208 : index
    %get3A_584 = tpu.vector_load %arg6[%get3A_583] {strides = array<i32>} : memref<3200xf32, #tpu.memory_space<vmem>>, vector<16xf32>,
    %swap3A_585 = arith.constant 2242 : index
    %swap3A_586 = tpu.vector_load %arg7[%swap3A_585] {strides = array<i32>} : memref<3250xf32, #tpu.memory_space<vmem>>, vector<16xf32>,
    tpu.vector_store %arg7[%swap3A_585], %get3A_584 {strides = array<i32>} : memref<3250xf32, #tpu.memory_space<vmem>>, vector<16xf32>,
    %get3A_587 = arith.constant 2224 : index
    %get3A_588 = tpu.vector_load %arg6[%get3A_587] {strides = array<i32>} : memref<3200xf32, #tpu.memory_space<vmem>>, vector<16xf32>,
    %swap3A_589 = arith.constant 2258 : index
    %swap3A_590 = tpu.vector_load %arg7[%swap3A_589] {strides = array<i32>} : memref<3250xf32, #tpu.memory_space<vmem>>, vector<16xf32>,
    tpu.vector_store %arg7[%swap3A_589], %get3A_588 {strides = array<i32>} : memref<3250xf32, #tpu.memory_space<vmem>>, vector<16xf32>,
    %get3A_591 = arith.constant 2240 : index
    %get3A_592 = tpu.vector_load %arg6[%get3A_591] {strides = array<i32>} : memref<3200xf32, #tpu.memory_space<vmem>>, vector<16xf32>,
    %swap3A_593 = arith.constant 2275 : index
    %swap3A_594 = tpu.vector_load %arg7[%swap3A_593] {strides = array<i32>} : memref<3250xf32, #tpu.memory_space<vmem>>, vector<16xf32>,
    tpu.vector_store %arg7[%swap3A_593], %get3A_592 {strides = array<i32>} : memref<3250xf32, #tpu.memory_space<vmem>>, vector<16xf32>,
    %get3A_595 = arith.constant 2256 : index
    %get3A_596 = tpu.vector_load %arg6[%get3A_595] {strides = array<i32>} : memref<3200xf32, #tpu.memory_space<vmem>>, vector<16xf32>,
    %swap3A_597 = arith.constant 2291 : index
    %swap3A_598 = tpu.vector_load %arg7[%swap3A_597] {strides = array<i32>} : memref<3250xf32, #tpu.memory_space<vmem>>, vector<16xf32>,
    tpu.vector_store %arg7[%swap3A_597], %get3A_596 {strides = array<i32>} : memref<3250xf32, #tpu.memory_space<vmem>>, vector<16xf32>,
    %get3A_599 = arith.constant 2272 : index
    %get3A_600 = tpu.vector_load %arg6[%get3A_599] {strides = array<i32>} : memref<3200xf32, #tpu.memory_space<vmem>>, vector<16xf32>,
    %swap3A_601 = arith.constant 2307 : index
    %swap3A_602 = tpu.vector_load %arg7[%swap3A_601] {strides = array<i32>} : memref<3250xf32, #tpu.memory_space<vmem>>, vector<16xf32>,
    tpu.vector_store %arg7[%swap3A_601], %get3A_600 {strides = array<i32>} : memref<3250xf32, #tpu.memory_space<vmem>>, vector<16xf32>,
    %get3A_603 = arith.constant 2288 : index
    %get3A_604 = tpu.vector_load %arg6[%get3A_603] {strides = array<i32>} : memref<3200xf32, #tpu.memory_space<vmem>>, vector<16xf32>,
    %swap3A_605 = arith.constant 2323 : index
    %swap3A_606 = tpu.vector_load %arg7[%swap3A_605] {strides = array<i32>} : memref<3250xf32, #tpu.memory_space<vmem>>, vector<16xf32>,
    tpu.vector_store %arg7[%swap3A_605], %get3A_604 {strides = array<i32>} : memref<3250xf32, #tpu.memory_space<vmem>>, vector<16xf32>,
    %get3A_607 = arith.constant 2304 : index
    %get3A_608 = tpu.vector_load %arg6[%get3A_607] {strides = array<i32>} : memref<3200xf32, #tpu.memory_space<vmem>>, vector<16xf32>,
    %swap3A_609 = arith.constant 2340 : index
    %swap3A_610 = tpu.vector_load %arg7[%swap3A_609] {strides = array<i32>} : memref<3250xf32, #tpu.memory_space<vmem>>, vector<16xf32>,
    tpu.vector_store %arg7[%swap3A_609], %get3A_608 {strides = array<i32>} : memref<3250xf32, #tpu.memory_space<vmem>>, vector<16xf32>,
    %get3A_611 = arith.constant 2320 : index
    %get3A_612 = tpu.vector_load %arg6[%get3A_611] {strides = array<i32>} : memref<3200xf32, #tpu.memory_space<vmem>>, vector<16xf32>,
    %swap3A_613 = arith.constant 2356 : index
    %swap3A_614 = tpu.vector_load %arg7[%swap3A_613] {strides = array<i32>} : memref<3250xf32, #tpu.memory_space<vmem>>, vector<16xf32>,
    tpu.vector_store %arg7[%swap3A_613], %get3A_612 {strides = array<i32>} : memref<3250xf32, #tpu.memory_space<vmem>>, vector<16xf32>,
    %get3A_615 = arith.constant 2336 : index
    %get3A_616 = tpu.vector_load %arg6[%get3A_615] {strides = array<i32>} : memref<3200xf32, #tpu.memory_space<vmem>>, vector<16xf32>,
    %swap3A_617 = arith.constant 2372 : index
    %swap3A_618 = tpu.vector_load %arg7[%swap3A_617] {strides = array<i32>} : memref<3250xf32, #tpu.memory_space<vmem>>, vector<16xf32>,
    tpu.vector_store %arg7[%swap3A_617], %get3A_616 {strides = array<i32>} : memref<3250xf32, #tpu.memory_space<vmem>>, vector<16xf32>,
    %get3A_619 = arith.constant 2352 : index
    %get3A_620 = tpu.vector_load %arg6[%get3A_619] {strides = array<i32>} : memref<3200xf32, #tpu.memory_space<vmem>>, vector<16xf32>,
    %swap3A_621 = arith.constant 2388 : index
    %swap3A_622 = tpu.vector_load %arg7[%swap3A_621] {strides = array<i32>} : memref<3250xf32, #tpu.memory_space<vmem>>, vector<16xf32>,
    tpu.vector_store %arg7[%swap3A_621], %get3A_620 {strides = array<i32>} : memref<3250xf32, #tpu.memory_space<vmem>>, vector<16xf32>,
    %get3A_623 = arith.constant 2368 : index
    %get3A_624 = tpu.vector_load %arg6[%get3A_623] {strides = array<i32>} : memref<3200xf32, #tpu.memory_space<vmem>>, vector<16xf32>,
    %swap3A_625 = arith.constant 2405 : index
    %swap3A_626 = tpu.vector_load %arg7[%swap3A_625] {strides = array<i32>} : memref<3250xf32, #tpu.memory_space<vmem>>, vector<16xf32>,
    tpu.vector_store %arg7[%swap3A_625], %get3A_624 {strides = array<i32>} : memref<3250xf32, #tpu.memory_space<vmem>>, vector<16xf32>,
    %get3A_627 = arith.constant 2384 : index
    %get3A_628 = tpu.vector_load %arg6[%get3A_627] {strides = array<i32>} : memref<3200xf32, #tpu.memory_space<vmem>>, vector<16xf32>,
    %swap3A_629 = arith.constant 2421 : index
    %swap3A_630 = tpu.vector_load %arg7[%swap3A_629] {strides = array<i32>} : memref<3250xf32, #tpu.memory_space<vmem>>, vector<16xf32>,
    tpu.vector_store %arg7[%swap3A_629], %get3A_628 {strides = array<i32>} : memref<3250xf32, #tpu.memory_space<vmem>>, vector<16xf32>,
    %get3A_631 = arith.constant 2400 : index
    %get3A_632 = tpu.vector_load %arg6[%get3A_631] {strides = array<i32>} : memref<3200xf32, #tpu.memory_space<vmem>>, vector<16xf32>,
    %swap3A_633 = arith.constant 2437 : index
    %swap3A_634 = tpu.vector_load %arg7[%swap3A_633] {strides = array<i32>} : memref<3250xf32, #tpu.memory_space<vmem>>, vector<16xf32>,
    tpu.vector_store %arg7[%swap3A_633], %get3A_632 {strides = array<i32>} : memref<3250xf32, #tpu.memory_space<vmem>>, vector<16xf32>,
    %get3A_635 = arith.constant 2416 : index
    %get3A_636 = tpu.vector_load %arg6[%get3A_635] {strides = array<i32>} : memref<3200xf32, #tpu.memory_space<vmem>>, vector<16xf32>,
    %swap3A_637 = arith.constant 2453 : index
    %swap3A_638 = tpu.vector_load %arg7[%swap3A_637] {strides = array<i32>} : memref<3250xf32, #tpu.memory_space<vmem>>, vector<16xf32>,
    tpu.vector_store %arg7[%swap3A_637], %get3A_636 {strides = array<i32>} : memref<3250xf32, #tpu.memory_space<vmem>>, vector<16xf32>,
    %get3A_639 = arith.constant 2432 : index
    %get3A_640 = tpu.vector_load %arg6[%get3A_639] {strides = array<i32>} : memref<3200xf32, #tpu.memory_space<vmem>>, vector<16xf32>,
    %swap3A_641 = arith.constant 2470 : index
    %swap3A_642 = tpu.vector_load %arg7[%swap3A_641] {strides = array<i32>} : memref<3250xf32, #tpu.memory_space<vmem>>, vector<16xf32>,
    tpu.vector_store %arg7[%swap3A_641], %get3A_640 {strides = array<i32>} : memref<3250xf32, #tpu.memory_space<vmem>>, vector<16xf32>,
    %get3A_643 = arith.constant 2448 : index
    %get3A_644 = tpu.vector_load %arg6[%get3A_643] {strides = array<i32>} : memref<3200xf32, #tpu.memory_space<vmem>>, vector<16xf32>,
    %swap3A_645 = arith.constant 2486 : index
    %swap3A_646 = tpu.vector_load %arg7[%swap3A_645] {strides = array<i32>} : memref<3250xf32, #tpu.memory_space<vmem>>, vector<16xf32>,
    tpu.vector_store %arg7[%swap3A_645], %get3A_644 {strides = array<i32>} : memref<3250xf32, #tpu.memory_space<vmem>>, vector<16xf32>,
    %get3A_647 = arith.constant 2464 : index
    %get3A_648 = tpu.vector_load %arg6[%get3A_647] {strides = array<i32>} : memref<3200xf32, #tpu.memory_space<vmem>>, vector<16xf32>,
    %swap3A_649 = arith.constant 2502 : index
    %swap3A_650 = tpu.vector_load %arg7[%swap3A_649] {strides = array<i32>} : memref<3250xf32, #tpu.memory_space<vmem>>, vector<16xf32>,
    tpu.vector_store %arg7[%swap3A_649], %get3A_648 {strides = array<i32>} : memref<3250xf32, #tpu.memory_space<vmem>>, vector<16xf32>,
    %get3A_651 = arith.constant 2480 : index
    %get3A_652 = tpu.vector_load %arg6[%get3A_651] {strides = array<i32>} : memref<3200xf32, #tpu.memory_space<vmem>>, vector<16xf32>,
    %swap3A_653 = arith.constant 2518 : index
    %swap3A_654 = tpu.vector_load %arg7[%swap3A_653] {strides = array<i32>} : memref<3250xf32, #tpu.memory_space<vmem>>, vector<16xf32>,
    tpu.vector_store %arg7[%swap3A_653], %get3A_652 {strides = array<i32>} : memref<3250xf32, #tpu.memory_space<vmem>>, vector<16xf32>,
    %get3A_655 = arith.constant 2496 : index
    %get3A_656 = tpu.vector_load %arg6[%get3A_655] {strides = array<i32>} : memref<3200xf32, #tpu.memory_space<vmem>>, vector<16xf32>,
    %swap3A_657 = arith.constant 2535 : index
    %swap3A_658 = tpu.vector_load %arg7[%swap3A_657] {strides = array<i32>} : memref<3250xf32, #tpu.memory_space<vmem>>, vector<16xf32>,
    tpu.vector_store %arg7[%swap3A_657], %get3A_656 {strides = array<i32>} : memref<3250xf32, #tpu.memory_space<vmem>>, vector<16xf32>,
    %get3A_659 = arith.constant 2512 : index
    %get3A_660 = tpu.vector_load %arg6[%get3A_659] {strides = array<i32>} : memref<3200xf32, #tpu.memory_space<vmem>>, vector<16xf32>,
    %swap3A_661 = arith.constant 2551 : index
    %swap3A_662 = tpu.vector_load %arg7[%swap3A_661] {strides = array<i32>} : memref<3250xf32, #tpu.memory_space<vmem>>, vector<16xf32>,
    tpu.vector_store %arg7[%swap3A_661], %get3A_660 {strides = array<i32>} : memref<3250xf32, #tpu.memory_space<vmem>>, vector<16xf32>,
    %get3A_663 = arith.constant 2528 : index
    %get3A_664 = tpu.vector_load %arg6[%get3A_663] {strides = array<i32>} : memref<3200xf32, #tpu.memory_space<vmem>>, vector<16xf32>,
    %swap3A_665 = arith.constant 2567 : index
    %swap3A_666 = tpu.vector_load %arg7[%swap3A_665] {strides = array<i32>} : memref<3250xf32, #tpu.memory_space<vmem>>, vector<16xf32>,
    tpu.vector_store %arg7[%swap3A_665], %get3A_664 {strides = array<i32>} : memref<3250xf32, #tpu.memory_space<vmem>>, vector<16xf32>,
    %get3A_667 = arith.constant 2544 : index
    %get3A_668 = tpu.vector_load %arg6[%get3A_667] {strides = array<i32>} : memref<3200xf32, #tpu.memory_space<vmem>>, vector<16xf32>,
    %swap3A_669 = arith.constant 2583 : index
    %swap3A_670 = tpu.vector_load %arg7[%swap3A_669] {strides = array<i32>} : memref<3250xf32, #tpu.memory_space<vmem>>, vector<16xf32>,
    tpu.vector_store %arg7[%swap3A_669], %get3A_668 {strides = array<i32>} : memref<3250xf32, #tpu.memory_space<vmem>>, vector<16xf32>,
    %get3A_671 = arith.constant 2560 : index
    %get3A_672 = tpu.vector_load %arg6[%get3A_671] {strides = array<i32>} : memref<3200xf32, #tpu.memory_space<vmem>>, vector<16xf32>,
    %swap3A_673 = arith.constant 2600 : index
    %swap3A_674 = tpu.vector_load %arg7[%swap3A_673] {strides = array<i32>} : memref<3250xf32, #tpu.memory_space<vmem>>, vector<16xf32>,
    tpu.vector_store %arg7[%swap3A_673], %get3A_672 {strides = array<i32>} : memref<3250xf32, #tpu.memory_space<vmem>>, vector<16xf32>,
    %get3A_675 = arith.constant 2576 : index
    %get3A_676 = tpu.vector_load %arg6[%get3A_675] {strides = array<i32>} : memref<3200xf32, #tpu.memory_space<vmem>>, vector<16xf32>,
    %swap3A_677 = arith.constant 2616 : index
    %swap3A_678 = tpu.vector_load %arg7[%swap3A_677] {strides = array<i32>} : memref<3250xf32, #tpu.memory_space<vmem>>, vector<16xf32>,
    tpu.vector_store %arg7[%swap3A_677], %get3A_676 {strides = array<i32>} : memref<3250xf32, #tpu.memory_space<vmem>>, vector<16xf32>,
    %get3A_679 = arith.constant 2592 : index
    %get3A_680 = tpu.vector_load %arg6[%get3A_679] {strides = array<i32>} : memref<3200xf32, #tpu.memory_space<vmem>>, vector<16xf32>,
    %swap3A_681 = arith.constant 2632 : index
    %swap3A_682 = tpu.vector_load %arg7[%swap3A_681] {strides = array<i32>} : memref<3250xf32, #tpu.memory_space<vmem>>, vector<16xf32>,
    tpu.vector_store %arg7[%swap3A_681], %get3A_680 {strides = array<i32>} : memref<3250xf32, #tpu.memory_space<vmem>>, vector<16xf32>,
    %get3A_683 = arith.constant 2608 : index
    %get3A_684 = tpu.vector_load %arg6[%get3A_683] {strides = array<i32>} : memref<3200xf32, #tpu.memory_space<vmem>>, vector<16xf32>,
    %swap3A_685 = arith.constant 2648 : index
    %swap3A_686 = tpu.vector_load %arg7[%swap3A_685] {strides = array<i32>} : memref<3250xf32, #tpu.memory_space<vmem>>, vector<16xf32>,
    tpu.vector_store %arg7[%swap3A_685], %get3A_684 {strides = array<i32>} : memref<3250xf32, #tpu.memory_space<vmem>>, vector<16xf32>,
    %get3A_687 = arith.constant 2624 : index
    %get3A_688 = tpu.vector_load %arg6[%get3A_687] {strides = array<i32>} : memref<3200xf32, #tpu.memory_space<vmem>>, vector<16xf32>,
    %swap3A_689 = arith.constant 2665 : index
    %swap3A_690 = tpu.vector_load %arg7[%swap3A_689] {strides = array<i32>} : memref<3250xf32, #tpu.memory_space<vmem>>, vector<16xf32>,
    tpu.vector_store %arg7[%swap3A_689], %get3A_688 {strides = array<i32>} : memref<3250xf32, #tpu.memory_space<vmem>>, vector<16xf32>,
    %get3A_691 = arith.constant 2640 : index
    %get3A_692 = tpu.vector_load %arg6[%get3A_691] {strides = array<i32>} : memref<3200xf32, #tpu.memory_space<vmem>>, vector<16xf32>,
    %swap3A_693 = arith.constant 2681 : index
    %swap3A_694 = tpu.vector_load %arg7[%swap3A_693] {strides = array<i32>} : memref<3250xf32, #tpu.memory_space<vmem>>, vector<16xf32>,
    tpu.vector_store %arg7[%swap3A_693], %get3A_692 {strides = array<i32>} : memref<3250xf32, #tpu.memory_space<vmem>>, vector<16xf32>,
    %get3A_695 = arith.constant 2656 : index
    %get3A_696 = tpu.vector_load %arg6[%get3A_695] {strides = array<i32>} : memref<3200xf32, #tpu.memory_space<vmem>>, vector<16xf32>,
    %swap3A_697 = arith.constant 2697 : index
    %swap3A_698 = tpu.vector_load %arg7[%swap3A_697] {strides = array<i32>} : memref<3250xf32, #tpu.memory_space<vmem>>, vector<16xf32>,
    tpu.vector_store %arg7[%swap3A_697], %get3A_696 {strides = array<i32>} : memref<3250xf32, #tpu.memory_space<vmem>>, vector<16xf32>,
    %get3A_699 = arith.constant 2672 : index
    %get3A_700 = tpu.vector_load %arg6[%get3A_699] {strides = array<i32>} : memref<3200xf32, #tpu.memory_space<vmem>>, vector<16xf32>,
    %swap3A_701 = arith.constant 2713 : index
    %swap3A_702 = tpu.vector_load %arg7[%swap3A_701] {strides = array<i32>} : memref<3250xf32, #tpu.memory_space<vmem>>, vector<16xf32>,
    tpu.vector_store %arg7[%swap3A_701], %get3A_700 {strides = array<i32>} : memref<3250xf32, #tpu.memory_space<vmem>>, vector<16xf32>,
    %get3A_703 = arith.constant 2688 : index
    %get3A_704 = tpu.vector_load %arg6[%get3A_703] {strides = array<i32>} : memref<3200xf32, #tpu.memory_space<vmem>>, vector<16xf32>,
    %swap3A_705 = arith.constant 2730 : index
    %swap3A_706 = tpu.vector_load %arg7[%swap3A_705] {strides = array<i32>} : memref<3250xf32, #tpu.memory_space<vmem>>, vector<16xf32>,
    tpu.vector_store %arg7[%swap3A_705], %get3A_704 {strides = array<i32>} : memref<3250xf32, #tpu.memory_space<vmem>>, vector<16xf32>,
    %get3A_707 = arith.constant 2704 : index
    %get3A_708 = tpu.vector_load %arg6[%get3A_707] {strides = array<i32>} : memref<3200xf32, #tpu.memory_space<vmem>>, vector<16xf32>,
    %swap3A_709 = arith.constant 2746 : index
    %swap3A_710 = tpu.vector_load %arg7[%swap3A_709] {strides = array<i32>} : memref<3250xf32, #tpu.memory_space<vmem>>, vector<16xf32>,
    tpu.vector_store %arg7[%swap3A_709], %get3A_708 {strides = array<i32>} : memref<3250xf32, #tpu.memory_space<vmem>>, vector<16xf32>,
    %get3A_711 = arith.constant 2720 : index
    %get3A_712 = tpu.vector_load %arg6[%get3A_711] {strides = array<i32>} : memref<3200xf32, #tpu.memory_space<vmem>>, vector<16xf32>,
    %swap3A_713 = arith.constant 2762 : index
    %swap3A_714 = tpu.vector_load %arg7[%swap3A_713] {strides = array<i32>} : memref<3250xf32, #tpu.memory_space<vmem>>, vector<16xf32>,
    tpu.vector_store %arg7[%swap3A_713], %get3A_712 {strides = array<i32>} : memref<3250xf32, #tpu.memory_space<vmem>>, vector<16xf32>,
    %get3A_715 = arith.constant 2736 : index
    %get3A_716 = tpu.vector_load %arg6[%get3A_715] {strides = array<i32>} : memref<3200xf32, #tpu.memory_space<vmem>>, vector<16xf32>,
    %swap3A_717 = arith.constant 2778 : index
    %swap3A_718 = tpu.vector_load %arg7[%swap3A_717] {strides = array<i32>} : memref<3250xf32, #tpu.memory_space<vmem>>, vector<16xf32>,
    tpu.vector_store %arg7[%swap3A_717], %get3A_716 {strides = array<i32>} : memref<3250xf32, #tpu.memory_space<vmem>>, vector<16xf32>,
    %get3A_719 = arith.constant 2752 : index
    %get3A_720 = tpu.vector_load %arg6[%get3A_719] {strides = array<i32>} : memref<3200xf32, #tpu.memory_space<vmem>>, vector<16xf32>,
    %swap3A_721 = arith.constant 2795 : index
    %swap3A_722 = tpu.vector_load %arg7[%swap3A_721] {strides = array<i32>} : memref<3250xf32, #tpu.memory_space<vmem>>, vector<16xf32>,
    tpu.vector_store %arg7[%swap3A_721], %get3A_720 {strides = array<i32>} : memref<3250xf32, #tpu.memory_space<vmem>>, vector<16xf32>,
    %get3A_723 = arith.constant 2768 : index
    %get3A_724 = tpu.vector_load %arg6[%get3A_723] {strides = array<i32>} : memref<3200xf32, #tpu.memory_space<vmem>>, vector<16xf32>,
    %swap3A_725 = arith.constant 2811 : index
    %swap3A_726 = tpu.vector_load %arg7[%swap3A_725] {strides = array<i32>} : memref<3250xf32, #tpu.memory_space<vmem>>, vector<16xf32>,
    tpu.vector_store %arg7[%swap3A_725], %get3A_724 {strides = array<i32>} : memref<3250xf32, #tpu.memory_space<vmem>>, vector<16xf32>,
    %get3A_727 = arith.constant 2784 : index
    %get3A_728 = tpu.vector_load %arg6[%get3A_727] {strides = array<i32>} : memref<3200xf32, #tpu.memory_space<vmem>>, vector<16xf32>,
    %swap3A_729 = arith.constant 2827 : index
    %swap3A_730 = tpu.vector_load %arg7[%swap3A_729] {strides = array<i32>} : memref<3250xf32, #tpu.memory_space<vmem>>, vector<16xf32>,
    tpu.vector_store %arg7[%swap3A_729], %get3A_728 {strides = array<i32>} : memref<3250xf32, #tpu.memory_space<vmem>>, vector<16xf32>,
    %get3A_731 = arith.constant 2800 : index
    %get3A_732 = tpu.vector_load %arg6[%get3A_731] {strides = array<i32>} : memref<3200xf32, #tpu.memory_space<vmem>>, vector<16xf32>,
    %swap3A_733 = arith.constant 2843 : index
    %swap3A_734 = tpu.vector_load %arg7[%swap3A_733] {strides = array<i32>} : memref<3250xf32, #tpu.memory_space<vmem>>, vector<16xf32>,
    tpu.vector_store %arg7[%swap3A_733], %get3A_732 {strides = array<i32>} : memref<3250xf32, #tpu.memory_space<vmem>>, vector<16xf32>,
    %get3A_735 = arith.constant 2816 : index
    %get3A_736 = tpu.vector_load %arg6[%get3A_735] {strides = array<i32>} : memref<3200xf32, #tpu.memory_space<vmem>>, vector<16xf32>,
    %swap3A_737 = arith.constant 2860 : index
    %swap3A_738 = tpu.vector_load %arg7[%swap3A_737] {strides = array<i32>} : memref<3250xf32, #tpu.memory_space<vmem>>, vector<16xf32>,
    tpu.vector_store %arg7[%swap3A_737], %get3A_736 {strides = array<i32>} : memref<3250xf32, #tpu.memory_space<vmem>>, vector<16xf32>,
    %get3A_739 = arith.constant 2832 : index
    %get3A_740 = tpu.vector_load %arg6[%get3A_739] {strides = array<i32>} : memref<3200xf32, #tpu.memory_space<vmem>>, vector<16xf32>,
    %swap3A_741 = arith.constant 2876 : index
    %swap3A_742 = tpu.vector_load %arg7[%swap3A_741] {strides = array<i32>} : memref<3250xf32, #tpu.memory_space<vmem>>, vector<16xf32>,
    tpu.vector_store %arg7[%swap3A_741], %get3A_740 {strides = array<i32>} : memref<3250xf32, #tpu.memory_space<vmem>>, vector<16xf32>,
    %get3A_743 = arith.constant 2848 : index
    %get3A_744 = tpu.vector_load %arg6[%get3A_743] {strides = array<i32>} : memref<3200xf32, #tpu.memory_space<vmem>>, vector<16xf32>,
    %swap3A_745 = arith.constant 2892 : index
    %swap3A_746 = tpu.vector_load %arg7[%swap3A_745] {strides = array<i32>} : memref<3250xf32, #tpu.memory_space<vmem>>, vector<16xf32>,
    tpu.vector_store %arg7[%swap3A_745], %get3A_744 {strides = array<i32>} : memref<3250xf32, #tpu.memory_space<vmem>>, vector<16xf32>,
    %get3A_747 = arith.constant 2864 : index
    %get3A_748 = tpu.vector_load %arg6[%get3A_747] {strides = array<i32>} : memref<3200xf32, #tpu.memory_space<vmem>>, vector<16xf32>,
    %swap3A_749 = arith.constant 2908 : index
    %swap3A_750 = tpu.vector_load %arg7[%swap3A_749] {strides = array<i32>} : memref<3250xf32, #tpu.memory_space<vmem>>, vector<16xf32>,
    tpu.vector_store %arg7[%swap3A_749], %get3A_748 {strides = array<i32>} : memref<3250xf32, #tpu.memory_space<vmem>>, vector<16xf32>,
    %get3A_751 = arith.constant 2880 : index
    %get3A_752 = tpu.vector_load %arg6[%get3A_751] {strides = array<i32>} : memref<3200xf32, #tpu.memory_space<vmem>>, vector<16xf32>,
    %swap3A_753 = arith.constant 2925 : index
    %swap3A_754 = tpu.vector_load %arg7[%swap3A_753] {strides = array<i32>} : memref<3250xf32, #tpu.memory_space<vmem>>, vector<16xf32>,
    tpu.vector_store %arg7[%swap3A_753], %get3A_752 {strides = array<i32>} : memref<3250xf32, #tpu.memory_space<vmem>>, vector<16xf32>,
    %get3A_755 = arith.constant 2896 : index
    %get3A_756 = tpu.vector_load %arg6[%get3A_755] {strides = array<i32>} : memref<3200xf32, #tpu.memory_space<vmem>>, vector<16xf32>,
    %swap3A_757 = arith.constant 2941 : index
    %swap3A_758 = tpu.vector_load %arg7[%swap3A_757] {strides = array<i32>} : memref<3250xf32, #tpu.memory_space<vmem>>, vector<16xf32>,
    tpu.vector_store %arg7[%swap3A_757], %get3A_756 {strides = array<i32>} : memref<3250xf32, #tpu.memory_space<vmem>>, vector<16xf32>,
    %get3A_759 = arith.constant 2912 : index
    %get3A_760 = tpu.vector_load %arg6[%get3A_759] {strides = array<i32>} : memref<3200xf32, #tpu.memory_space<vmem>>, vector<16xf32>,
    %swap3A_761 = arith.constant 2957 : index
    %swap3A_762 = tpu.vector_load %arg7[%swap3A_761] {strides = array<i32>} : memref<3250xf32, #tpu.memory_space<vmem>>, vector<16xf32>,
    tpu.vector_store %arg7[%swap3A_761], %get3A_760 {strides = array<i32>} : memref<3250xf32, #tpu.memory_space<vmem>>, vector<16xf32>,
    %get3A_763 = arith.constant 2928 : index
    %get3A_764 = tpu.vector_load %arg6[%get3A_763] {strides = array<i32>} : memref<3200xf32, #tpu.memory_space<vmem>>, vector<16xf32>,
    %swap3A_765 = arith.constant 2973 : index
    %swap3A_766 = tpu.vector_load %arg7[%swap3A_765] {strides = array<i32>} : memref<3250xf32, #tpu.memory_space<vmem>>, vector<16xf32>,
    tpu.vector_store %arg7[%swap3A_765], %get3A_764 {strides = array<i32>} : memref<3250xf32, #tpu.memory_space<vmem>>, vector<16xf32>,
    %get3A_767 = arith.constant 2944 : index
    %get3A_768 = tpu.vector_load %arg6[%get3A_767] {strides = array<i32>} : memref<3200xf32, #tpu.memory_space<vmem>>, vector<16xf32>,
    %swap3A_769 = arith.constant 2990 : index
    %swap3A_770 = tpu.vector_load %arg7[%swap3A_769] {strides = array<i32>} : memref<3250xf32, #tpu.memory_space<vmem>>, vector<16xf32>,
    tpu.vector_store %arg7[%swap3A_769], %get3A_768 {strides = array<i32>} : memref<3250xf32, #tpu.memory_space<vmem>>, vector<16xf32>,
    %get3A_771 = arith.constant 2960 : index
    %get3A_772 = tpu.vector_load %arg6[%get3A_771] {strides = array<i32>} : memref<3200xf32, #tpu.memory_space<vmem>>, vector<16xf32>,
    %swap3A_773 = arith.constant 3006 : index
    %swap3A_774 = tpu.vector_load %arg7[%swap3A_773] {strides = array<i32>} : memref<3250xf32, #tpu.memory_space<vmem>>, vector<16xf32>,
    tpu.vector_store %arg7[%swap3A_773], %get3A_772 {strides = array<i32>} : memref<3250xf32, #tpu.memory_space<vmem>>, vector<16xf32>,
    %get3A_775 = arith.constant 2976 : index
    %get3A_776 = tpu.vector_load %arg6[%get3A_775] {strides = array<i32>} : memref<3200xf32, #tpu.memory_space<vmem>>, vector<16xf32>,
    %swap3A_777 = arith.constant 3022 : index
    %swap3A_778 = tpu.vector_load %arg7[%swap3A_777] {strides = array<i32>} : memref<3250xf32, #tpu.memory_space<vmem>>, vector<16xf32>,
    tpu.vector_store %arg7[%swap3A_777], %get3A_776 {strides = array<i32>} : memref<3250xf32, #tpu.memory_space<vmem>>, vector<16xf32>,
    %get3A_779 = arith.constant 2992 : index
    %get3A_780 = tpu.vector_load %arg6[%get3A_779] {strides = array<i32>} : memref<3200xf32, #tpu.memory_space<vmem>>, vector<16xf32>,
    %swap3A_781 = arith.constant 3038 : index
    %swap3A_782 = tpu.vector_load %arg7[%swap3A_781] {strides = array<i32>} : memref<3250xf32, #tpu.memory_space<vmem>>, vector<16xf32>,
    tpu.vector_store %arg7[%swap3A_781], %get3A_780 {strides = array<i32>} : memref<3250xf32, #tpu.memory_space<vmem>>, vector<16xf32>,
    %get3A_783 = arith.constant 3008 : index
    %get3A_784 = tpu.vector_load %arg6[%get3A_783] {strides = array<i32>} : memref<3200xf32, #tpu.memory_space<vmem>>, vector<16xf32>,
    %swap3A_785 = arith.constant 3055 : index
    %swap3A_786 = tpu.vector_load %arg7[%swap3A_785] {strides = array<i32>} : memref<3250xf32, #tpu.memory_space<vmem>>, vector<16xf32>,
    tpu.vector_store %arg7[%swap3A_785], %get3A_784 {strides = array<i32>} : memref<3250xf32, #tpu.memory_space<vmem>>, vector<16xf32>,
    %get3A_787 = arith.constant 3024 : index
    %get3A_788 = tpu.vector_load %arg6[%get3A_787] {strides = array<i32>} : memref<3200xf32, #tpu.memory_space<vmem>>, vector<16xf32>,
    %swap3A_789 = arith.constant 3071 : index
    %swap3A_790 = tpu.vector_load %arg7[%swap3A_789] {strides = array<i32>} : memref<3250xf32, #tpu.memory_space<vmem>>, vector<16xf32>,
    tpu.vector_store %arg7[%swap3A_789], %get3A_788 {strides = array<i32>} : memref<3250xf32, #tpu.memory_space<vmem>>, vector<16xf32>,
    %get3A_791 = arith.constant 3040 : index
    %get3A_792 = tpu.vector_load %arg6[%get3A_791] {strides = array<i32>} : memref<3200xf32, #tpu.memory_space<vmem>>, vector<16xf32>,
    %swap3A_793 = arith.constant 3087 : index
    %swap3A_794 = tpu.vector_load %arg7[%swap3A_793] {strides = array<i32>} : memref<3250xf32, #tpu.memory_space<vmem>>, vector<16xf32>,
    tpu.vector_store %arg7[%swap3A_793], %get3A_792 {strides = array<i32>} : memref<3250xf32, #tpu.memory_space<vmem>>, vector<16xf32>,
    %get3A_795 = arith.constant 3056 : index
    %get3A_796 = tpu.vector_load %arg6[%get3A_795] {strides = array<i32>} : memref<3200xf32, #tpu.memory_space<vmem>>, vector<16xf32>,
    %swap3A_797 = arith.constant 3103 : index
    %swap3A_798 = tpu.vector_load %arg7[%swap3A_797] {strides = array<i32>} : memref<3250xf32, #tpu.memory_space<vmem>>, vector<16xf32>,
    tpu.vector_store %arg7[%swap3A_797], %get3A_796 {strides = array<i32>} : memref<3250xf32, #tpu.memory_space<vmem>>, vector<16xf32>,
    %get3A_799 = arith.constant 3072 : index
    %get3A_800 = tpu.vector_load %arg6[%get3A_799] {strides = array<i32>} : memref<3200xf32, #tpu.memory_space<vmem>>, vector<16xf32>,
    %swap3A_801 = arith.constant 3120 : index
    %swap3A_802 = tpu.vector_load %arg7[%swap3A_801] {strides = array<i32>} : memref<3250xf32, #tpu.memory_space<vmem>>, vector<16xf32>,
    tpu.vector_store %arg7[%swap3A_801], %get3A_800 {strides = array<i32>} : memref<3250xf32, #tpu.memory_space<vmem>>, vector<16xf32>,
    %get3A_803 = arith.constant 3088 : index
    %get3A_804 = tpu.vector_load %arg6[%get3A_803] {strides = array<i32>} : memref<3200xf32, #tpu.memory_space<vmem>>, vector<16xf32>,
    %swap3A_805 = arith.constant 3136 : index
    %swap3A_806 = tpu.vector_load %arg7[%swap3A_805] {strides = array<i32>} : memref<3250xf32, #tpu.memory_space<vmem>>, vector<16xf32>,
    tpu.vector_store %arg7[%swap3A_805], %get3A_804 {strides = array<i32>} : memref<3250xf32, #tpu.memory_space<vmem>>, vector<16xf32>,
    %get3A_807 = arith.constant 3104 : index
    %get3A_808 = tpu.vector_load %arg6[%get3A_807] {strides = array<i32>} : memref<3200xf32, #tpu.memory_space<vmem>>, vector<16xf32>,
    %swap3A_809 = arith.constant 3152 : index
    %swap3A_810 = tpu.vector_load %arg7[%swap3A_809] {strides = array<i32>} : memref<3250xf32, #tpu.memory_space<vmem>>, vector<16xf32>,
    tpu.vector_store %arg7[%swap3A_809], %get3A_808 {strides = array<i32>} : memref<3250xf32, #tpu.memory_space<vmem>>, vector<16xf32>,
    %get3A_811 = arith.constant 3120 : index
    %get3A_812 = tpu.vector_load %arg6[%get3A_811] {strides = array<i32>} : memref<3200xf32, #tpu.memory_space<vmem>>, vector<16xf32>,
    %swap3A_813 = arith.constant 3168 : index
    %swap3A_814 = tpu.vector_load %arg7[%swap3A_813] {strides = array<i32>} : memref<3250xf32, #tpu.memory_space<vmem>>, vector<16xf32>,
    tpu.vector_store %arg7[%swap3A_813], %get3A_812 {strides = array<i32>} : memref<3250xf32, #tpu.memory_space<vmem>>, vector<16xf32>,
    %get3A_815 = arith.constant 3136 : index
    %get3A_816 = tpu.vector_load %arg6[%get3A_815] {strides = array<i32>} : memref<3200xf32, #tpu.memory_space<vmem>>, vector<16xf32>,
    %swap3A_817 = arith.constant 3185 : index
    %swap3A_818 = tpu.vector_load %arg7[%swap3A_817] {strides = array<i32>} : memref<3250xf32, #tpu.memory_space<vmem>>, vector<16xf32>,
    tpu.vector_store %arg7[%swap3A_817], %get3A_816 {strides = array<i32>} : memref<3250xf32, #tpu.memory_space<vmem>>, vector<16xf32>,
    %get3A_819 = arith.constant 3152 : index
    %get3A_820 = tpu.vector_load %arg6[%get3A_819] {strides = array<i32>} : memref<3200xf32, #tpu.memory_space<vmem>>, vector<16xf32>,
    %swap3A_821 = arith.constant 3201 : index
    %swap3A_822 = tpu.vector_load %arg7[%swap3A_821] {strides = array<i32>} : memref<3250xf32, #tpu.memory_space<vmem>>, vector<16xf32>,
    tpu.vector_store %arg7[%swap3A_821], %get3A_820 {strides = array<i32>} : memref<3250xf32, #tpu.memory_space<vmem>>, vector<16xf32>,
    %get3A_823 = arith.constant 3168 : index
    %get3A_824 = tpu.vector_load %arg6[%get3A_823] {strides = array<i32>} : memref<3200xf32, #tpu.memory_space<vmem>>, vector<16xf32>,
    %swap3A_825 = arith.constant 3217 : index
    %swap3A_826 = tpu.vector_load %arg7[%swap3A_825] {strides = array<i32>} : memref<3250xf32, #tpu.memory_space<vmem>>, vector<16xf32>,
    tpu.vector_store %arg7[%swap3A_825], %get3A_824 {strides = array<i32>} : memref<3250xf32, #tpu.memory_space<vmem>>, vector<16xf32>,
    %get3A_827 = arith.constant 3184 : index
    %get3A_828 = tpu.vector_load %arg6[%get3A_827] {strides = array<i32>} : memref<3200xf32, #tpu.memory_space<vmem>>, vector<16xf32>,
    %swap3A_829 = arith.constant 3233 : index
    %swap3A_830 = tpu.vector_load %arg7[%swap3A_829] {strides = array<i32>} : memref<3250xf32, #tpu.memory_space<vmem>>, vector<16xf32>,
    tpu.vector_store %arg7[%swap3A_829], %get3A_828 {strides = array<i32>} : memref<3250xf32, #tpu.memory_space<vmem>>, vector<16xf32>,
    %scan3A = arith.constant 0 : i32
    %scan3A_831 = arith.constant 64 : i32
    %scan3A_832 = arith.addi %scan3A, %scan3A_831 : i32
    %scan3A_833 = arith.constant 1 : i32
    scf.for %scan3A_877 = %scan3A to %scan3A_832 step %scan3A_833  : i32 {
      %mul3A_878 = arith.constant 128 : i32
      %mul3A_879 = arith.muli %scan3A_877, %mul3A_878 : i32
      %add3A_880 = arith.constant 0 : i32
      %add3A_881 = arith.addi %add3A_880, %mul3A_879 : i32
      %add3A_882 = arith.constant 0 : i32
      %add3A_883 = arith.addi %add3A_881, %add3A_882 : i32
      %get3A_884 = arith.index_cast %add3A_883 : i32 to index
      %get3A_885 = tpu.vector_load %arg5[%get3A_884] {strides = array<i32>} : memref<8192xi32, #tpu.memory_space<vmem>>, vector<16xi32>,
      %mul3A_886 = arith.constant 65 : i32
      %mul3A_887 = vector.broadcast %mul3A_886 : i32 to vector<16xi32>
      %mul3A_888 = arith.muli %get3A_885, %mul3A_887 : vector<16xi32>
      %swap3A_889 = arith.index_cast %add3A_883 : i32 to index
      %swap3A_890 = tpu.vector_load %arg5[%swap3A_889] {strides = array<i32>} : memref<8192xi32, #tpu.memory_space<vmem>>, vector<16xi32>,
      tpu.vector_store %arg5[%swap3A_889], %mul3A_888 {strides = array<i32>} : memref<8192xi32, #tpu.memory_space<vmem>>, vector<16xi32>,
      %add3A_891 = arith.constant 16 : i32
      %add3A_892 = arith.addi %add3A_881, %add3A_891 : i32
      %get3A_893 = arith.index_cast %add3A_892 : i32 to index
      %get3A_894 = tpu.vector_load %arg5[%get3A_893] {strides = array<i32>} : memref<8192xi32, #tpu.memory_space<vmem>>, vector<16xi32>,
      %mul3A_895 = arith.constant 65 : i32
      %mul3A_896 = vector.broadcast %mul3A_895 : i32 to vector<16xi32>
      %mul3A_897 = arith.muli %get3A_894, %mul3A_896 : vector<16xi32>
      %swap3A_898 = arith.index_cast %add3A_892 : i32 to index
      %swap3A_899 = tpu.vector_load %arg5[%swap3A_898] {strides = array<i32>} : memref<8192xi32, #tpu.memory_space<vmem>>, vector<16xi32>,
      tpu.vector_store %arg5[%swap3A_898], %mul3A_897 {strides = array<i32>} : memref<8192xi32, #tpu.memory_space<vmem>>, vector<16xi32>,
      %add3A_900 = arith.constant 32 : i32
      %add3A_901 = arith.addi %add3A_881, %add3A_900 : i32
      %get3A_902 = arith.index_cast %add3A_901 : i32 to index
      %get3A_903 = tpu.vector_load %arg5[%get3A_902] {strides = array<i32>} : memref<8192xi32, #tpu.memory_space<vmem>>, vector<16xi32>,
      %mul3A_904 = arith.constant 65 : i32
      %mul3A_905 = vector.broadcast %mul3A_904 : i32 to vector<16xi32>
      %mul3A_906 = arith.muli %get3A_903, %mul3A_905 : vector<16xi32>
      %swap3A_907 = arith.index_cast %add3A_901 : i32 to index
      %swap3A_908 = tpu.vector_load %arg5[%swap3A_907] {strides = array<i32>} : memref<8192xi32, #tpu.memory_space<vmem>>, vector<16xi32>,
      tpu.vector_store %arg5[%swap3A_907], %mul3A_906 {strides = array<i32>} : memref<8192xi32, #tpu.memory_space<vmem>>, vector<16xi32>,
      %add3A_909 = arith.constant 48 : i32
      %add3A_910 = arith.addi %add3A_881, %add3A_909 : i32
      %get3A_911 = arith.index_cast %add3A_910 : i32 to index
      %get3A_912 = tpu.vector_load %arg5[%get3A_911] {strides = array<i32>} : memref<8192xi32, #tpu.memory_space<vmem>>, vector<16xi32>,
      %mul3A_913 = arith.constant 65 : i32
      %mul3A_914 = vector.broadcast %mul3A_913 : i32 to vector<16xi32>
      %mul3A_915 = arith.muli %get3A_912, %mul3A_914 : vector<16xi32>
      %swap3A_916 = arith.index_cast %add3A_910 : i32 to index
      %swap3A_917 = tpu.vector_load %arg5[%swap3A_916] {strides = array<i32>} : memref<8192xi32, #tpu.memory_space<vmem>>, vector<16xi32>,
      tpu.vector_store %arg5[%swap3A_916], %mul3A_915 {strides = array<i32>} : memref<8192xi32, #tpu.memory_space<vmem>>, vector<16xi32>,
      %add3A_918 = arith.constant 64 : i32
      %add3A_919 = arith.addi %add3A_881, %add3A_918 : i32
      %get3A_920 = arith.index_cast %add3A_919 : i32 to index
      %get3A_921 = tpu.vector_load %arg5[%get3A_920] {strides = array<i32>} : memref<8192xi32, #tpu.memory_space<vmem>>, vector<16xi32>,
      %mul3A_922 = arith.constant 65 : i32
      %mul3A_923 = vector.broadcast %mul3A_922 : i32 to vector<16xi32>
      %mul3A_924 = arith.muli %get3A_921, %mul3A_923 : vector<16xi32>
      %swap3A_925 = arith.index_cast %add3A_919 : i32 to index
      %swap3A_926 = tpu.vector_load %arg5[%swap3A_925] {strides = array<i32>} : memref<8192xi32, #tpu.memory_space<vmem>>, vector<16xi32>,
      tpu.vector_store %arg5[%swap3A_925], %mul3A_924 {strides = array<i32>} : memref<8192xi32, #tpu.memory_space<vmem>>, vector<16xi32>,
      %add3A_927 = arith.constant 80 : i32
      %add3A_928 = arith.addi %add3A_881, %add3A_927 : i32
      %get3A_929 = arith.index_cast %add3A_928 : i32 to index
      %get3A_930 = tpu.vector_load %arg5[%get3A_929] {strides = array<i32>} : memref<8192xi32, #tpu.memory_space<vmem>>, vector<16xi32>,
      %mul3A_931 = arith.constant 65 : i32
      %mul3A_932 = vector.broadcast %mul3A_931 : i32 to vector<16xi32>
      %mul3A_933 = arith.muli %get3A_930, %mul3A_932 : vector<16xi32>
      %swap3A_934 = arith.index_cast %add3A_928 : i32 to index
      %swap3A_935 = tpu.vector_load %arg5[%swap3A_934] {strides = array<i32>} : memref<8192xi32, #tpu.memory_space<vmem>>, vector<16xi32>,
      tpu.vector_store %arg5[%swap3A_934], %mul3A_933 {strides = array<i32>} : memref<8192xi32, #tpu.memory_space<vmem>>, vector<16xi32>,
      %add3A_936 = arith.constant 96 : i32
      %add3A_937 = arith.addi %add3A_881, %add3A_936 : i32
      %get3A_938 = arith.index_cast %add3A_937 : i32 to index
      %get3A_939 = tpu.vector_load %arg5[%get3A_938] {strides = array<i32>} : memref<8192xi32, #tpu.memory_space<vmem>>, vector<16xi32>,
      %mul3A_940 = arith.constant 65 : i32
      %mul3A_941 = vector.broadcast %mul3A_940 : i32 to vector<16xi32>
      %mul3A_942 = arith.muli %get3A_939, %mul3A_941 : vector<16xi32>
      %swap3A_943 = arith.index_cast %add3A_937 : i32 to index
      %swap3A_944 = tpu.vector_load %arg5[%swap3A_943] {strides = array<i32>} : memref<8192xi32, #tpu.memory_space<vmem>>, vector<16xi32>,
      tpu.vector_store %arg5[%swap3A_943], %mul3A_942 {strides = array<i32>} : memref<8192xi32, #tpu.memory_space<vmem>>, vector<16xi32>,
      %add3A_945 = arith.constant 112 : i32
      %add3A_946 = arith.addi %add3A_881, %add3A_945 : i32
      %get3A_947 = arith.index_cast %add3A_946 : i32 to index
      %get3A_948 = tpu.vector_load %arg5[%get3A_947] {strides = array<i32>} : memref<8192xi32, #tpu.memory_space<vmem>>, vector<16xi32>,
      %mul3A_949 = arith.constant 65 : i32
      %mul3A_950 = vector.broadcast %mul3A_949 : i32 to vector<16xi32>
      %mul3A_951 = arith.muli %get3A_948, %mul3A_950 : vector<16xi32>
      %swap3A_952 = arith.index_cast %add3A_946 : i32 to index
      %swap3A_953 = tpu.vector_load %arg5[%swap3A_952] {strides = array<i32>} : memref<8192xi32, #tpu.memory_space<vmem>>, vector<16xi32>,
      tpu.vector_store %arg5[%swap3A_952], %mul3A_951 {strides = array<i32>} : memref<8192xi32, #tpu.memory_space<vmem>>, vector<16xi32>,
    }
    %scan3A_834 = arith.constant 64 : i32
    %scan3A_835 = arith.constant 0 : i32
    %scan3A_836 = arith.constant 32 : i32
    %scan3A_837 = arith.addi %scan3A_835, %scan3A_836 : i32
    %scan3A_838 = arith.constant 1 : i32
    scf.for %scan3A_877 = %scan3A_835 to %scan3A_837 step %scan3A_838  : i32 {
      %mul3A_878 = arith.constant 2 : i32
      %mul3A_879 = arith.muli %scan3A_877, %mul3A_878 : i32
      %add3A_880 = arith.constant 0 : i32
      %add3A_881 = arith.addi %add3A_880, %mul3A_879 : i32
      %add3A_882 = arith.constant 0 : i32
      %add3A_883 = arith.addi %add3A_881, %add3A_882 : i32
      %gt3A = arith.constant 0 : i32
      %gt3A_884 = arith.cmpi sgt, %add3A_881, %gt3A : i32
      %convert_element_type3A = arith.extui %gt3A_884 : i1 to i32
      %cond3A = arith.constant 0 : i32
      %cond3A_885 = arith.cmpi ne, %convert_element_type3A, %cond3A : i32
      scf.if %cond3A_885 {
        %dma_wait3A_1033 = arith.constant 0 : i32
        %dma_wait3A_1034 = arith.constant 0 : i32
        %dma_wait3A_1035 = arith.constant 0 : i32
        %dma_wait3A_1036 = arith.constant 0 : i32
        %dma_wait3A_1037 = arith.constant 0 : i32
        %dma_wait3A_1038 = tpu.memref_slice %arg8[%dma_wait3A_1033, %dma_wait3A_1036, %dma_wait3A_1037] : memref<2x64x128xf32, #tpu.memory_space<vmem>> -> memref<1x64x128xf32, #tpu.memory_space<vmem>>
        %dma_wait3A_1039 = tpu.memref_squeeze %dma_wait3A_1038 : memref<1x64x128xf32, #tpu.memory_space<vmem>> -> memref<64x128xf32, #tpu.memory_space<vmem>>
        %dma_wait3A_1040 = arith.constant 0 : i32
        %dma_wait3A_1041 = arith.constant 0 : i32
        %dma_wait3A_1042 = tpu.memref_slice %arg4[%dma_wait3A_1034, %dma_wait3A_1035, %dma_wait3A_1040, %dma_wait3A_1041] : memref<16x128x64x128xf32, #tpu.memory_space<hbm>> -> memref<1x1x64x128xf32, #tpu.memory_space<hbm>>
        %dma_wait3A_1043 = tpu.memref_squeeze %dma_wait3A_1042 : memref<1x1x64x128xf32, #tpu.memory_space<hbm>> -> memref<64x128xf32, #tpu.memory_space<hbm>>
        %dma_wait3A_1044 = arith.constant 0 : i32
        %dma_wait3A_1045 = arith.constant 0 : i32
        %dma_wait3A_1046 = tpu.memref_slice %arg4[%dma_wait3A_1034, %dma_wait3A_1035, %dma_wait3A_1044, %dma_wait3A_1045] : memref<16x128x64x128xf32, #tpu.memory_space<hbm>> -> memref<1x1x64x128xf32, #tpu.memory_space<hbm>>
        %dma_wait3A_1047 = tpu.memref_squeeze %dma_wait3A_1046 : memref<1x1x64x128xf32, #tpu.memory_space<hbm>> -> memref<64x128xf32, #tpu.memory_space<hbm>>
        %dma_wait3A_1048 = arith.constant 0 : i32
        %dma_wait3A_1049 = arith.constant 0 : i32
        %dma_wait3A_1050 = tpu.memref_slice %arg8[%dma_wait3A_1033, %dma_wait3A_1048, %dma_wait3A_1049] : memref<2x64x128xf32, #tpu.memory_space<vmem>> -> memref<1x64x128xf32, #tpu.memory_space<vmem>>
        %dma_wait3A_1051 = tpu.memref_squeeze %dma_wait3A_1050 : memref<1x64x128xf32, #tpu.memory_space<vmem>> -> memref<64x128xf32, #tpu.memory_space<vmem>>
        tpu.wait_dma2 semaphore(%arg9 : memref<!tpu.dma_semaphore, #tpu.memory_space<semaphore_mem>>) src(%dma_wait3A_1051 : memref<64x128xf32, #tpu.memory_space<vmem>>) dst(%dma_wait3A_1047 : memref<64x128xf32, #tpu.memory_space<hbm>>)
      } else {
      }
      %mul3A_886 = arith.constant 128 : i32
      %mul3A_887 = arith.muli %add3A_883, %mul3A_886 : i32
      %add3A_888 = arith.constant 0 : i32
      %add3A_889 = arith.addi %mul3A_887, %add3A_888 : i32
      %get3A_890 = arith.index_cast %add3A_889 : i32 to index
      %get3A_891 = tpu.vector_load %arg5[%get3A_890] {strides = array<i32>} : memref<8192xi32, #tpu.memory_space<vmem>>, vector<16xi32>,
      %mul3A_892 = arith.constant 128 : i32
      %mul3A_893 = arith.muli %add3A_883, %mul3A_892 : i32
      %add3A_894 = arith.constant 16 : i32
      %add3A_895 = arith.addi %mul3A_893, %add3A_894 : i32
      %get3A_896 = arith.index_cast %add3A_895 : i32 to index
      %get3A_897 = tpu.vector_load %arg5[%get3A_896] {strides = array<i32>} : memref<8192xi32, #tpu.memory_space<vmem>>, vector<16xi32>,
      %mul3A_898 = arith.constant 128 : i32
      %mul3A_899 = arith.muli %add3A_883, %mul3A_898 : i32
      %add3A_900 = arith.constant 32 : i32
      %add3A_901 = arith.addi %mul3A_899, %add3A_900 : i32
      %get3A_902 = arith.index_cast %add3A_901 : i32 to index
      %get3A_903 = tpu.vector_load %arg5[%get3A_902] {strides = array<i32>} : memref<8192xi32, #tpu.memory_space<vmem>>, vector<16xi32>,
      %mul3A_904 = arith.constant 128 : i32
      %mul3A_905 = arith.muli %add3A_883, %mul3A_904 : i32
      %add3A_906 = arith.constant 48 : i32
      %add3A_907 = arith.addi %mul3A_905, %add3A_906 : i32
      %get3A_908 = arith.index_cast %add3A_907 : i32 to index
      %get3A_909 = tpu.vector_load %arg5[%get3A_908] {strides = array<i32>} : memref<8192xi32, #tpu.memory_space<vmem>>, vector<16xi32>,
      %mul3A_910 = arith.constant 128 : i32
      %mul3A_911 = arith.muli %add3A_883, %mul3A_910 : i32
      %add3A_912 = arith.constant 64 : i32
      %add3A_913 = arith.addi %mul3A_911, %add3A_912 : i32
      %get3A_914 = arith.index_cast %add3A_913 : i32 to index
      %get3A_915 = tpu.vector_load %arg5[%get3A_914] {strides = array<i32>} : memref<8192xi32, #tpu.memory_space<vmem>>, vector<16xi32>,
      %mul3A_916 = arith.constant 128 : i32
      %mul3A_917 = arith.muli %add3A_883, %mul3A_916 : i32
      %add3A_918 = arith.constant 80 : i32
      %add3A_919 = arith.addi %mul3A_917, %add3A_918 : i32
      %get3A_920 = arith.index_cast %add3A_919 : i32 to index
      %get3A_921 = tpu.vector_load %arg5[%get3A_920] {strides = array<i32>} : memref<8192xi32, #tpu.memory_space<vmem>>, vector<16xi32>,
      %mul3A_922 = arith.constant 128 : i32
      %mul3A_923 = arith.muli %add3A_883, %mul3A_922 : i32
      %add3A_924 = arith.constant 96 : i32
      %add3A_925 = arith.addi %mul3A_923, %add3A_924 : i32
      %get3A_926 = arith.index_cast %add3A_925 : i32 to index
      %get3A_927 = tpu.vector_load %arg5[%get3A_926] {strides = array<i32>} : memref<8192xi32, #tpu.memory_space<vmem>>, vector<16xi32>,
      %mul3A_928 = arith.constant 128 : i32
      %mul3A_929 = arith.muli %add3A_883, %mul3A_928 : i32
      %add3A_930 = arith.constant 112 : i32
      %add3A_931 = arith.addi %mul3A_929, %add3A_930 : i32
      %get3A_932 = arith.index_cast %add3A_931 : i32 to index
      %get3A_933 = tpu.vector_load %arg5[%get3A_932] {strides = array<i32>} : memref<8192xi32, #tpu.memory_space<vmem>>, vector<16xi32>,
      %parallel_loop3A = arith.constant 0 : i32
      %parallel_loop3A_934 = arith.constant 64 : i32
      %parallel_loop3A_935 = arith.constant 1 : i32
      scf.for %parallel_loop3A_1033 = %parallel_loop3A to %parallel_loop3A_934 step %parallel_loop3A_935  : i32 {
        %parallel_loop3A_1034 = vector.broadcast %parallel_loop3A_1033 : i32 to vector<16xi32>
        %parallel_loop3A_1035 = arith.addi %get3A_891, %parallel_loop3A_1034 : vector<16xi32>
        %parallel_loop3A_1036 = tpu.vector_load_idx %arg7[%parallel_loop3A_1035] : memref<3250xf32, #tpu.memory_space<vmem>>[vector<16xi32>], vector<16xf32>,
        %parallel_loop3A_1037 = arith.constant 0 : i32
        %parallel_loop3A_1038 = arith.index_cast %parallel_loop3A_1037 : i32 to index
        %parallel_loop3A_1039 = arith.index_cast %parallel_loop3A_1033 : i32 to index
        %parallel_loop3A_1040 = arith.constant 0 : index
        %parallel_loop3A_1041 = tpu.vector_load %arg8[%parallel_loop3A_1038, %parallel_loop3A_1039, %parallel_loop3A_1040] {strides = array<i32>} : memref<2x64x128xf32, #tpu.memory_space<vmem>>, vector<16xf32>,
        tpu.vector_store %arg8[%parallel_loop3A_1038, %parallel_loop3A_1039, %parallel_loop3A_1040], %parallel_loop3A_1036 {strides = array<i32>} : memref<2x64x128xf32, #tpu.memory_space<vmem>>, vector<16xf32>,
        %parallel_loop3A_1042 = vector.broadcast %parallel_loop3A_1033 : i32 to vector<16xi32>
        %parallel_loop3A_1043 = arith.addi %get3A_897, %parallel_loop3A_1042 : vector<16xi32>
        %parallel_loop3A_1044 = tpu.vector_load_idx %arg7[%parallel_loop3A_1043] : memref<3250xf32, #tpu.memory_space<vmem>>[vector<16xi32>], vector<16xf32>,
        %parallel_loop3A_1045 = arith.constant 0 : i32
        %parallel_loop3A_1046 = arith.index_cast %parallel_loop3A_1045 : i32 to index
        %parallel_loop3A_1047 = arith.index_cast %parallel_loop3A_1033 : i32 to index
        %parallel_loop3A_1048 = arith.constant 16 : index
        %parallel_loop3A_1049 = tpu.vector_load %arg8[%parallel_loop3A_1046, %parallel_loop3A_1047, %parallel_loop3A_1048] {strides = array<i32>} : memref<2x64x128xf32, #tpu.memory_space<vmem>>, vector<16xf32>,
        tpu.vector_store %arg8[%parallel_loop3A_1046, %parallel_loop3A_1047, %parallel_loop3A_1048], %parallel_loop3A_1044 {strides = array<i32>} : memref<2x64x128xf32, #tpu.memory_space<vmem>>, vector<16xf32>,
        %parallel_loop3A_1050 = vector.broadcast %parallel_loop3A_1033 : i32 to vector<16xi32>
        %parallel_loop3A_1051 = arith.addi %get3A_903, %parallel_loop3A_1050 : vector<16xi32>
        %parallel_loop3A_1052 = tpu.vector_load_idx %arg7[%parallel_loop3A_1051] : memref<3250xf32, #tpu.memory_space<vmem>>[vector<16xi32>], vector<16xf32>,
        %parallel_loop3A_1053 = arith.constant 0 : i32
        %parallel_loop3A_1054 = arith.index_cast %parallel_loop3A_1053 : i32 to index
        %parallel_loop3A_1055 = arith.index_cast %parallel_loop3A_1033 : i32 to index
        %parallel_loop3A_1056 = arith.constant 32 : index
        %parallel_loop3A_1057 = tpu.vector_load %arg8[%parallel_loop3A_1054, %parallel_loop3A_1055, %parallel_loop3A_1056] {strides = array<i32>} : memref<2x64x128xf32, #tpu.memory_space<vmem>>, vector<16xf32>,
        tpu.vector_store %arg8[%parallel_loop3A_1054, %parallel_loop3A_1055, %parallel_loop3A_1056], %parallel_loop3A_1052 {strides = array<i32>} : memref<2x64x128xf32, #tpu.memory_space<vmem>>, vector<16xf32>,
        %parallel_loop3A_1058 = vector.broadcast %parallel_loop3A_1033 : i32 to vector<16xi32>
        %parallel_loop3A_1059 = arith.addi %get3A_909, %parallel_loop3A_1058 : vector<16xi32>
        %parallel_loop3A_1060 = tpu.vector_load_idx %arg7[%parallel_loop3A_1059] : memref<3250xf32, #tpu.memory_space<vmem>>[vector<16xi32>], vector<16xf32>,
        %parallel_loop3A_1061 = arith.constant 0 : i32
        %parallel_loop3A_1062 = arith.index_cast %parallel_loop3A_1061 : i32 to index
        %parallel_loop3A_1063 = arith.index_cast %parallel_loop3A_1033 : i32 to index
        %parallel_loop3A_1064 = arith.constant 48 : index
        %parallel_loop3A_1065 = tpu.vector_load %arg8[%parallel_loop3A_1062, %parallel_loop3A_1063, %parallel_loop3A_1064] {strides = array<i32>} : memref<2x64x128xf32, #tpu.memory_space<vmem>>, vector<16xf32>,
        tpu.vector_store %arg8[%parallel_loop3A_1062, %parallel_loop3A_1063, %parallel_loop3A_1064], %parallel_loop3A_1060 {strides = array<i32>} : memref<2x64x128xf32, #tpu.memory_space<vmem>>, vector<16xf32>,
        %parallel_loop3A_1066 = vector.broadcast %parallel_loop3A_1033 : i32 to vector<16xi32>
        %parallel_loop3A_1067 = arith.addi %get3A_915, %parallel_loop3A_1066 : vector<16xi32>
        %parallel_loop3A_1068 = tpu.vector_load_idx %arg7[%parallel_loop3A_1067] : memref<3250xf32, #tpu.memory_space<vmem>>[vector<16xi32>], vector<16xf32>,
        %parallel_loop3A_1069 = arith.constant 0 : i32
        %parallel_loop3A_1070 = arith.index_cast %parallel_loop3A_1069 : i32 to index
        %parallel_loop3A_1071 = arith.index_cast %parallel_loop3A_1033 : i32 to index
        %parallel_loop3A_1072 = arith.constant 64 : index
        %parallel_loop3A_1073 = tpu.vector_load %arg8[%parallel_loop3A_1070, %parallel_loop3A_1071, %parallel_loop3A_1072] {strides = array<i32>} : memref<2x64x128xf32, #tpu.memory_space<vmem>>, vector<16xf32>,
        tpu.vector_store %arg8[%parallel_loop3A_1070, %parallel_loop3A_1071, %parallel_loop3A_1072], %parallel_loop3A_1068 {strides = array<i32>} : memref<2x64x128xf32, #tpu.memory_space<vmem>>, vector<16xf32>,
        %parallel_loop3A_1074 = vector.broadcast %parallel_loop3A_1033 : i32 to vector<16xi32>
        %parallel_loop3A_1075 = arith.addi %get3A_921, %parallel_loop3A_1074 : vector<16xi32>
        %parallel_loop3A_1076 = tpu.vector_load_idx %arg7[%parallel_loop3A_1075] : memref<3250xf32, #tpu.memory_space<vmem>>[vector<16xi32>], vector<16xf32>,
        %parallel_loop3A_1077 = arith.constant 0 : i32
        %parallel_loop3A_1078 = arith.index_cast %parallel_loop3A_1077 : i32 to index
        %parallel_loop3A_1079 = arith.index_cast %parallel_loop3A_1033 : i32 to index
        %parallel_loop3A_1080 = arith.constant 80 : index
        %parallel_loop3A_1081 = tpu.vector_load %arg8[%parallel_loop3A_1078, %parallel_loop3A_1079, %parallel_loop3A_1080] {strides = array<i32>} : memref<2x64x128xf32, #tpu.memory_space<vmem>>, vector<16xf32>,
        tpu.vector_store %arg8[%parallel_loop3A_1078, %parallel_loop3A_1079, %parallel_loop3A_1080], %parallel_loop3A_1076 {strides = array<i32>} : memref<2x64x128xf32, #tpu.memory_space<vmem>>, vector<16xf32>,
        %parallel_loop3A_1082 = vector.broadcast %parallel_loop3A_1033 : i32 to vector<16xi32>
        %parallel_loop3A_1083 = arith.addi %get3A_927, %parallel_loop3A_1082 : vector<16xi32>
        %parallel_loop3A_1084 = tpu.vector_load_idx %arg7[%parallel_loop3A_1083] : memref<3250xf32, #tpu.memory_space<vmem>>[vector<16xi32>], vector<16xf32>,
        %parallel_loop3A_1085 = arith.constant 0 : i32
        %parallel_loop3A_1086 = arith.index_cast %parallel_loop3A_1085 : i32 to index
        %parallel_loop3A_1087 = arith.index_cast %parallel_loop3A_1033 : i32 to index
        %parallel_loop3A_1088 = arith.constant 96 : index
        %parallel_loop3A_1089 = tpu.vector_load %arg8[%parallel_loop3A_1086, %parallel_loop3A_1087, %parallel_loop3A_1088] {strides = array<i32>} : memref<2x64x128xf32, #tpu.memory_space<vmem>>, vector<16xf32>,
        tpu.vector_store %arg8[%parallel_loop3A_1086, %parallel_loop3A_1087, %parallel_loop3A_1088], %parallel_loop3A_1084 {strides = array<i32>} : memref<2x64x128xf32, #tpu.memory_space<vmem>>, vector<16xf32>,
        %parallel_loop3A_1090 = vector.broadcast %parallel_loop3A_1033 : i32 to vector<16xi32>
        %parallel_loop3A_1091 = arith.addi %get3A_933, %parallel_loop3A_1090 : vector<16xi32>
        %parallel_loop3A_1092 = tpu.vector_load_idx %arg7[%parallel_loop3A_1091] : memref<3250xf32, #tpu.memory_space<vmem>>[vector<16xi32>], vector<16xf32>,
        %parallel_loop3A_1093 = arith.constant 0 : i32
        %parallel_loop3A_1094 = arith.index_cast %parallel_loop3A_1093 : i32 to index
        %parallel_loop3A_1095 = arith.index_cast %parallel_loop3A_1033 : i32 to index
        %parallel_loop3A_1096 = arith.constant 112 : index
        %parallel_loop3A_1097 = tpu.vector_load %arg8[%parallel_loop3A_1094, %parallel_loop3A_1095, %parallel_loop3A_1096] {strides = array<i32>} : memref<2x64x128xf32, #tpu.memory_space<vmem>>, vector<16xf32>,
        tpu.vector_store %arg8[%parallel_loop3A_1094, %parallel_loop3A_1095, %parallel_loop3A_1096], %parallel_loop3A_1092 {strides = array<i32>} : memref<2x64x128xf32, #tpu.memory_space<vmem>>, vector<16xf32>,
      } {sc.loop_unroll_factor = 8 : i64, sc.parallel_access}
      %mul3A_936 = arith.constant 64 : i32
      %mul3A_937 = arith.muli %select_n3A_30, %mul3A_936 : i32
      %add3A_938 = arith.addi %mul3A_937, %add3A_883 : i32
      %dma_start3A = arith.constant 0 : i32
      %dma_start3A_939 = arith.constant 0 : i32
      %dma_start3A_940 = arith.constant 0 : i32
      %dma_start3A_941 = tpu.memref_slice %arg8[%dma_start3A, %dma_start3A_939, %dma_start3A_940] : memref<2x64x128xf32, #tpu.memory_space<vmem>> -> memref<1x64x128xf32, #tpu.memory_space<vmem>>
      %dma_start3A_942 = tpu.memref_squeeze %dma_start3A_941 : memref<1x64x128xf32, #tpu.memory_space<vmem>> -> memref<64x128xf32, #tpu.memory_space<vmem>>
      %dma_start3A_943 = arith.constant 0 : i32
      %dma_start3A_944 = arith.constant 0 : i32
      %dma_start3A_945 = tpu.memref_slice %arg4[%select_n3A, %add3A_938, %dma_start3A_943, %dma_start3A_944] : memref<16x128x64x128xf32, #tpu.memory_space<hbm>> -> memref<1x1x64x128xf32, #tpu.memory_space<hbm>>
      %dma_start3A_946 = tpu.memref_squeeze %dma_start3A_945 : memref<1x1x64x128xf32, #tpu.memory_space<hbm>> -> memref<64x128xf32, #tpu.memory_space<hbm>>
      %dma_start3A_947 = arith.constant 0 : i32
      %dma_start3A_948 = arith.constant 0 : i32
      %dma_start3A_949 = tpu.memref_slice %arg4[%select_n3A, %add3A_938, %dma_start3A_947, %dma_start3A_948] : memref<16x128x64x128xf32, #tpu.memory_space<hbm>> -> memref<1x1x64x128xf32, #tpu.memory_space<hbm>>
      %dma_start3A_950 = tpu.memref_squeeze %dma_start3A_949 : memref<1x1x64x128xf32, #tpu.memory_space<hbm>> -> memref<64x128xf32, #tpu.memory_space<hbm>>
      %dma_start3A_951 = arith.constant 0 : i32
      %dma_start3A_952 = arith.constant 0 : i32
      %dma_start3A_953 = tpu.memref_slice %arg8[%dma_start3A, %dma_start3A_951, %dma_start3A_952] : memref<2x64x128xf32, #tpu.memory_space<vmem>> -> memref<1x64x128xf32, #tpu.memory_space<vmem>>
      %dma_start3A_954 = tpu.memref_squeeze %dma_start3A_953 : memref<1x64x128xf32, #tpu.memory_space<vmem>> -> memref<64x128xf32, #tpu.memory_space<vmem>>
      tpu.enqueue_dma source(%dma_start3A_954 : memref<64x128xf32, #tpu.memory_space<vmem>>) target(%dma_start3A_950 : memref<64x128xf32, #tpu.memory_space<hbm>>) target_semaphore(%arg9 : memref<!tpu.dma_semaphore, #tpu.memory_space<semaphore_mem>>)
      %add3A_955 = arith.constant 1 : i32
      %add3A_956 = arith.addi %add3A_881, %add3A_955 : i32
      %gt3A_957 = arith.constant 0 : i32
      %gt3A_958 = arith.cmpi sgt, %add3A_881, %gt3A_957 : i32
      %convert_element_type3A_959 = arith.extui %gt3A_958 : i1 to i32
      %cond3A_960 = arith.constant 0 : i32
      %cond3A_961 = arith.cmpi ne, %convert_element_type3A_959, %cond3A_960 : i32
      scf.if %cond3A_961 {
        %dma_wait3A_1033 = arith.constant 1 : i32
        %dma_wait3A_1034 = arith.constant 0 : i32
        %dma_wait3A_1035 = arith.constant 0 : i32
        %dma_wait3A_1036 = arith.constant 0 : i32
        %dma_wait3A_1037 = arith.constant 0 : i32
        %dma_wait3A_1038 = tpu.memref_slice %arg8[%dma_wait3A_1033, %dma_wait3A_1036, %dma_wait3A_1037] : memref<2x64x128xf32, #tpu.memory_space<vmem>> -> memref<1x64x128xf32, #tpu.memory_space<vmem>>
        %dma_wait3A_1039 = tpu.memref_squeeze %dma_wait3A_1038 : memref<1x64x128xf32, #tpu.memory_space<vmem>> -> memref<64x128xf32, #tpu.memory_space<vmem>>
        %dma_wait3A_1040 = arith.constant 0 : i32
        %dma_wait3A_1041 = arith.constant 0 : i32
        %dma_wait3A_1042 = tpu.memref_slice %arg4[%dma_wait3A_1034, %dma_wait3A_1035, %dma_wait3A_1040, %dma_wait3A_1041] : memref<16x128x64x128xf32, #tpu.memory_space<hbm>> -> memref<1x1x64x128xf32, #tpu.memory_space<hbm>>
        %dma_wait3A_1043 = tpu.memref_squeeze %dma_wait3A_1042 : memref<1x1x64x128xf32, #tpu.memory_space<hbm>> -> memref<64x128xf32, #tpu.memory_space<hbm>>
        %dma_wait3A_1044 = arith.constant 0 : i32
        %dma_wait3A_1045 = arith.constant 0 : i32
        %dma_wait3A_1046 = tpu.memref_slice %arg4[%dma_wait3A_1034, %dma_wait3A_1035, %dma_wait3A_1044, %dma_wait3A_1045] : memref<16x128x64x128xf32, #tpu.memory_space<hbm>> -> memref<1x1x64x128xf32, #tpu.memory_space<hbm>>
        %dma_wait3A_1047 = tpu.memref_squeeze %dma_wait3A_1046 : memref<1x1x64x128xf32, #tpu.memory_space<hbm>> -> memref<64x128xf32, #tpu.memory_space<hbm>>
        %dma_wait3A_1048 = arith.constant 0 : i32
        %dma_wait3A_1049 = arith.constant 0 : i32
        %dma_wait3A_1050 = tpu.memref_slice %arg8[%dma_wait3A_1033, %dma_wait3A_1048, %dma_wait3A_1049] : memref<2x64x128xf32, #tpu.memory_space<vmem>> -> memref<1x64x128xf32, #tpu.memory_space<vmem>>
        %dma_wait3A_1051 = tpu.memref_squeeze %dma_wait3A_1050 : memref<1x64x128xf32, #tpu.memory_space<vmem>> -> memref<64x128xf32, #tpu.memory_space<vmem>>
        tpu.wait_dma2 semaphore(%arg10 : memref<!tpu.dma_semaphore, #tpu.memory_space<semaphore_mem>>) src(%dma_wait3A_1051 : memref<64x128xf32, #tpu.memory_space<vmem>>) dst(%dma_wait3A_1047 : memref<64x128xf32, #tpu.memory_space<hbm>>)
      } else {
      }
      %mul3A_962 = arith.constant 128 : i32
      %mul3A_963 = arith.muli %add3A_956, %mul3A_962 : i32
      %add3A_964 = arith.constant 0 : i32
      %add3A_965 = arith.addi %mul3A_963, %add3A_964 : i32
      %get3A_966 = arith.index_cast %add3A_965 : i32 to index
      %get3A_967 = tpu.vector_load %arg5[%get3A_966] {strides = array<i32>} : memref<8192xi32, #tpu.memory_space<vmem>>, vector<16xi32>,
      %mul3A_968 = arith.constant 128 : i32
      %mul3A_969 = arith.muli %add3A_956, %mul3A_968 : i32
      %add3A_970 = arith.constant 16 : i32
      %add3A_971 = arith.addi %mul3A_969, %add3A_970 : i32
      %get3A_972 = arith.index_cast %add3A_971 : i32 to index
      %get3A_973 = tpu.vector_load %arg5[%get3A_972] {strides = array<i32>} : memref<8192xi32, #tpu.memory_space<vmem>>, vector<16xi32>,
      %mul3A_974 = arith.constant 128 : i32
      %mul3A_975 = arith.muli %add3A_956, %mul3A_974 : i32
      %add3A_976 = arith.constant 32 : i32
      %add3A_977 = arith.addi %mul3A_975, %add3A_976 : i32
      %get3A_978 = arith.index_cast %add3A_977 : i32 to index
      %get3A_979 = tpu.vector_load %arg5[%get3A_978] {strides = array<i32>} : memref<8192xi32, #tpu.memory_space<vmem>>, vector<16xi32>,
      %mul3A_980 = arith.constant 128 : i32
      %mul3A_981 = arith.muli %add3A_956, %mul3A_980 : i32
      %add3A_982 = arith.constant 48 : i32
      %add3A_983 = arith.addi %mul3A_981, %add3A_982 : i32
      %get3A_984 = arith.index_cast %add3A_983 : i32 to index
      %get3A_985 = tpu.vector_load %arg5[%get3A_984] {strides = array<i32>} : memref<8192xi32, #tpu.memory_space<vmem>>, vector<16xi32>,
      %mul3A_986 = arith.constant 128 : i32
      %mul3A_987 = arith.muli %add3A_956, %mul3A_986 : i32
      %add3A_988 = arith.constant 64 : i32
      %add3A_989 = arith.addi %mul3A_987, %add3A_988 : i32
      %get3A_990 = arith.index_cast %add3A_989 : i32 to index
      %get3A_991 = tpu.vector_load %arg5[%get3A_990] {strides = array<i32>} : memref<8192xi32, #tpu.memory_space<vmem>>, vector<16xi32>,
      %mul3A_992 = arith.constant 128 : i32
      %mul3A_993 = arith.muli %add3A_956, %mul3A_992 : i32
      %add3A_994 = arith.constant 80 : i32
      %add3A_995 = arith.addi %mul3A_993, %add3A_994 : i32
      %get3A_996 = arith.index_cast %add3A_995 : i32 to index
      %get3A_997 = tpu.vector_load %arg5[%get3A_996] {strides = array<i32>} : memref<8192xi32, #tpu.memory_space<vmem>>, vector<16xi32>,
      %mul3A_998 = arith.constant 128 : i32
      %mul3A_999 = arith.muli %add3A_956, %mul3A_998 : i32
      %add3A_1000 = arith.constant 96 : i32
      %add3A_1001 = arith.addi %mul3A_999, %add3A_1000 : i32
      %get3A_1002 = arith.index_cast %add3A_1001 : i32 to index
      %get3A_1003 = tpu.vector_load %arg5[%get3A_1002] {strides = array<i32>} : memref<8192xi32, #tpu.memory_space<vmem>>, vector<16xi32>,
      %mul3A_1004 = arith.constant 128 : i32
      %mul3A_1005 = arith.muli %add3A_956, %mul3A_1004 : i32
      %add3A_1006 = arith.constant 112 : i32
      %add3A_1007 = arith.addi %mul3A_1005, %add3A_1006 : i32
      %get3A_1008 = arith.index_cast %add3A_1007 : i32 to index
      %get3A_1009 = tpu.vector_load %arg5[%get3A_1008] {strides = array<i32>} : memref<8192xi32, #tpu.memory_space<vmem>>, vector<16xi32>,
      %parallel_loop3A_1010 = arith.constant 0 : i32
      %parallel_loop3A_1011 = arith.constant 64 : i32
      %parallel_loop3A_1012 = arith.constant 1 : i32
      scf.for %parallel_loop3A_1033 = %parallel_loop3A_1010 to %parallel_loop3A_1011 step %parallel_loop3A_1012  : i32 {
        %parallel_loop3A_1034 = vector.broadcast %parallel_loop3A_1033 : i32 to vector<16xi32>
        %parallel_loop3A_1035 = arith.addi %get3A_967, %parallel_loop3A_1034 : vector<16xi32>
        %parallel_loop3A_1036 = tpu.vector_load_idx %arg7[%parallel_loop3A_1035] : memref<3250xf32, #tpu.memory_space<vmem>>[vector<16xi32>], vector<16xf32>,
        %parallel_loop3A_1037 = arith.constant 1 : i32
        %parallel_loop3A_1038 = arith.index_cast %parallel_loop3A_1037 : i32 to index
        %parallel_loop3A_1039 = arith.index_cast %parallel_loop3A_1033 : i32 to index
        %parallel_loop3A_1040 = arith.constant 0 : index
        %parallel_loop3A_1041 = tpu.vector_load %arg8[%parallel_loop3A_1038, %parallel_loop3A_1039, %parallel_loop3A_1040] {strides = array<i32>} : memref<2x64x128xf32, #tpu.memory_space<vmem>>, vector<16xf32>,
        tpu.vector_store %arg8[%parallel_loop3A_1038, %parallel_loop3A_1039, %parallel_loop3A_1040], %parallel_loop3A_1036 {strides = array<i32>} : memref<2x64x128xf32, #tpu.memory_space<vmem>>, vector<16xf32>,
        %parallel_loop3A_1042 = vector.broadcast %parallel_loop3A_1033 : i32 to vector<16xi32>
        %parallel_loop3A_1043 = arith.addi %get3A_973, %parallel_loop3A_1042 : vector<16xi32>
        %parallel_loop3A_1044 = tpu.vector_load_idx %arg7[%parallel_loop3A_1043] : memref<3250xf32, #tpu.memory_space<vmem>>[vector<16xi32>], vector<16xf32>,
        %parallel_loop3A_1045 = arith.constant 1 : i32
        %parallel_loop3A_1046 = arith.index_cast %parallel_loop3A_1045 : i32 to index
        %parallel_loop3A_1047 = arith.index_cast %parallel_loop3A_1033 : i32 to index
        %parallel_loop3A_1048 = arith.constant 16 : index
        %parallel_loop3A_1049 = tpu.vector_load %arg8[%parallel_loop3A_1046, %parallel_loop3A_1047, %parallel_loop3A_1048] {strides = array<i32>} : memref<2x64x128xf32, #tpu.memory_space<vmem>>, vector<16xf32>,
        tpu.vector_store %arg8[%parallel_loop3A_1046, %parallel_loop3A_1047, %parallel_loop3A_1048], %parallel_loop3A_1044 {strides = array<i32>} : memref<2x64x128xf32, #tpu.memory_space<vmem>>, vector<16xf32>,
        %parallel_loop3A_1050 = vector.broadcast %parallel_loop3A_1033 : i32 to vector<16xi32>
        %parallel_loop3A_1051 = arith.addi %get3A_979, %parallel_loop3A_1050 : vector<16xi32>
        %parallel_loop3A_1052 = tpu.vector_load_idx %arg7[%parallel_loop3A_1051] : memref<3250xf32, #tpu.memory_space<vmem>>[vector<16xi32>], vector<16xf32>,
        %parallel_loop3A_1053 = arith.constant 1 : i32
        %parallel_loop3A_1054 = arith.index_cast %parallel_loop3A_1053 : i32 to index
        %parallel_loop3A_1055 = arith.index_cast %parallel_loop3A_1033 : i32 to index
        %parallel_loop3A_1056 = arith.constant 32 : index
        %parallel_loop3A_1057 = tpu.vector_load %arg8[%parallel_loop3A_1054, %parallel_loop3A_1055, %parallel_loop3A_1056] {strides = array<i32>} : memref<2x64x128xf32, #tpu.memory_space<vmem>>, vector<16xf32>,
        tpu.vector_store %arg8[%parallel_loop3A_1054, %parallel_loop3A_1055, %parallel_loop3A_1056], %parallel_loop3A_1052 {strides = array<i32>} : memref<2x64x128xf32, #tpu.memory_space<vmem>>, vector<16xf32>,
        %parallel_loop3A_1058 = vector.broadcast %parallel_loop3A_1033 : i32 to vector<16xi32>
        %parallel_loop3A_1059 = arith.addi %get3A_985, %parallel_loop3A_1058 : vector<16xi32>
        %parallel_loop3A_1060 = tpu.vector_load_idx %arg7[%parallel_loop3A_1059] : memref<3250xf32, #tpu.memory_space<vmem>>[vector<16xi32>], vector<16xf32>,
        %parallel_loop3A_1061 = arith.constant 1 : i32
        %parallel_loop3A_1062 = arith.index_cast %parallel_loop3A_1061 : i32 to index
        %parallel_loop3A_1063 = arith.index_cast %parallel_loop3A_1033 : i32 to index
        %parallel_loop3A_1064 = arith.constant 48 : index
        %parallel_loop3A_1065 = tpu.vector_load %arg8[%parallel_loop3A_1062, %parallel_loop3A_1063, %parallel_loop3A_1064] {strides = array<i32>} : memref<2x64x128xf32, #tpu.memory_space<vmem>>, vector<16xf32>,
        tpu.vector_store %arg8[%parallel_loop3A_1062, %parallel_loop3A_1063, %parallel_loop3A_1064], %parallel_loop3A_1060 {strides = array<i32>} : memref<2x64x128xf32, #tpu.memory_space<vmem>>, vector<16xf32>,
        %parallel_loop3A_1066 = vector.broadcast %parallel_loop3A_1033 : i32 to vector<16xi32>
        %parallel_loop3A_1067 = arith.addi %get3A_991, %parallel_loop3A_1066 : vector<16xi32>
        %parallel_loop3A_1068 = tpu.vector_load_idx %arg7[%parallel_loop3A_1067] : memref<3250xf32, #tpu.memory_space<vmem>>[vector<16xi32>], vector<16xf32>,
        %parallel_loop3A_1069 = arith.constant 1 : i32
        %parallel_loop3A_1070 = arith.index_cast %parallel_loop3A_1069 : i32 to index
        %parallel_loop3A_1071 = arith.index_cast %parallel_loop3A_1033 : i32 to index
        %parallel_loop3A_1072 = arith.constant 64 : index
        %parallel_loop3A_1073 = tpu.vector_load %arg8[%parallel_loop3A_1070, %parallel_loop3A_1071, %parallel_loop3A_1072] {strides = array<i32>} : memref<2x64x128xf32, #tpu.memory_space<vmem>>, vector<16xf32>,
        tpu.vector_store %arg8[%parallel_loop3A_1070, %parallel_loop3A_1071, %parallel_loop3A_1072], %parallel_loop3A_1068 {strides = array<i32>} : memref<2x64x128xf32, #tpu.memory_space<vmem>>, vector<16xf32>,
        %parallel_loop3A_1074 = vector.broadcast %parallel_loop3A_1033 : i32 to vector<16xi32>
        %parallel_loop3A_1075 = arith.addi %get3A_997, %parallel_loop3A_1074 : vector<16xi32>
        %parallel_loop3A_1076 = tpu.vector_load_idx %arg7[%parallel_loop3A_1075] : memref<3250xf32, #tpu.memory_space<vmem>>[vector<16xi32>], vector<16xf32>,
        %parallel_loop3A_1077 = arith.constant 1 : i32
        %parallel_loop3A_1078 = arith.index_cast %parallel_loop3A_1077 : i32 to index
        %parallel_loop3A_1079 = arith.index_cast %parallel_loop3A_1033 : i32 to index
        %parallel_loop3A_1080 = arith.constant 80 : index
        %parallel_loop3A_1081 = tpu.vector_load %arg8[%parallel_loop3A_1078, %parallel_loop3A_1079, %parallel_loop3A_1080] {strides = array<i32>} : memref<2x64x128xf32, #tpu.memory_space<vmem>>, vector<16xf32>,
        tpu.vector_store %arg8[%parallel_loop3A_1078, %parallel_loop3A_1079, %parallel_loop3A_1080], %parallel_loop3A_1076 {strides = array<i32>} : memref<2x64x128xf32, #tpu.memory_space<vmem>>, vector<16xf32>,
        %parallel_loop3A_1082 = vector.broadcast %parallel_loop3A_1033 : i32 to vector<16xi32>
        %parallel_loop3A_1083 = arith.addi %get3A_1003, %parallel_loop3A_1082 : vector<16xi32>
        %parallel_loop3A_1084 = tpu.vector_load_idx %arg7[%parallel_loop3A_1083] : memref<3250xf32, #tpu.memory_space<vmem>>[vector<16xi32>], vector<16xf32>,
        %parallel_loop3A_1085 = arith.constant 1 : i32
        %parallel_loop3A_1086 = arith.index_cast %parallel_loop3A_1085 : i32 to index
        %parallel_loop3A_1087 = arith.index_cast %parallel_loop3A_1033 : i32 to index
        %parallel_loop3A_1088 = arith.constant 96 : index
        %parallel_loop3A_1089 = tpu.vector_load %arg8[%parallel_loop3A_1086, %parallel_loop3A_1087, %parallel_loop3A_1088] {strides = array<i32>} : memref<2x64x128xf32, #tpu.memory_space<vmem>>, vector<16xf32>,
        tpu.vector_store %arg8[%parallel_loop3A_1086, %parallel_loop3A_1087, %parallel_loop3A_1088], %parallel_loop3A_1084 {strides = array<i32>} : memref<2x64x128xf32, #tpu.memory_space<vmem>>, vector<16xf32>,
        %parallel_loop3A_1090 = vector.broadcast %parallel_loop3A_1033 : i32 to vector<16xi32>
        %parallel_loop3A_1091 = arith.addi %get3A_1009, %parallel_loop3A_1090 : vector<16xi32>
        %parallel_loop3A_1092 = tpu.vector_load_idx %arg7[%parallel_loop3A_1091] : memref<3250xf32, #tpu.memory_space<vmem>>[vector<16xi32>], vector<16xf32>,
        %parallel_loop3A_1093 = arith.constant 1 : i32
        %parallel_loop3A_1094 = arith.index_cast %parallel_loop3A_1093 : i32 to index
        %parallel_loop3A_1095 = arith.index_cast %parallel_loop3A_1033 : i32 to index
        %parallel_loop3A_1096 = arith.constant 112 : index
        %parallel_loop3A_1097 = tpu.vector_load %arg8[%parallel_loop3A_1094, %parallel_loop3A_1095, %parallel_loop3A_1096] {strides = array<i32>} : memref<2x64x128xf32, #tpu.memory_space<vmem>>, vector<16xf32>,
        tpu.vector_store %arg8[%parallel_loop3A_1094, %parallel_loop3A_1095, %parallel_loop3A_1096], %parallel_loop3A_1092 {strides = array<i32>} : memref<2x64x128xf32, #tpu.memory_space<vmem>>, vector<16xf32>,
      } {sc.loop_unroll_factor = 8 : i64, sc.parallel_access}
      %mul3A_1013 = arith.constant 64 : i32
      %mul3A_1014 = arith.muli %select_n3A_30, %mul3A_1013 : i32
      %add3A_1015 = arith.addi %mul3A_1014, %add3A_956 : i32
      %dma_start3A_1016 = arith.constant 1 : i32
      %dma_start3A_1017 = arith.constant 0 : i32
      %dma_start3A_1018 = arith.constant 0 : i32
      %dma_start3A_1019 = tpu.memref_slice %arg8[%dma_start3A_1016, %dma_start3A_1017, %dma_start3A_1018] : memref<2x64x128xf32, #tpu.memory_space<vmem>> -> memref<1x64x128xf32, #tpu.memory_space<vmem>>
      %dma_start3A_1020 = tpu.memref_squeeze %dma_start3A_1019 : memref<1x64x128xf32, #tpu.memory_space<vmem>> -> memref<64x128xf32, #tpu.memory_space<vmem>>
      %dma_start3A_1021 = arith.constant 0 : i32
      %dma_start3A_1022 = arith.constant 0 : i32
      %dma_start3A_1023 = tpu.memref_slice %arg4[%select_n3A, %add3A_1015, %dma_start3A_1021, %dma_start3A_1022] : memref<16x128x64x128xf32, #tpu.memory_space<hbm>> -> memref<1x1x64x128xf32, #tpu.memory_space<hbm>>
      %dma_start3A_1024 = tpu.memref_squeeze %dma_start3A_1023 : memref<1x1x64x128xf32, #tpu.memory_space<hbm>> -> memref<64x128xf32, #tpu.memory_space<hbm>>
      %dma_start3A_1025 = arith.constant 0 : i32
      %dma_start3A_1026 = arith.constant 0 : i32
      %dma_start3A_1027 = tpu.memref_slice %arg4[%select_n3A, %add3A_1015, %dma_start3A_1025, %dma_start3A_1026] : memref<16x128x64x128xf32, #tpu.memory_space<hbm>> -> memref<1x1x64x128xf32, #tpu.memory_space<hbm>>
      %dma_start3A_1028 = tpu.memref_squeeze %dma_start3A_1027 : memref<1x1x64x128xf32, #tpu.memory_space<hbm>> -> memref<64x128xf32, #tpu.memory_space<hbm>>
      %dma_start3A_1029 = arith.constant 0 : i32
      %dma_start3A_1030 = arith.constant 0 : i32
      %dma_start3A_1031 = tpu.memref_slice %arg8[%dma_start3A_1016, %dma_start3A_1029, %dma_start3A_1030] : memref<2x64x128xf32, #tpu.memory_space<vmem>> -> memref<1x64x128xf32, #tpu.memory_space<vmem>>
      %dma_start3A_1032 = tpu.memref_squeeze %dma_start3A_1031 : memref<1x64x128xf32, #tpu.memory_space<vmem>> -> memref<64x128xf32, #tpu.memory_space<vmem>>
      tpu.enqueue_dma source(%dma_start3A_1032 : memref<64x128xf32, #tpu.memory_space<vmem>>) target(%dma_start3A_1028 : memref<64x128xf32, #tpu.memory_space<hbm>>) target_semaphore(%arg10 : memref<!tpu.dma_semaphore, #tpu.memory_space<semaphore_mem>>)
    }
    %scan3A_839 = arith.constant 32 : i32
    %dma_wait3A = arith.constant 0 : i32
    %dma_wait3A_840 = arith.constant 0 : i32
    %dma_wait3A_841 = arith.constant 0 : i32
    %dma_wait3A_842 = arith.constant 0 : i32
    %dma_wait3A_843 = arith.constant 0 : i32
    %dma_wait3A_844 = tpu.memref_slice %arg8[%dma_wait3A, %dma_wait3A_842, %dma_wait3A_843] : memref<2x64x128xf32, #tpu.memory_space<vmem>> -> memref<1x64x128xf32, #tpu.memory_space<vmem>>
    %dma_wait3A_845 = tpu.memref_squeeze %dma_wait3A_844 : memref<1x64x128xf32, #tpu.memory_space<vmem>> -> memref<64x128xf32, #tpu.memory_space<vmem>>
    %dma_wait3A_846 = arith.constant 0 : i32
    %dma_wait3A_847 = arith.constant 0 : i32
    %dma_wait3A_848 = tpu.memref_slice %arg4[%dma_wait3A_840, %dma_wait3A_841, %dma_wait3A_846, %dma_wait3A_847] : memref<16x128x64x128xf32, #tpu.memory_space<hbm>> -> memref<1x1x64x128xf32, #tpu.memory_space<hbm>>
    %dma_wait3A_849 = tpu.memref_squeeze %dma_wait3A_848 : memref<1x1x64x128xf32, #tpu.memory_space<hbm>> -> memref<64x128xf32, #tpu.memory_space<hbm>>
    %dma_wait3A_850 = arith.constant 0 : i32
    %dma_wait3A_851 = arith.constant 0 : i32
    %dma_wait3A_852 = tpu.memref_slice %arg4[%dma_wait3A_840, %dma_wait3A_841, %dma_wait3A_850, %dma_wait3A_851] : memref<16x128x64x128xf32, #tpu.memory_space<hbm>> -> memref<1x1x64x128xf32, #tpu.memory_space<hbm>>
    %dma_wait3A_853 = tpu.memref_squeeze %dma_wait3A_852 : memref<1x1x64x128xf32, #tpu.memory_space<hbm>> -> memref<64x128xf32, #tpu.memory_space<hbm>>
    %dma_wait3A_854 = arith.constant 0 : i32
    %dma_wait3A_855 = arith.constant 0 : i32
    %dma_wait3A_856 = tpu.memref_slice %arg8[%dma_wait3A, %dma_wait3A_854, %dma_wait3A_855] : memref<2x64x128xf32, #tpu.memory_space<vmem>> -> memref<1x64x128xf32, #tpu.memory_space<vmem>>
    %dma_wait3A_857 = tpu.memref_squeeze %dma_wait3A_856 : memref<1x64x128xf32, #tpu.memory_space<vmem>> -> memref<64x128xf32, #tpu.memory_space<vmem>>
    tpu.wait_dma2 semaphore(%arg9 : memref<!tpu.dma_semaphore, #tpu.memory_space<semaphore_mem>>) src(%dma_wait3A_857 : memref<64x128xf32, #tpu.memory_space<vmem>>) dst(%dma_wait3A_853 : memref<64x128xf32, #tpu.memory_space<hbm>>)
    %dma_wait3A_858 = arith.constant 1 : i32
    %dma_wait3A_859 = arith.constant 0 : i32
    %dma_wait3A_860 = arith.constant 0 : i32
    %dma_wait3A_861 = arith.constant 0 : i32
    %dma_wait3A_862 = arith.constant 0 : i32
    %dma_wait3A_863 = tpu.memref_slice %arg8[%dma_wait3A_858, %dma_wait3A_861, %dma_wait3A_862] : memref<2x64x128xf32, #tpu.memory_space<vmem>> -> memref<1x64x128xf32, #tpu.memory_space<vmem>>
    %dma_wait3A_864 = tpu.memref_squeeze %dma_wait3A_863 : memref<1x64x128xf32, #tpu.memory_space<vmem>> -> memref<64x128xf32, #tpu.memory_space<vmem>>
    %dma_wait3A_865 = arith.constant 0 : i32
    %dma_wait3A_866 = arith.constant 0 : i32
    %dma_wait3A_867 = tpu.memref_slice %arg4[%dma_wait3A_859, %dma_wait3A_860, %dma_wait3A_865, %dma_wait3A_866] : memref<16x128x64x128xf32, #tpu.memory_space<hbm>> -> memref<1x1x64x128xf32, #tpu.memory_space<hbm>>
    %dma_wait3A_868 = tpu.memref_squeeze %dma_wait3A_867 : memref<1x1x64x128xf32, #tpu.memory_space<hbm>> -> memref<64x128xf32, #tpu.memory_space<hbm>>
    %dma_wait3A_869 = arith.constant 0 : i32
    %dma_wait3A_870 = arith.constant 0 : i32
    %dma_wait3A_871 = tpu.memref_slice %arg4[%dma_wait3A_859, %dma_wait3A_860, %dma_wait3A_869, %dma_wait3A_870] : memref<16x128x64x128xf32, #tpu.memory_space<hbm>> -> memref<1x1x64x128xf32, #tpu.memory_space<hbm>>
    %dma_wait3A_872 = tpu.memref_squeeze %dma_wait3A_871 : memref<1x1x64x128xf32, #tpu.memory_space<hbm>> -> memref<64x128xf32, #tpu.memory_space<hbm>>
    %dma_wait3A_873 = arith.constant 0 : i32
    %dma_wait3A_874 = arith.constant 0 : i32
    %dma_wait3A_875 = tpu.memref_slice %arg8[%dma_wait3A_858, %dma_wait3A_873, %dma_wait3A_874] : memref<2x64x128xf32, #tpu.memory_space<vmem>> -> memref<1x64x128xf32, #tpu.memory_space<vmem>>
    %dma_wait3A_876 = tpu.memref_squeeze %dma_wait3A_875 : memref<1x64x128xf32, #tpu.memory_space<vmem>> -> memref<64x128xf32, #tpu.memory_space<vmem>>
    tpu.wait_dma2 semaphore(%arg10 : memref<!tpu.dma_semaphore, #tpu.memory_space<semaphore_mem>>) src(%dma_wait3A_876 : memref<64x128xf32, #tpu.memory_space<vmem>>) dst(%dma_wait3A_872 : memref<64x128xf32, #tpu.memory_space<hbm>>)
    return
  }
}

</mosaic_0001>

<sc_bundles>
// kernel: kernel.3.cloned.1.call-start
scs
__scs_entry_jumppad:
0x0: {  	(pc) =	sbr.rel $0x88, $3  }
0x1: {  	(tag) =	ssettag $0x0;
	lr =	simm.s32 $0x1  }
0x2: {  	[smem:$0x3F9F] =	sst lr;
	_ =	strace $0xD0000000  }
0x3: {  	_ = 	snop  }
0x4: {  	_ = 	snop  }
0x5: {  	_ = 	snop  }
0x6: {  	_ = 	snop  }
0x7: {  	_ = 	snop  }
__scs_overlays_trampoline_lowered:
0x8: {  	[smem:$0x3FAE] =	sst s0  }
0x9: {  	[smem:$0x3FAF] =	sst s1  }
0xa: {  	[smem:$0x3FB0] =	sst s2  }
0xb: {  	[smem:$0x3FB1] =	sst s3  }
0xc: {  	[smem:$0x3FB2] =	sst s4  }
0xd: {  	[smem:$0x3FB3] =	sst s5  }
0xe: {  	[smem:$0x3FB4] =	sst s6  }
0xf: {  	[smem:$0x3FB5] =	sst s7  }
0x10: {  	[smem:$0x3FB6] =	sst s8  }
0x11: {  	[smem:$0x3FB7] =	sst s9;
	s0 =	simm.s32 @!p0 $0x0  }
0x12: {  	s1 =	sld [smem:$0x3F9D];
	s0 =	simm.s32 @p0 $0x1  }
0x13: {  	[smem:$0x3FB8] =	sst s0;
	s0 =	simm.s32 @!p1 $0x0  }
0x14: {  	s2 =	sld [smem:$0x3F9C];
	s0 =	simm.s32 @p1 $0x1  }
0x15: {  	[smem:$0x3FB9] =	sst s0;
	s0 =	simm.s32 @!p2 $0x0  }
0x16: {  	s3 =	sld [smem:$0x3FDB];
	s0 =	simm.s32 @p2 $0x1  }
0x17: {  	s4 =	simm.s32 $0x1BF5;
	[smem:$0x3FBB] =	sst s0  }
0x18: {  	s0 =	sld [smem:$0x3F9E];
	_ =	swait.ge [sflag:s4], $0x0  }
0x19: {  	s7 =	sld [smem:$0x3F9F]  }
0x1a: {  	s8 =	sadd.s32 $0xFFFFE003, lr  }
0x1b: {  	s9 =	sadd.s32 $0xFFFFFEF7, lr;
	s5 =	simm.s32 $0xFFFFFFFF;
	p2 =	slt.u32 s8, $0xFFFFF086  }
0x1c: {  	p1 =	slt.u32 s9, $0xF7A;
	s5 =	simm.s32 @!p2 $0x0  }
0x1d: {  	s5 =	simm.s32 @p1 $0x1;
	p0 =	seq.s32 s7, s2  }
0x1e: {  	s7 =	smul.u32 @!p0 $0xF7A, s2;
	p2 =	seq.s32 @!p0 s5, $0x0  }
0x1f: {  	s9 =	smul.u32 $0xF7A, s1;
	s8 =	simm.s32 @!p0 $0x1BF5;
	p2 =	por !p2, p0  }
0x20: {  	[sflag:s8] =	ssyncset.s32 @!p0 $0xFFFFF086;
	s6 =	sadd.s32 @!p0 s3, s7;
	s7 =	simm.s32 @!p0 $0x108  }
0x21: {  	s3 =	sadd.s32 s3, s9;
	s6 =	sadd.s32 @!p0 $0x88, s6;
	s7 =	simm.s32 @p2 $0x1082  }
0x22: {  	[simem:s7], [sflag:s8] =	dma.local @!p0 [hbm:s6], $0xF7A  }
0x23: {  	s9 =	sor.u32 $0xD0000000, s2;
	s6 =	simm.s32 $0x108;
	_ =	swait.ge @!p0 [sflag:s8], $0x0  }
0x24: {  	s3 =	sadd.s32 $0x88, s3;
	s6 =	simm.s32 @!p1 $0x1082;
	[sflag:s4] =	ssyncset.s32 $0xFFFFF086  }
0x25: {  	[simem:s6], [sflag:s4] =	dma.local [hbm:s3], $0xF7A  }
0x26: {  	[smem:$0x3F9F] =	sst s1;
	(tag) =	ssettag s2;
	_ =	strace s9  }
0x27: {  	s1 =	sld [smem:$0x3FAF]  }
0x28: {  	s2 =	sld [smem:$0x3FB0]  }
0x29: {  	s4 =	sld [smem:$0x3FB2]  }
0x2a: {  	p0 =	seq.s32 s5, $0x0;
	s5 =	sld [smem:$0x3FB3]  }
0x2b: {  	s6 =	sld [smem:$0x3FB4]  }
0x2c: {  	s7 =	sld [smem:$0x3FB5]  }
0x2d: {  	s3 =	simm.s32 $0x108;
	s8 =	sld [smem:$0x3FB6]  }
0x2e: {  	s3 =	simm.s32 @!p0 $0x1082;
	s9 =	sld [smem:$0x3FB7]  }
0x2f: {  	lr =	sadd.s32 s0, s3;
	s0 =	sld [smem:$0x3FAE]  }
0x30: {  	s3 =	sld [smem:$0x3FB1]  }
0x31: {  	[smem:$0x3FBA] =	sst s10  }
0x32: {  	s10 =	sld [smem:$0x3FB8];
	_ =	sdelay $0x3  }
0x33: {  	p0 =	seq.s32 s10, $0x1;
	s10 =	sld [smem:$0x3FBA];
	_ =	sdelay $0x3  }
0x34: {  	[smem:$0x3FBA] =	sst s10  }
0x35: {  	s10 =	sld [smem:$0x3FB9];
	_ =	sdelay $0x3  }
0x36: {  	p1 =	seq.s32 s10, $0x1;
	s10 =	sld [smem:$0x3FBA];
	_ =	sdelay $0x3  }
0x37: {  	[smem:$0x3FBA] =	sst s10  }
0x38: {  	s10 =	sld [smem:$0x3FBB]  }
0x39: {  	_ = 	snop;
	(pc) =	sbr.ind lr, $3  }
0x3a: {  	_ = 	snop  }
0x3b: {  	_ = 	snop  }
0x3c: {  	p2 =	seq.s32 s10, $0x1;
	s10 =	sld [smem:$0x3FBA]  }
0x3d: {  	_ =	shalt  }
0x3e: {  	_ =	shalt  }
0x3f: {  	_ =	shalt  }
0x40: {  	_ =	shalt  }
0x41: {  	_ =	shalt  }
0x42: {  	_ =	shalt  }
0x43: {  	_ =	shalt  }
0x44: {  	_ =	shalt  }
0x45: {  	_ =	shalt  }
0x46: {  	_ =	shalt  }
0x47: {  	_ =	shalt  }
0x48: {  	_ =	shalt  }
0x49: {  	_ =	shalt  }
0x4a: {  	_ =	shalt  }
0x4b: {  	_ =	shalt  }
0x4c: {  	_ =	shalt  }
0x4d: {  	_ =	shalt  }
0x4e: {  	_ =	shalt  }
0x4f: {  	_ =	shalt  }
0x50: {  	_ =	shalt  }
0x51: {  	_ =	shalt  }
0x52: {  	_ =	shalt  }
0x53: {  	_ =	shalt  }
0x54: {  	_ =	shalt  }
0x55: {  	_ =	shalt  }
0x56: {  	_ =	shalt  }
0x57: {  	_ =	shalt  }
0x58: {  	_ =	shalt  }
0x59: {  	_ =	shalt  }
0x5a: {  	_ =	shalt  }
0x5b: {  	_ =	shalt  }
0x5c: {  	_ =	shalt  }
0x5d: {  	_ =	shalt  }
0x5e: {  	_ =	shalt  }
0x5f: {  	_ =	shalt  }
0x60: {  	_ =	shalt  }
0x61: {  	_ =	shalt  }
0x62: {  	_ =	shalt  }
0x63: {  	_ =	shalt  }
0x64: {  	_ =	shalt  }
0x65: {  	_ =	shalt  }
0x66: {  	_ =	shalt  }
0x67: {  	_ =	shalt  }
0x68: {  	_ =	shalt  }
0x69: {  	_ =	shalt  }
0x6a: {  	_ =	shalt  }
0x6b: {  	_ =	shalt  }
0x6c: {  	_ =	shalt  }
0x6d: {  	_ =	shalt  }
0x6e: {  	_ =	shalt  }
0x6f: {  	_ =	shalt  }
0x70: {  	_ =	shalt  }
0x71: {  	_ =	shalt  }
0x72: {  	_ =	shalt  }
0x73: {  	_ =	shalt  }
0x74: {  	_ =	shalt  }
0x75: {  	_ =	shalt  }
0x76: {  	_ =	shalt  }
0x77: {  	_ =	shalt  }
0x78: {  	_ =	shalt  }
0x79: {  	_ =	shalt  }
0x7a: {  	_ =	shalt  }
0x7b: {  	_ =	shalt  }
0x7c: {  	_ =	shalt  }
0x7d: {  	_ =	shalt  }
0x7e: {  	_ =	shalt  }
0x7f: {  	_ =	shalt  }
0x80: {  	_ =	shalt  }
0x81: {  	_ =	shalt  }
0x82: {  	_ =	shalt  }
0x83: {  	_ =	shalt  }
0x84: {  	_ =	shalt  }
0x85: {  	_ =	shalt  }
0x86: {  	_ =	shalt  }
0x87: {  	_ =	shalt  }
.Lfunc_end0:
.L_simem_size_0:
called_computation_lowered:
.L_overlay_start_0:
0x88: {  	s2 =	sld [smem:$0x3FD9]  }
0x89: {  	s3 =	sld [smem:$0x3FFE];
	_ =	sdelay $0x1  }
0x8a: {  	s1 =	srdreg.scid  }
0x8b: {  	s0 =	sand.u32 $0x1, s1  }
0x8c: {  	s17 =	sshll.u32 s0, $0xA;
	s2 =	sadd.s32 s3, s2  }
0x8d: {  	s2 =	sadd.s32 s2, s17  }
0x8e: {  	[smem:$0x3FC6] =	sst s2  }
0x8f: {  	_ = 	snop  }
0x90: {  	s2 =	sld [smem:$0x3FC9]  }
0x91: {  	s18 =	sld [smem:$0x3FD0];
	(tm) =	ssettm $0x1  }
0x92: {  	s4 =	sld [smem:$0x3FFB];
	_ =	sdelay $0x3  }
0x93: {  	_ =	strace s4  }
0x94: {  	s4 =	sld [smem:$0x3FFC];
	_ =	sdelay $0x3  }
0x95: {  	_ =	strace s4  }
0x96: {  	s4 =	sld [smem:$0x3FFD];
	_ =	sdelay $0x3  }
0x97: {  	_ =	strace s4  }
0x98: {  	_ =	strace $0x8FFFFFFF  }
0x99: {  	s19 =	sld [smem:$0x3FDB];
	_ =	sdelay $0x1  }
0x9a: {  	s5 =	simm.s32 $_scs_section_size  }
0x9b: {  	s6 =	simm.s32 $_size__tile_overlayer_lowered;
	s7 =	simm.s32 $_tile_overlayer_lowered  }
0x9c: {  	s22 =	simm.s32 $0x1BFF;
	s21 =	sshll.u32 s7, $0x1;
	s4 =	sadd.s32 s5, s19  }
0x9d: {  	s8 =	simm.s32 $0x0;
	s20 =	sshll.u32 s6, $0x1;
	s6 =	sadd.s32 s21, s4  }
0x9e: {  	[timem:s8], [sflag:s22] =	dma.local [hbm:s6], s20  }
0x9f: {  	_ =	swait.ge [sflag:s22], s20  }
0xa0: {  	s5 =	ssub.s32 $0x0, s20;
	[sflag:s22] =	ssyncset.done $0x0  }
0xa1: {  	[sflag:s22] =	ssyncadd.s32 s5;
	_ =	sdelay $0x1  }
0xa2: {  	s23 =	simm.s32 $0x1B8B  }
0xa3: {  	_ =	swait.ge [sflag:s23], $0x1  }
0xa4: {  	[sflag:s23] =	ssyncset.done $0x0  }
0xa5: {  	s25 =	simm.s32 $0x1B8E;
	s24 =	sld [smem:$0x3FFE];
	[sflag:s23] =	ssyncadd.s32 $0xFFFFFFFF  }
0xa6: {  	s26 =	simm.s32 $execute0_lowered;
	[smem:$0x3FD2] =	sst s25  }
0xa7: {  	s6 =	sshll.u32 s26, $0x1;
	_ =	strace $0x80000046;
	[dreg:$0x1] =	wrdreg $0xFFFFFFFF  }
0xa8: {  	s28 =	simm.s32 $_size_execute0_lowered;
	s4 =	sadd.s32 s4, s6;
	[dreg:$0x0] =	wrdreg $0x0  }
0xa9: {  	s6 =	sshll.u32 s28, $0x1;
	[dreg:$0x2] =	wrdreg s4  }
0xaa: {  	[dreg:$0x3] =	wrdreg s6  }
0xab: {  	[dreg:$0x4] =	wrdreg $0xC0  }
0xac: {  	_ =	task [dreg:s8], $0x5FFFF  }
0xad: {  	[dreg:$0x1] =	wrdreg $0xFFFFFFFF  }
0xae: {  	[dreg:$0x0] =	wrdreg $0x60  }
0xaf: {  	[dreg:$0x2] =	wrdreg s24  }
0xb0: {  	[dreg:$0x3] =	wrdreg s2  }
0xb1: {  	[dreg:$0x4] =	wrdreg s18  }
0xb2: {  	[dreg:$0x5] =	wrdreg $0x9  }
0xb3: {  	_ =	task.clear_ibuf [dreg:s8], $0x6FFFF;
	_ =	strace $0x90000046  }
0xb4: {  	s29 =	simm.s32 $0x9;
	_ =	strace $0x80000048  }
0xb5: {  	_ =	swait.ge [sflag:s29], $0x1  }
0xb6: {  	[sflag:s29] =	ssyncadd.s32 $0xFFFFFFFF  }
0xb7: {  	_ =	strace $0x90000048  }
0xb8: {  	_ =	sfence  }
0xb9: {  	s30 =	sld [smem:$0x0];
	_ =	sdelay $0x2  }
0xba: {  	s31 =	sshll.u32 s1, $0xD;
	s1 =	sshrl.u32 s1, $0x2  }
0xbb: {  	s3 =	sand.u32 $0x4000, s31;
	s1 =	sadd.s32 s1, s30  }
0xbc: {  	s0 =	sor.u32 s3, s0;
	s1 =	sshll.u32 s1, $0x11  }
0xbd: {  	s0 =	sor.u32 s1, s0  }
0xbe: {  	s0 =	sadd.s32 $0x8F2B, s0  }
0xbf: {  	[sflag:s0] =	ssyncadd.remote.s32 $0x1  }
0xc0: {  	_ =	sfence.sel $0xFFFF  }
0xc1: {  	[dreg:$0x0] =	wrdreg $0xFFFFFFFF;
	(pc) =	sbr.abs _section_cstart, $3  }
0xc2: {  	[dreg:$0x1] =	wrdreg $0xFFFFFFFF  }
0xc3: {  	_ =	task.clear_ibuf [dreg:s8], $0x2FFFF;
	_ =	strace $0x9FFFFFFF  }
0xc4: {  	(tm) =	ssettm $0x7FFFFFFF  }
0xc5: {  	_ =	shalt  }
tec
execute0_lowered:
.L_overlay_start_1:
0x0: {  	(tag) =	ssettag $0x1  }
0x1: {  	s4 =	rddreg [dreg:$0x0]  }
0x2: {  	s6 =	rddreg [dreg:$0x1]  }
0x3: {  	s2 =	rddreg [dreg:$0x2]  }
0x4: {  	s0 =	rddreg [dreg:$0x3];
	s3 =	simm.s32 $0x0;
	s5 =	srdreg.scid  }
0x5: {  	s1 =	stileid.u32;
	s10 =	simm.s32 $0x1;
	s11 =	simm.s32 $0x3  }
0x6: {  	s12 =	simm.s32 $0x2C80;
	s13 =	simm.s32 $0x3938;
	s14 =	simm.s32 $0x5938  }
0x7: {  	s15 =	simm.s32 $0x2;
	s7 =	sand.u32 $0x1, s5;
	s30 =	sshll.u32 s1, $0x1  }
0x8: {  	s16 =	simm.s32 $0x0;
	[smem:$0x7FF] =	sst s3;
	s8 =	sor.u32 s7, s30  }
0x9: {  	s4 =	sadd.s32 $0x400, s4;
	p1 =	seq.s32 s7, $0x1;
	p0 =	seq.s32 s8, $0x0  }
0xa: {  	s5 =	simm.s32 $0x1;
	_ =	strace $0x80000047;
	p0 =	por !p0, !p1  }
0xb: {  	s31 =	ssub.s32 $0x2, s7;
	s7 =	sshll.u32 s7, $0x6;
	p0 =	por !p0, !p0  }
0xc: {  	s9 =	sshrl.u32 s31, $0x1;
	s8 =	sshll.u32 s8, $0xA;
	s10 =	simm.s32 @!p0 $0x0  }
0xd: {  	s9 =	ssub.s32 s31, s9;
	s6 =	sadd.s32 s6, s8;
	s10 =	ssub.s32 s1, s10  }
0xe: {  	s9 =	smax.u32 s9, $0x1;
	s8 =	sshll.u32 s10, $0x14;
	s10 =	simm.s32 $0x2000  }
.LBB2_1:
0xf: {  	[tilespmem:s10], [sflag:$0x3] =	stream.linear.gather [hbm4b:s4+s3], $0xC80, $0x38;
	[tilespmem:$0x7938] =	vst v63  }
0x10: {  	_ =	swait.ge [sflag:s11], $0xC80  }
0x11: {  	[sflag:s11] =	ssyncset.done $0x0  }
0x12: {  	[sflag:s11] =	ssyncadd.s32 $0xFFFFF380  }
0x13: {  	[tilespmem:s3], [sflag:$0x3] =	stream.linear.gather [hbm4b:s6+s3], $0x2000, $0x38;
	[tilespmem:$0x7938] =	vst v63  }
0x14: {  	_ =	swait.ge [sflag:s11], $0x2000  }
0x15: {  	[sflag:s11] =	ssyncset.done $0x0  }
0x16: {  	[sflag:s11] =	ssyncadd.s32 $0xFFFFE000  }
0x17: {  	v0 =	vld [tilespmem:$0x2000]  }
0x18: {  	v1 =	vld [tilespmem:$0x2010]  }
0x19: {  	v2 =	vld [tilespmem:$0x2020]  }
0x1a: {  	v3 =	vld [tilespmem:$0x2030]  }
0x1b: {  	v4 =	vld [tilespmem:$0x2040]  }
0x1c: {  	[tilespmem:$0x2C80] =	vst v0;
	v0 =	vld [tilespmem:$0x2050]  }
0x1d: {  	[tilespmem:$0x2C90] =	vst v1;
	v1 =	vld [tilespmem:$0x2060]  }
0x1e: {  	[tilespmem:$0x2CA0] =	vst v2;
	v2 =	vld [tilespmem:$0x2070]  }
0x1f: {  	[tilespmem:$0x2CB0] =	vst v3;
	v3 =	vld [tilespmem:$0x2080]  }
0x20: {  	[tilespmem:$0x2CC1] =	vst v4;
	v4 =	vld [tilespmem:$0x2090]  }
0x21: {  	[tilespmem:$0x2CD1] =	vst v0;
	v0 =	vld [tilespmem:$0x20A0]  }
0x22: {  	[tilespmem:$0x2CE1] =	vst v1;
	v1 =	vld [tilespmem:$0x20B0]  }
0x23: {  	[tilespmem:$0x2CF1] =	vst v2;
	v2 =	vld [tilespmem:$0x20C0]  }
0x24: {  	[tilespmem:$0x2D02] =	vst v3;
	v3 =	vld [tilespmem:$0x20D0]  }
0x25: {  	[tilespmem:$0x2D12] =	vst v4;
	v4 =	vld [tilespmem:$0x20E0]  }
0x26: {  	[tilespmem:$0x2D22] =	vst v0;
	v0 =	vld [tilespmem:$0x20F0]  }
0x27: {  	[tilespmem:$0x2D32] =	vst v1;
	v1 =	vld [tilespmem:$0x2100]  }
0x28: {  	[tilespmem:$0x2D43] =	vst v2;
	v2 =	vld [tilespmem:$0x2110]  }
0x29: {  	[tilespmem:$0x2D53] =	vst v3;
	v3 =	vld [tilespmem:$0x2120]  }
0x2a: {  	[tilespmem:$0x2D63] =	vst v4;
	v4 =	vld [tilespmem:$0x2130]  }
0x2b: {  	[tilespmem:$0x2D73] =	vst v0;
	v0 =	vld [tilespmem:$0x2140]  }
0x2c: {  	[tilespmem:$0x2D84] =	vst v1;
	v1 =	vld [tilespmem:$0x2150]  }
0x2d: {  	[tilespmem:$0x2D94] =	vst v2;
	v2 =	vld [tilespmem:$0x2160]  }
0x2e: {  	[tilespmem:$0x2DA4] =	vst v3;
	v3 =	vld [tilespmem:$0x2170]  }
0x2f: {  	[tilespmem:$0x2DB4] =	vst v4;
	v4 =	vld [tilespmem:$0x2180]  }
0x30: {  	[tilespmem:$0x2DC5] =	vst v0;
	v0 =	vld [tilespmem:$0x2190]  }
0x31: {  	[tilespmem:$0x2DD5] =	vst v1;
	v1 =	vld [tilespmem:$0x21A0]  }
0x32: {  	[tilespmem:$0x2DE5] =	vst v2;
	v2 =	vld [tilespmem:$0x21B0]  }
0x33: {  	[tilespmem:$0x2DF5] =	vst v3;
	v3 =	vld [tilespmem:$0x21C0]  }
0x34: {  	[tilespmem:$0x2E06] =	vst v4;
	v4 =	vld [tilespmem:$0x21D0]  }
0x35: {  	[tilespmem:$0x2E16] =	vst v0;
	v0 =	vld [tilespmem:$0x21E0]  }
0x36: {  	[tilespmem:$0x2E26] =	vst v1;
	v1 =	vld [tilespmem:$0x21F0]  }
0x37: {  	[tilespmem:$0x2E36] =	vst v2;
	v2 =	vld [tilespmem:$0x2200]  }
0x38: {  	[tilespmem:$0x2E47] =	vst v3;
	v3 =	vld [tilespmem:$0x2210]  }
0x39: {  	[tilespmem:$0x2E57] =	vst v4;
	v4 =	vld [tilespmem:$0x2220]  }
0x3a: {  	[tilespmem:$0x2E67] =	vst v0;
	v0 =	vld [tilespmem:$0x2230]  }
0x3b: {  	[tilespmem:$0x2E77] =	vst v1;
	v1 =	vld [tilespmem:$0x2240]  }
0x3c: {  	[tilespmem:$0x2E88] =	vst v2;
	v2 =	vld [tilespmem:$0x2250]  }
0x3d: {  	[tilespmem:$0x2E98] =	vst v3;
	v3 =	vld [tilespmem:$0x2260]  }
0x3e: {  	[tilespmem:$0x2EA8] =	vst v4;
	v4 =	vld [tilespmem:$0x2270]  }
0x3f: {  	[tilespmem:$0x2EB8] =	vst v0;
	v0 =	vld [tilespmem:$0x2280]  }
0x40: {  	[tilespmem:$0x2EC9] =	vst v1;
	v1 =	vld [tilespmem:$0x2290]  }
0x41: {  	[tilespmem:$0x2ED9] =	vst v2;
	v2 =	vld [tilespmem:$0x22A0]  }
0x42: {  	[tilespmem:$0x2EE9] =	vst v3;
	v3 =	vld [tilespmem:$0x22B0]  }
0x43: {  	[tilespmem:$0x2EF9] =	vst v4;
	v4 =	vld [tilespmem:$0x22C0]  }
0x44: {  	[tilespmem:$0x2F0A] =	vst v0;
	v0 =	vld [tilespmem:$0x22D0]  }
0x45: {  	[tilespmem:$0x2F1A] =	vst v1;
	v1 =	vld [tilespmem:$0x22E0]  }
0x46: {  	[tilespmem:$0x2F2A] =	vst v2;
	v2 =	vld [tilespmem:$0x22F0]  }
0x47: {  	[tilespmem:$0x2F3A] =	vst v3;
	v3 =	vld [tilespmem:$0x2300]  }
0x48: {  	[tilespmem:$0x2F4B] =	vst v4;
	v4 =	vld [tilespmem:$0x2310]  }
0x49: {  	[tilespmem:$0x2F5B] =	vst v0;
	v0 =	vld [tilespmem:$0x2320]  }
0x4a: {  	[tilespmem:$0x2F6B] =	vst v1;
	v1 =	vld [tilespmem:$0x2330]  }
0x4b: {  	[tilespmem:$0x2F7B] =	vst v2;
	v2 =	vld [tilespmem:$0x2340]  }
0x4c: {  	[tilespmem:$0x2F8C] =	vst v3;
	v3 =	vld [tilespmem:$0x2350]  }
0x4d: {  	[tilespmem:$0x2F9C] =	vst v4;
	v4 =	vld [tilespmem:$0x2360]  }
0x4e: {  	[tilespmem:$0x2FAC] =	vst v0;
	v0 =	vld [tilespmem:$0x2370]  }
0x4f: {  	[tilespmem:$0x2FBC] =	vst v1;
	v1 =	vld [tilespmem:$0x2380]  }
0x50: {  	[tilespmem:$0x2FCD] =	vst v2;
	v2 =	vld [tilespmem:$0x2390]  }
0x51: {  	[tilespmem:$0x2FDD] =	vst v3;
	v3 =	vld [tilespmem:$0x23A0]  }
0x52: {  	[tilespmem:$0x2FED] =	vst v4;
	v4 =	vld [tilespmem:$0x23B0]  }
0x53: {  	[tilespmem:$0x2FFD] =	vst v0;
	v0 =	vld [tilespmem:$0x23C0]  }
0x54: {  	[tilespmem:$0x300E] =	vst v1;
	v1 =	vld [tilespmem:$0x23D0]  }
0x55: {  	[tilespmem:$0x301E] =	vst v2;
	v2 =	vld [tilespmem:$0x23E0]  }
0x56: {  	[tilespmem:$0x302E] =	vst v3;
	v3 =	vld [tilespmem:$0x23F0]  }
0x57: {  	[tilespmem:$0x303E] =	vst v4;
	v4 =	vld [tilespmem:$0x2400]  }
0x58: {  	[tilespmem:$0x304F] =	vst v0;
	v0 =	vld [tilespmem:$0x2410]  }
0x59: {  	[tilespmem:$0x305F] =	vst v1;
	v1 =	vld [tilespmem:$0x2420]  }
0x5a: {  	[tilespmem:$0x306F] =	vst v2;
	v2 =	vld [tilespmem:$0x2430]  }
0x5b: {  	[tilespmem:$0x307F] =	vst v3;
	v3 =	vld [tilespmem:$0x2440]  }
0x5c: {  	[tilespmem:$0x3090] =	vst v4;
	v4 =	vld [tilespmem:$0x2450]  }
0x5d: {  	[tilespmem:$0x30A0] =	vst v0;
	v0 =	vld [tilespmem:$0x2460]  }
0x5e: {  	[tilespmem:$0x30B0] =	vst v1;
	v1 =	vld [tilespmem:$0x2470]  }
0x5f: {  	[tilespmem:$0x30C0] =	vst v2;
	v2 =	vld [tilespmem:$0x2480]  }
0x60: {  	[tilespmem:$0x30D1] =	vst v3;
	v3 =	vld [tilespmem:$0x2490]  }
0x61: {  	[tilespmem:$0x30E1] =	vst v4;
	v4 =	vld [tilespmem:$0x24A0]  }
0x62: {  	[tilespmem:$0x30F1] =	vst v0;
	v0 =	vld [tilespmem:$0x24B0]  }
0x63: {  	[tilespmem:$0x3101] =	vst v1;
	v1 =	vld [tilespmem:$0x24C0]  }
0x64: {  	[tilespmem:$0x3112] =	vst v2;
	v2 =	vld [tilespmem:$0x24D0]  }
0x65: {  	[tilespmem:$0x3122] =	vst v3;
	v3 =	vld [tilespmem:$0x24E0]  }
0x66: {  	[tilespmem:$0x3132] =	vst v4;
	v4 =	vld [tilespmem:$0x24F0]  }
0x67: {  	[tilespmem:$0x3142] =	vst v0;
	v0 =	vld [tilespmem:$0x2500]  }
0x68: {  	[tilespmem:$0x3153] =	vst v1;
	v1 =	vld [tilespmem:$0x2510]  }
0x69: {  	[tilespmem:$0x3163] =	vst v2;
	v2 =	vld [tilespmem:$0x2520]  }
0x6a: {  	[tilespmem:$0x3173] =	vst v3;
	v3 =	vld [tilespmem:$0x2530]  }
0x6b: {  	[tilespmem:$0x3183] =	vst v4;
	v4 =	vld [tilespmem:$0x2540]  }
0x6c: {  	[tilespmem:$0x3194] =	vst v0;
	v0 =	vld [tilespmem:$0x2550]  }
0x6d: {  	[tilespmem:$0x31A4] =	vst v1;
	v1 =	vld [tilespmem:$0x2560]  }
0x6e: {  	[tilespmem:$0x31B4] =	vst v2;
	v2 =	vld [tilespmem:$0x2570]  }
0x6f: {  	[tilespmem:$0x31C4] =	vst v3;
	v3 =	vld [tilespmem:$0x2580]  }
0x70: {  	[tilespmem:$0x31D5] =	vst v4;
	v4 =	vld [tilespmem:$0x2590]  }
0x71: {  	[tilespmem:$0x31E5] =	vst v0;
	v0 =	vld [tilespmem:$0x25A0]  }
0x72: {  	[tilespmem:$0x31F5] =	vst v1;
	v1 =	vld [tilespmem:$0x25B0]  }
0x73: {  	[tilespmem:$0x3205] =	vst v2;
	v2 =	vld [tilespmem:$0x25C0]  }
0x74: {  	[tilespmem:$0x3216] =	vst v3;
	v3 =	vld [tilespmem:$0x25D0]  }
0x75: {  	[tilespmem:$0x3226] =	vst v4;
	v4 =	vld [tilespmem:$0x25E0]  }
0x76: {  	[tilespmem:$0x3236] =	vst v0;
	v0 =	vld [tilespmem:$0x25F0]  }
0x77: {  	[tilespmem:$0x3246] =	vst v1;
	v1 =	vld [tilespmem:$0x2600]  }
0x78: {  	[tilespmem:$0x3257] =	vst v2;
	v2 =	vld [tilespmem:$0x2610]  }
0x79: {  	[tilespmem:$0x3267] =	vst v3;
	v3 =	vld [tilespmem:$0x2620]  }
0x7a: {  	[tilespmem:$0x3277] =	vst v4;
	v4 =	vld [tilespmem:$0x2630]  }
0x7b: {  	[tilespmem:$0x3287] =	vst v0;
	v0 =	vld [tilespmem:$0x2640]  }
0x7c: {  	[tilespmem:$0x3298] =	vst v1;
	v1 =	vld [tilespmem:$0x2650]  }
0x7d: {  	[tilespmem:$0x32A8] =	vst v2;
	v2 =	vld [tilespmem:$0x2660]  }
0x7e: {  	[tilespmem:$0x32B8] =	vst v3;
	v3 =	vld [tilespmem:$0x2670]  }
0x7f: {  	[tilespmem:$0x32C8] =	vst v4;
	v4 =	vld [tilespmem:$0x2680]  }
0x80: {  	[tilespmem:$0x32D9] =	vst v0;
	v0 =	vld [tilespmem:$0x2690]  }
0x81: {  	[tilespmem:$0x32E9] =	vst v1;
	v1 =	vld [tilespmem:$0x26A0]  }
0x82: {  	[tilespmem:$0x32F9] =	vst v2;
	v2 =	vld [tilespmem:$0x26B0]  }
0x83: {  	[tilespmem:$0x3309] =	vst v3;
	v3 =	vld [tilespmem:$0x26C0]  }
0x84: {  	[tilespmem:$0x331A] =	vst v4;
	v4 =	vld [tilespmem:$0x26D0]  }
0x85: {  	[tilespmem:$0x332A] =	vst v0;
	v0 =	vld [tilespmem:$0x26E0]  }
0x86: {  	[tilespmem:$0x333A] =	vst v1;
	v1 =	vld [tilespmem:$0x26F0]  }
0x87: {  	[tilespmem:$0x334A] =	vst v2;
	v2 =	vld [tilespmem:$0x2700]  }
0x88: {  	[tilespmem:$0x335B] =	vst v3;
	v3 =	vld [tilespmem:$0x2710]  }
0x89: {  	[tilespmem:$0x336B] =	vst v4;
	v4 =	vld [tilespmem:$0x2720]  }
0x8a: {  	[tilespmem:$0x337B] =	vst v0;
	v0 =	vld [tilespmem:$0x2730]  }
0x8b: {  	[tilespmem:$0x338B] =	vst v1;
	v1 =	vld [tilespmem:$0x2740]  }
0x8c: {  	[tilespmem:$0x339C] =	vst v2;
	v2 =	vld [tilespmem:$0x2750]  }
0x8d: {  	[tilespmem:$0x33AC] =	vst v3;
	v3 =	vld [tilespmem:$0x2760]  }
0x8e: {  	[tilespmem:$0x33BC] =	vst v4;
	v4 =	vld [tilespmem:$0x2770]  }
0x8f: {  	[tilespmem:$0x33CC] =	vst v0;
	v0 =	vld [tilespmem:$0x2780]  }
0x90: {  	[tilespmem:$0x33DD] =	vst v1;
	v1 =	vld [tilespmem:$0x2790]  }
0x91: {  	[tilespmem:$0x33ED] =	vst v2;
	v2 =	vld [tilespmem:$0x27A0]  }
0x92: {  	[tilespmem:$0x33FD] =	vst v3;
	v3 =	vld [tilespmem:$0x27B0]  }
0x93: {  	[tilespmem:$0x340D] =	vst v4;
	v4 =	vld [tilespmem:$0x27C0]  }
0x94: {  	[tilespmem:$0x341E] =	vst v0;
	v0 =	vld [tilespmem:$0x27D0]  }
0x95: {  	[tilespmem:$0x342E] =	vst v1;
	v1 =	vld [tilespmem:$0x27E0]  }
0x96: {  	[tilespmem:$0x343E] =	vst v2;
	v2 =	vld [tilespmem:$0x27F0]  }
0x97: {  	[tilespmem:$0x344E] =	vst v3;
	v3 =	vld [tilespmem:$0x2800]  }
0x98: {  	[tilespmem:$0x345F] =	vst v4;
	v4 =	vld [tilespmem:$0x2810]  }
0x99: {  	[tilespmem:$0x346F] =	vst v0;
	v0 =	vld [tilespmem:$0x2820]  }
0x9a: {  	[tilespmem:$0x347F] =	vst v1;
	v1 =	vld [tilespmem:$0x2830]  }
0x9b: {  	[tilespmem:$0x348F] =	vst v2;
	v2 =	vld [tilespmem:$0x2840]  }
0x9c: {  	[tilespmem:$0x34A0] =	vst v3;
	v3 =	vld [tilespmem:$0x2850]  }
0x9d: {  	[tilespmem:$0x34B0] =	vst v4;
	v4 =	vld [tilespmem:$0x2860]  }
0x9e: {  	[tilespmem:$0x34C0] =	vst v0;
	v0 =	vld [tilespmem:$0x2870]  }
0x9f: {  	[tilespmem:$0x34D0] =	vst v1;
	v1 =	vld [tilespmem:$0x2880]  }
0xa0: {  	[tilespmem:$0x34E1] =	vst v2;
	v2 =	vld [tilespmem:$0x2890]  }
0xa1: {  	[tilespmem:$0x34F1] =	vst v3;
	v3 =	vld [tilespmem:$0x28A0]  }
0xa2: {  	[tilespmem:$0x3501] =	vst v4;
	v4 =	vld [tilespmem:$0x28B0]  }
0xa3: {  	[tilespmem:$0x3511] =	vst v0;
	v0 =	vld [tilespmem:$0x28C0]  }
0xa4: {  	[tilespmem:$0x3522] =	vst v1;
	v1 =	vld [tilespmem:$0x28D0]  }
0xa5: {  	[tilespmem:$0x3532] =	vst v2;
	v2 =	vld [tilespmem:$0x28E0]  }
0xa6: {  	[tilespmem:$0x3542] =	vst v3;
	v3 =	vld [tilespmem:$0x28F0]  }
0xa7: {  	[tilespmem:$0x3552] =	vst v4;
	v4 =	vld [tilespmem:$0x2900]  }
0xa8: {  	[tilespmem:$0x3563] =	vst v0;
	v0 =	vld [tilespmem:$0x2910]  }
0xa9: {  	[tilespmem:$0x3573] =	vst v1;
	v1 =	vld [tilespmem:$0x2920]  }
0xaa: {  	[tilespmem:$0x3583] =	vst v2;
	v2 =	vld [tilespmem:$0x2930]  }
0xab: {  	[tilespmem:$0x3593] =	vst v3;
	v3 =	vld [tilespmem:$0x2940]  }
0xac: {  	[tilespmem:$0x35A4] =	vst v4;
	v4 =	vld [tilespmem:$0x2950]  }
0xad: {  	[tilespmem:$0x35B4] =	vst v0;
	v0 =	vld [tilespmem:$0x2960]  }
0xae: {  	[tilespmem:$0x35C4] =	vst v1;
	v1 =	vld [tilespmem:$0x2970]  }
0xaf: {  	[tilespmem:$0x35D4] =	vst v2;
	v2 =	vld [tilespmem:$0x2980]  }
0xb0: {  	[tilespmem:$0x35E5] =	vst v3;
	v3 =	vld [tilespmem:$0x2990]  }
0xb1: {  	[tilespmem:$0x35F5] =	vst v4;
	v4 =	vld [tilespmem:$0x29A0]  }
0xb2: {  	[tilespmem:$0x3605] =	vst v0;
	v0 =	vld [tilespmem:$0x29B0]  }
0xb3: {  	[tilespmem:$0x3615] =	vst v1;
	v1 =	vld [tilespmem:$0x29C0]  }
0xb4: {  	[tilespmem:$0x3626] =	vst v2;
	v2 =	vld [tilespmem:$0x29D0]  }
0xb5: {  	[tilespmem:$0x3636] =	vst v3;
	v3 =	vld [tilespmem:$0x29E0]  }
0xb6: {  	[tilespmem:$0x3646] =	vst v4;
	v4 =	vld [tilespmem:$0x29F0]  }
0xb7: {  	[tilespmem:$0x3656] =	vst v0;
	v0 =	vld [tilespmem:$0x2A00]  }
0xb8: {  	[tilespmem:$0x3667] =	vst v1;
	v1 =	vld [tilespmem:$0x2A10]  }
0xb9: {  	[tilespmem:$0x3677] =	vst v2;
	v2 =	vld [tilespmem:$0x2A20]  }
0xba: {  	[tilespmem:$0x3687] =	vst v3;
	v3 =	vld [tilespmem:$0x2A30]  }
0xbb: {  	[tilespmem:$0x3697] =	vst v4;
	v4 =	vld [tilespmem:$0x2A40]  }
0xbc: {  	[tilespmem:$0x36A8] =	vst v0;
	v0 =	vld [tilespmem:$0x2A50]  }
0xbd: {  	[tilespmem:$0x36B8] =	vst v1;
	v1 =	vld [tilespmem:$0x2A60]  }
0xbe: {  	[tilespmem:$0x36C8] =	vst v2;
	v2 =	vld [tilespmem:$0x2A70]  }
0xbf: {  	[tilespmem:$0x36D8] =	vst v3;
	v3 =	vld [tilespmem:$0x2A80]  }
0xc0: {  	[tilespmem:$0x36E9] =	vst v4;
	v4 =	vld [tilespmem:$0x2A90]  }
0xc1: {  	[tilespmem:$0x36F9] =	vst v0;
	v0 =	vld [tilespmem:$0x2AA0]  }
0xc2: {  	[tilespmem:$0x3709] =	vst v1;
	v1 =	vld [tilespmem:$0x2AB0]  }
0xc3: {  	[tilespmem:$0x3719] =	vst v2;
	v2 =	vld [tilespmem:$0x2AC0]  }
0xc4: {  	[tilespmem:$0x372A] =	vst v3;
	v3 =	vld [tilespmem:$0x2AD0]  }
0xc5: {  	[tilespmem:$0x373A] =	vst v4;
	v4 =	vld [tilespmem:$0x2AE0]  }
0xc6: {  	[tilespmem:$0x374A] =	vst v0;
	v0 =	vld [tilespmem:$0x2AF0]  }
0xc7: {  	[tilespmem:$0x375A] =	vst v1;
	v1 =	vld [tilespmem:$0x2B00]  }
0xc8: {  	[tilespmem:$0x376B] =	vst v2;
	v2 =	vld [tilespmem:$0x2B10]  }
0xc9: {  	[tilespmem:$0x377B] =	vst v3;
	v3 =	vld [tilespmem:$0x2B20]  }
0xca: {  	[tilespmem:$0x378B] =	vst v4;
	v4 =	vld [tilespmem:$0x2B30]  }
0xcb: {  	[tilespmem:$0x379B] =	vst v0;
	v0 =	vld [tilespmem:$0x2B40]  }
0xcc: {  	[tilespmem:$0x37AC] =	vst v1;
	v1 =	vld [tilespmem:$0x2B50]  }
0xcd: {  	[tilespmem:$0x37BC] =	vst v2;
	v2 =	vld [tilespmem:$0x2B60]  }
0xce: {  	[tilespmem:$0x37CC] =	vst v3;
	v3 =	vld [tilespmem:$0x2B70]  }
0xcf: {  	[tilespmem:$0x37DC] =	vst v4;
	v4 =	vld [tilespmem:$0x2B80]  }
0xd0: {  	[tilespmem:$0x37ED] =	vst v0;
	v0 =	vld [tilespmem:$0x2B90]  }
0xd1: {  	[tilespmem:$0x37FD] =	vst v1;
	v1 =	vld [tilespmem:$0x2BA0]  }
0xd2: {  	[tilespmem:$0x380D] =	vst v2;
	v2 =	vld [tilespmem:$0x2BB0]  }
0xd3: {  	[tilespmem:$0x381D] =	vst v3;
	v3 =	vld [tilespmem:$0x2BC0]  }
0xd4: {  	[tilespmem:$0x382E] =	vst v4;
	v4 =	vld [tilespmem:$0x2BD0]  }
0xd5: {  	[tilespmem:$0x383E] =	vst v0;
	v0 =	vld [tilespmem:$0x2BE0]  }
0xd6: {  	[tilespmem:$0x384E] =	vst v1;
	v1 =	vld [tilespmem:$0x2BF0]  }
0xd7: {  	[tilespmem:$0x385E] =	vst v2;
	v2 =	vld [tilespmem:$0x2C00]  }
0xd8: {  	[tilespmem:$0x386F] =	vst v3;
	v3 =	vld [tilespmem:$0x2C10]  }
0xd9: {  	[tilespmem:$0x387F] =	vst v4;
	v4 =	vld [tilespmem:$0x2C20]  }
0xda: {  	[tilespmem:$0x388F] =	vst v0;
	v0 =	vld [tilespmem:$0x2C30]  }
0xdb: {  	[tilespmem:$0x389F] =	vst v1;
	v1 =	vld [tilespmem:$0x2C40]  }
0xdc: {  	[tilespmem:$0x38B0] =	vst v2;
	v2 =	vld [tilespmem:$0x2C50]  }
0xdd: {  	[tilespmem:$0x38C0] =	vst v3;
	v3 =	vld [tilespmem:$0x2C60]  }
0xde: {  	[tilespmem:$0x38D0] =	vst v4;
	v4 =	vld [tilespmem:$0x2C70]  }
0xdf: {  	[tilespmem:$0x38E0] =	vst v0  }
0xe0: {  	[tilespmem:$0x38F1] =	vst v1  }
0xe1: {  	[tilespmem:$0x3901] =	vst v2  }
0xe2: {  	[tilespmem:$0x3911] =	vst v3  }
0xe3: {  	s17 =	simm.s32 $0x0;
	[tilespmem:$0x3921] =	vst v4  }
0xe4: {  	v3 =	vld [tilespmem:s17+$0x0]  }
0xe5: {  	v5 =	vld [tilespmem:s17+$0x10]  }
0xe6: {  	v4 =	vld [tilespmem:s17+$0x20]  }
0xe7: {  	v2 =	vld [tilespmem:s17+$0x30]  }
0xe8: {  	v0 =	vld [tilespmem:s17+$0x40]  }
0xe9: {  	v1 =	vld [tilespmem:s17+$0x50];
	v6 =	vmul.u32 $0x41, v3  }
0xea: {  	s18 =	simm.s32 $0x200;
	v5 =	vmul.u32 $0x41, v5;
	v3 =	vld [tilespmem:s17+$0x60]  }
.LBB2_2:
0xeb: {  	s19 =	sshra.s32 s18, $0x2;
	p0 =	sne.s32 s18, $0x7E00;
	[tilespmem:s17+$0x0] =	vst v6;
	v4 =	vmul.u32 $0x41, v4;
	v6 =	vld [tilespmem:s17+$0x70]  }
0xec: {  	v7 =	vld [tilespmem:s19+$0x0];
	[tilespmem:s17+$0x10] =	vst v5;
	v2 =	vmul.u32 $0x41, v2  }
0xed: {  	v5 =	vld [tilespmem:s19+$0x10];
	[tilespmem:s17+$0x20] =	vst v4;
	v0 =	vmul.u32 $0x41, v0  }
.Ltmp0:
0xee: {  	v4 =	vld [tilespmem:s19+$0x20];
	[tilespmem:s17+$0x30] =	vst v2;
	v1 =	vmul.u32 $0x41, v1;
	(pc) =	sbr.rel @p0 .LBB2_2-.Ltmp0, $4  }
0xef: {  	v2 =	vld [tilespmem:s19+$0x30];
	[tilespmem:s17+$0x40] =	vst v0;
	v3 =	vmul.u32 $0x41, v3  }
0xf0: {  	v0 =	vld [tilespmem:s19+$0x40];
	[tilespmem:s17+$0x50] =	vst v1;
	v8 =	vmul.u32 $0x41, v6  }
0xf1: {  	v6 =	vmul.u32 $0x41, v7;
	v1 =	vld [tilespmem:s19+$0x50];
	[tilespmem:s17+$0x60] =	vst v3  }
0xf2: {  	s18 =	sadd.s32 $0x200, s18;
	v5 =	vmul.u32 $0x41, v5;
	v3 =	vld [tilespmem:s19+$0x60];
	[tilespmem:s17+$0x70] =	vst v8;
	s17 =	smov.u32 s19  }
0xf3: {  	[tilespmem:s17+$0x0] =	vst v6;
	v4 =	vmul.u32 $0x41, v4;
	v61 =	vld [tilespmem:s17+$0x70]  }
0xf4: {  	[tilespmem:s17+$0x10] =	vst v5;
	v2 =	vmul.u32 $0x41, v2  }
0xf5: {  	[tilespmem:s17+$0x20] =	vst v4;
	v0 =	vmul.u32 $0x41, v0  }
0xf6: {  	[tilespmem:s17+$0x30] =	vst v2;
	v1 =	vmul.u32 $0x41, v1  }
0xf7: {  	[tilespmem:s17+$0x40] =	vst v0;
	v62 =	vmul.u32 $0x41, v3  }
0xf8: {  	[tilespmem:s17+$0x50] =	vst v1;
	v63 =	vmul.u32 $0x41, v61  }
0xf9: {  	[tilespmem:s17+$0x60] =	vst v62  }
0xfa: {  	s18 =	simm.s32 $0x0;
	[tilespmem:s17+$0x70] =	vst v63;
	s17 =	simm.s32 $0x0  }
.LBB2_4:
0xfb: {  	p0 =	seq.s32 s18, $0x0  }
0xfc: {  	s19 =	simm.s32 @!p0 $0x1  }
0xfd: {  	_ =	swait.ge @!p0 [sflag:s19], $0x2000  }
0xfe: {  	s20 =	sshll.u32 s18, $0x8;
	[sflag:s19] =	ssyncset.done @!p0 $0x0  }
0xff: {  	s21 =	sand.u32 $0x3FFFFF00, s20;
	[sflag:s19] =	ssyncadd.s32 @!p0 $0xFFFFE000  }
0x100: {  	v7 =	vld [tilespmem:s21+$0x0];
	_ =	sdelay $0x2  }
0x101: {  	v6 =	vld [tilespmem:s21+$0x10]  }
0x102: {  	s30 =	simm.s32 $0x7;
	v5 =	vld [tilespmem:s21+$0x20]  }
0x103: {  	s25 =	simm.s32 $0x1;
	v4 =	vld [tilespmem:s21+$0x30];
	v9 =	vadd.s32 s30, v7  }
0x104: {  	s26 =	simm.s32 $0x2;
	v3 =	vld [tilespmem:s21+$0x40];
	v10 =	vadd.s32 s25, v7  }
0x105: {  	s31 =	simm.s32 $0x3;
	v2 =	vld [tilespmem:s21+$0x50];
	v11 =	vadd.s32 s26, v7  }
0x106: {  	s22 =	simm.s32 $0x4;
	v1 =	vld [tilespmem:s21+$0x60];
	v12 =	vadd.s32 s31, v7  }
0x107: {  	s24 =	simm.s32 $0x5;
	v0 =	vld [tilespmem:s21+$0x70];
	v13 =	vadd.s32 s22, v7  }
0x108: {  	s23 =	simm.s32 $0x6;
	v14 =	vadd.s32 s24, v7;
	v9 =	vld.idx.msk [tilespmem:v9+s12+$0x0], $0xffff  }
0x109: {  	v15 =	vadd.s32 s23, v7;
	v10 =	vld.idx.msk [tilespmem:v10+s12+$0x0], $0xffff  }
0x10a: {  	v8 =	vadd.s32 s17, v7;
	v11 =	vld.idx.msk [tilespmem:v11+s12+$0x0], $0xffff  }
0x10b: {  	v16 =	vadd.s32 s30, v6;
	v12 =	vld.idx.msk [tilespmem:v12+s12+$0x0], $0xffff  }
0x10c: {  	s21 =	simm.s32 $0x3B38;
	v17 =	vadd.s32 s25, v6;
	v13 =	vld.idx.msk [tilespmem:v13+s12+$0x0], $0xffff  }
0x10d: {  	v18 =	vadd.s32 s26, v6;
	v14 =	vld.idx.msk [tilespmem:v14+s12+$0x0], $0xffff;
	[tilespmem:s21+$0x180] =	vst v9  }
0x10e: {  	v19 =	vadd.s32 s31, v6;
	v15 =	vld.idx.msk [tilespmem:v15+s12+$0x0], $0xffff;
	[tilespmem:s21+$0xFFFFFE80] =	vst v10  }
0x10f: {  	v20 =	vadd.s32 s22, v6;
	v8 =	vld.idx.msk [tilespmem:v8+s12+$0x0], $0xffff;
	[tilespmem:s21+$0xFFFFFF00] =	vst v11  }
0x110: {  	v9 =	vadd.s32 s24, v6;
	[tilespmem:s21+$0xFFFFFF80] =	vst v12;
	v10 =	vld.idx.msk [tilespmem:v16+s12+$0x0], $0xffff  }
0x111: {  	v11 =	vadd.s32 s23, v6;
	[tilespmem:s21+$0x0] =	vst v13;
	v16 =	vld.idx.msk [tilespmem:v17+s12+$0x0], $0xffff  }
0x112: {  	v12 =	vadd.s32 s30, v5;
	[tilespmem:s21+$0x80] =	vst v14;
	v17 =	vld.idx.msk [tilespmem:v18+s12+$0x0], $0xffff  }
0x113: {  	[tilespmem:s21+$0x100] =	vst v15;
	v18 =	vadd.s32 s17, v6;
	v19 =	vld.idx.msk [tilespmem:v19+s12+$0x0], $0xffff  }
0x114: {  	v13 =	vadd.s32 s25, v5;
	[tilespmem:s21+$0xFFFFFE00] =	vst v8;
	v20 =	vld.idx.msk [tilespmem:v20+s12+$0x0], $0xffff  }
0x115: {  	v14 =	vadd.s32 s26, v5;
	v9 =	vld.idx.msk [tilespmem:v9+s12+$0x0], $0xffff;
	[tilespmem:s21+$0x190] =	vst v10  }
0x116: {  	v15 =	vadd.s32 s31, v5;
	v11 =	vld.idx.msk [tilespmem:v11+s12+$0x0], $0xffff;
	[tilespmem:s21+$0xFFFFFE90] =	vst v16  }
0x117: {  	v8 =	vadd.s32 s22, v5;
	[tilespmem:s21+$0xFFFFFF10] =	vst v17;
	v10 =	vld.idx.msk [tilespmem:v12+s12+$0x0], $0xffff  }
0x118: {  	v16 =	vadd.s32 s24, v5;
	[tilespmem:s21+$0xFFFFFF90] =	vst v19;
	v12 =	vld.idx.msk [tilespmem:v18+s12+$0x0], $0xffff  }
0x119: {  	v17 =	vadd.s32 s30, v4;
	[tilespmem:s21+$0x10] =	vst v20;
	v13 =	vld.idx.msk [tilespmem:v13+s12+$0x0], $0xffff  }
0x11a: {  	v14 =	vld.idx.msk [tilespmem:v14+s12+$0x0], $0xffff;
	v18 =	vadd.s32 s23, v5;
	[tilespmem:s21+$0x90] =	vst v9  }
0x11b: {  	v19 =	vadd.s32 s17, v5;
	v15 =	vld.idx.msk [tilespmem:v15+s12+$0x0], $0xffff;
	[tilespmem:s21+$0x110] =	vst v11  }
0x11c: {  	v20 =	vadd.s32 s25, v4;
	v8 =	vld.idx.msk [tilespmem:v8+s12+$0x0], $0xffff;
	[tilespmem:s21+$0x1A0] =	vst v10  }
0x11d: {  	v9 =	vadd.s32 s26, v4;
	v16 =	vld.idx.msk [tilespmem:v16+s12+$0x0], $0xffff;
	[tilespmem:s21+$0xFFFFFE10] =	vst v12  }
0x11e: {  	v10 =	vadd.s32 s31, v4;
	[tilespmem:s21+$0xFFFFFEA0] =	vst v13;
	v11 =	vld.idx.msk [tilespmem:v17+s12+$0x0], $0xffff  }
0x11f: {  	v12 =	vadd.s32 s22, v4;
	[tilespmem:s21+$0xFFFFFF20] =	vst v14;
	v17 =	vld.idx.msk [tilespmem:v18+s12+$0x0], $0xffff  }
0x120: {  	v14 =	vadd.s32 s24, v4;
	[tilespmem:s21+$0xFFFFFFA0] =	vst v15;
	v18 =	vld.idx.msk [tilespmem:v19+s12+$0x0], $0xffff  }
0x121: {  	v13 =	vadd.s32 s30, v3;
	[tilespmem:s21+$0x20] =	vst v8;
	v19 =	vld.idx.msk [tilespmem:v20+s12+$0x0], $0xffff  }
0x122: {  	v15 =	vadd.s32 s23, v4;
	v9 =	vld.idx.msk [tilespmem:v9+s12+$0x0], $0xffff;
	[tilespmem:s21+$0xA0] =	vst v16  }
0x123: {  	v20 =	vadd.s32 s17, v4;
	v10 =	vld.idx.msk [tilespmem:v10+s12+$0x0], $0xffff;
	[tilespmem:s21+$0x1B0] =	vst v11  }
0x124: {  	v8 =	vadd.s32 s25, v3;
	v12 =	vld.idx.msk [tilespmem:v12+s12+$0x0], $0xffff;
	[tilespmem:s21+$0x120] =	vst v17  }
0x125: {  	v14 =	vld.idx.msk [tilespmem:v14+s12+$0x0], $0xffff;
	v11 =	vadd.s32 s26, v3;
	[tilespmem:s21+$0xFFFFFE20] =	vst v18  }
0x126: {  	v16 =	vadd.s32 s31, v3;
	[tilespmem:s21+$0xFFFFFEB0] =	vst v19;
	v13 =	vld.idx.msk [tilespmem:v13+s12+$0x0], $0xffff  }
0x127: {  	v19 =	vadd.s32 s22, v3;
	v15 =	vld.idx.msk [tilespmem:v15+s12+$0x0], $0xffff;
	[tilespmem:s21+$0xFFFFFF30] =	vst v9  }
0x128: {  	v17 =	vadd.s32 s30, v2;
	v18 =	vld.idx.msk [tilespmem:v20+s12+$0x0], $0xffff;
	[tilespmem:s21+$0xFFFFFFB0] =	vst v10  }
0x129: {  	v8 =	vld.idx.msk [tilespmem:v8+s12+$0x0], $0xffff;
	v9 =	vadd.s32 s24, v3;
	[tilespmem:s21+$0x30] =	vst v12  }
0x12a: {  	v20 =	vadd.s32 s17, v3;
	[tilespmem:s21+$0xB0] =	vst v14;
	v11 =	vld.idx.msk [tilespmem:v11+s12+$0x0], $0xffff  }
0x12b: {  	v10 =	vadd.s32 s23, v3;
	v16 =	vld.idx.msk [tilespmem:v16+s12+$0x0], $0xffff;
	[tilespmem:s21+$0x1C0] =	vst v13  }
0x12c: {  	v19 =	vld.idx.msk [tilespmem:v19+s12+$0x0], $0xffff;
	v13 =	vadd.s32 s25, v2;
	[tilespmem:s21+$0x130] =	vst v15  }
0x12d: {  	[tilespmem:s21+$0xFFFFFE30] =	vst v18;
	v15 =	vadd.s32 s31, v2;
	v12 =	vld.idx.msk [tilespmem:v17+s12+$0x0], $0xffff  }
0x12e: {  	[tilespmem:s21+$0xFFFFFEC0] =	vst v8;
	v8 =	vadd.s32 s22, v2;
	v9 =	vld.idx.msk [tilespmem:v9+s12+$0x0], $0xffff  }
0x12f: {  	v17 =	vadd.s32 s26, v2;
	v18 =	vld.idx.msk [tilespmem:v20+s12+$0x0], $0xffff  }
0x130: {  	v14 =	vadd.s32 s30, v1;
	v10 =	vld.idx.msk [tilespmem:v10+s12+$0x0], $0xffff;
	[tilespmem:s21+$0xFFFFFF40] =	vst v11  }
0x131: {  	v11 =	vadd.s32 s24, v2;
	[tilespmem:s21+$0xFFFFFFC0] =	vst v16;
	v13 =	vld.idx.msk [tilespmem:v13+s12+$0x0], $0xffff  }
0x132: {  	v20 =	vadd.s32 s23, v2;
	[tilespmem:s21+$0x40] =	vst v19;
	v15 =	vld.idx.msk [tilespmem:v15+s12+$0x0], $0xffff  }
0x133: {  	v8 =	vld.idx.msk [tilespmem:v8+s12+$0x0], $0xffff;
	[tilespmem:s21+$0x1D0] =	vst v12;
	v12 =	vadd.s32 s17, v2  }
0x134: {  	v16 =	vadd.s32 s25, v1;
	v17 =	vld.idx.msk [tilespmem:v17+s12+$0x0], $0xffff;
	[tilespmem:s21+$0xC0] =	vst v9  }
0x135: {  	v19 =	vadd.s32 s26, v1;
	[tilespmem:s21+$0xFFFFFE40] =	vst v18;
	v14 =	vld.idx.msk [tilespmem:v14+s12+$0x0], $0xffff  }
0x136: {  	v9 =	vadd.s32 s30, v0;
	[tilespmem:s21+$0x140] =	vst v10;
	v11 =	vld.idx.msk [tilespmem:v11+s12+$0x0], $0xffff  }
0x137: {  	s20 =	simm.s32 $0x8;
	v10 =	vadd.s32 s31, v1;
	v18 =	vld.idx.msk [tilespmem:v20+s12+$0x0], $0xffff;
	[tilespmem:s21+$0xFFFFFED0] =	vst v13  }
0x138: {  	[tilespmem:s21+$0xFFFFFFD0] =	vst v15;
	v15 =	vadd.s32 s20, v7;
	v20 =	vld.idx.msk [tilespmem:v12+s12+$0x0], $0xffff  }
0x139: {  	v12 =	vadd.s32 s22, v1;
	v16 =	vld.idx.msk [tilespmem:v16+s12+$0x0], $0xffff;
	[tilespmem:s21+$0xFFFFFF50] =	vst v17  }
0x13a: {  	v21 =	vadd.s32 s24, v1;
	[tilespmem:s21+$0x1E0] =	vst v14;
	v22 =	vld.idx.msk [tilespmem:v19+s12+$0x0], $0xffff  }
0x13b: {  	v14 =	vadd.s32 s23, v1;
	v17 =	vld.idx.msk [tilespmem:v9+s12+$0x0], $0xffff  }
0x13c: {  	v24 =	vadd.s32 s25, v0;
	[tilespmem:s21+$0x50] =	vst v8;
	v23 =	vld.idx.msk [tilespmem:v10+s12+$0x0], $0xffff  }
0x13d: {  	v9 =	vadd.s32 s17, v1;
	[tilespmem:s21+$0xD0] =	vst v11;
	v8 =	vld.idx.msk [tilespmem:v15+s12+$0x0], $0xffff  }
0x13e: {  	v25 =	vadd.s32 s26, v0;
	[tilespmem:s21+$0x150] =	vst v18;
	v13 =	vld.idx.msk [tilespmem:v12+s12+$0x0], $0xffff  }
0x13f: {  	v19 =	vadd.s32 s31, v0;
	v12 =	vld.idx.msk [tilespmem:v21+s12+$0x0], $0xffff;
	[tilespmem:s21+$0xFFFFFE50] =	vst v20  }
0x140: {  	v18 =	vadd.s32 s22, v0;
	[tilespmem:s21+$0xFFFFFEE0] =	vst v16;
	v10 =	vld.idx.msk [tilespmem:v14+s12+$0x0], $0xffff  }
0x141: {  	v11 =	vld.idx.msk [tilespmem:v24+s12+$0x0], $0xffff;
	[tilespmem:s21+$0x1F0] =	vst v17;
	v17 =	vadd.s32 s24, v0  }
0x142: {  	v16 =	vadd.s32 s23, v0;
	[tilespmem:s21+$0xFFFFFF60] =	vst v22;
	v9 =	vld.idx.msk [tilespmem:v9+s12+$0x0], $0xffff  }
0x143: {  	s19 =	sshll.u32 s18, $0x1;
	s22 =	simm.s32 $0xF;
	v15 =	vadd.s32 s17, v0;
	s23 =	simm.s32 $0x10;
	v14 =	vld.idx.msk [tilespmem:v25+s12+$0x0], $0xffff;
	[tilespmem:s21+$0xFFFFFFE0] =	vst v23  }
.LBB2_5:
0x144: {  	p1 =	slt.u32 s23, $0x38;
	s24 =	sadd.s32 $0x1, s20;
	v20 =	vadd.s32 s22, v7;
	v19 =	vld.idx.msk [tilespmem:v19+s12+$0x0], $0xffff;
	[tilespmem:s21+$0x60] =	vst v13  }
0x145: {  	s25 =	sadd.s32 $0x2, s20;
	v13 =	vadd.s32 s24, v7;
	v18 =	vld.idx.msk [tilespmem:v18+s12+$0x0], $0xffff;
	[tilespmem:s21+$0xE0] =	vst v12  }
0x146: {  	s26 =	sadd.s32 $0x3, s20;
	v12 =	vadd.s32 s25, v7;
	v17 =	vld.idx.msk [tilespmem:v17+s12+$0x0], $0xffff;
	[tilespmem:s21+$0x160] =	vst v10  }
0x147: {  	s28 =	sadd.s32 $0x4, s20;
	v10 =	vadd.s32 s26, v7;
	[tilespmem:s21+$0xFFFFFE60] =	vst v9;
	v9 =	vld.idx.msk [tilespmem:v16+s12+$0x0], $0xffff  }
0x148: {  	s29 =	sadd.s32 $0x5, s20;
	v16 =	vadd.s32 s28, v7;
	v15 =	vld.idx.msk [tilespmem:v15+s12+$0x0], $0xffff;
	[tilespmem:s21+$0xFFFFFEF0] =	vst v11  }
0x149: {  	s30 =	sadd.s32 $0x6, s20;
	v11 =	vadd.s32 s29, v7;
	v20 =	vld.idx.msk [tilespmem:v20+s12+$0x0], $0xffff;
	[tilespmem:s21+$0xFFFFFF70] =	vst v14  }
0x14a: {  	v14 =	vadd.s32 s30, v7;
	v13 =	vld.idx.msk [tilespmem:v13+s12+$0x0], $0xffff;
	[tilespmem:s21+$0xFFFFFFF0] =	vst v19  }
0x14b: {  	v19 =	vadd.s32 s22, v6;
	v12 =	vld.idx.msk [tilespmem:v12+s12+$0x0], $0xffff;
	[tilespmem:s21+$0x70] =	vst v18  }
0x14c: {  	v18 =	vadd.s32 s24, v6;
	v10 =	vld.idx.msk [tilespmem:v10+s12+$0x0], $0xffff;
	[tilespmem:s21+$0xF0] =	vst v17  }
0x14d: {  	v17 =	vadd.s32 s25, v6;
	v16 =	vld.idx.msk [tilespmem:v16+s12+$0x0], $0xffff;
	[tilespmem:s21+$0x170] =	vst v9  }
0x14e: {  	v9 =	vadd.s32 s26, v6;
	v11 =	vld.idx.msk [tilespmem:v11+s12+$0x0], $0xffff;
	[tilespmem:s21+$0xFFFFFE70] =	vst v15;
	s21 =	sadd.s32 $0x400, s21  }
0x14f: {  	v15 =	vadd.s32 s28, v6;
	v14 =	vld.idx.msk [tilespmem:v14+s12+$0x0], $0xffff;
	[tilespmem:s21+$0x180] =	vst v20  }
0x150: {  	[tilespmem:s21+$0xFFFFFE80] =	vst v13;
	v13 =	vadd.s32 s29, v6;
	v19 =	vld.idx.msk [tilespmem:v19+s12+$0x0], $0xffff  }
0x151: {  	v18 =	vld.idx.msk [tilespmem:v18+s12+$0x0], $0xffff;
	[tilespmem:s21+$0xFFFFFF00] =	vst v12;
	v12 =	vadd.s32 s30, v6  }
0x152: {  	v17 =	vld.idx.msk [tilespmem:v17+s12+$0x0], $0xffff;
	[tilespmem:s21+$0xFFFFFF80] =	vst v10;
	v10 =	vadd.s32 s22, v5  }
0x153: {  	v20 =	vadd.s32 s20, v6;
	v9 =	vld.idx.msk [tilespmem:v9+s12+$0x0], $0xffff;
	[tilespmem:s21+$0x0] =	vst v16  }
0x154: {  	v16 =	vadd.s32 s24, v5;
	v15 =	vld.idx.msk [tilespmem:v15+s12+$0x0], $0xffff;
	[tilespmem:s21+$0x80] =	vst v11  }
0x155: {  	v11 =	vadd.s32 s25, v5;
	v13 =	vld.idx.msk [tilespmem:v13+s12+$0x0], $0xffff;
	[tilespmem:s21+$0x100] =	vst v14  }
0x156: {  	v14 =	vadd.s32 s26, v5;
	v12 =	vld.idx.msk [tilespmem:v12+s12+$0x0], $0xffff;
	[tilespmem:s21+$0x190] =	vst v19  }
0x157: {  	[tilespmem:s21+$0xFFFFFE00] =	vst v8;
	v8 =	vadd.s32 s28, v5;
	v10 =	vld.idx.msk [tilespmem:v10+s12+$0x0], $0xffff  }
0x158: {  	v19 =	vld.idx.msk [tilespmem:v20+s12+$0x0], $0xffff;
	[tilespmem:s21+$0xFFFFFE90] =	vst v18;
	v18 =	vadd.s32 s29, v5  }
0x159: {  	v16 =	vld.idx.msk [tilespmem:v16+s12+$0x0], $0xffff;
	[tilespmem:s21+$0xFFFFFF10] =	vst v17;
	v17 =	vadd.s32 s22, v4  }
0x15a: {  	v11 =	vld.idx.msk [tilespmem:v11+s12+$0x0], $0xffff;
	[tilespmem:s21+$0xFFFFFF90] =	vst v9;
	v9 =	vadd.s32 s30, v5  }
0x15b: {  	v20 =	vadd.s32 s20, v5;
	v14 =	vld.idx.msk [tilespmem:v14+s12+$0x0], $0xffff;
	[tilespmem:s21+$0x10] =	vst v15  }
0x15c: {  	v15 =	vadd.s32 s24, v4;
	v8 =	vld.idx.msk [tilespmem:v8+s12+$0x0], $0xffff;
	[tilespmem:s21+$0x90] =	vst v13  }
0x15d: {  	v13 =	vadd.s32 s25, v4;
	v18 =	vld.idx.msk [tilespmem:v18+s12+$0x0], $0xffff;
	[tilespmem:s21+$0x1A0] =	vst v10  }
0x15e: {  	v10 =	vadd.s32 s26, v4;
	[tilespmem:s21+$0x110] =	vst v12;
	v12 =	vld.idx.msk [tilespmem:v17+s12+$0x0], $0xffff  }
0x15f: {  	v17 =	vadd.s32 s28, v4;
	[tilespmem:s21+$0xFFFFFE10] =	vst v19;
	v9 =	vld.idx.msk [tilespmem:v9+s12+$0x0], $0xffff  }
0x160: {  	v19 =	vld.idx.msk [tilespmem:v20+s12+$0x0], $0xffff;
	[tilespmem:s21+$0xFFFFFEA0] =	vst v16;
	v16 =	vadd.s32 s22, v3  }
0x161: {  	v15 =	vld.idx.msk [tilespmem:v15+s12+$0x0], $0xffff;
	[tilespmem:s21+$0xFFFFFF20] =	vst v11;
	v11 =	vadd.s32 s29, v4  }
0x162: {  	v13 =	vld.idx.msk [tilespmem:v13+s12+$0x0], $0xffff;
	[tilespmem:s21+$0xFFFFFFA0] =	vst v14;
	v14 =	vadd.s32 s30, v4  }
0x163: {  	v20 =	vadd.s32 s20, v4;
	v10 =	vld.idx.msk [tilespmem:v10+s12+$0x0], $0xffff;
	[tilespmem:s21+$0x20] =	vst v8  }
0x164: {  	v8 =	vadd.s32 s24, v3;
	v17 =	vld.idx.msk [tilespmem:v17+s12+$0x0], $0xffff;
	[tilespmem:s21+$0x1B0] =	vst v12  }
0x165: {  	v12 =	vadd.s32 s25, v3;
	[tilespmem:s21+$0xA0] =	vst v18;
	v16 =	vld.idx.msk [tilespmem:v16+s12+$0x0], $0xffff  }
0x166: {  	v18 =	vadd.s32 s26, v3;
	v11 =	vld.idx.msk [tilespmem:v11+s12+$0x0], $0xffff;
	[tilespmem:s21+$0x120] =	vst v9  }
0x167: {  	[tilespmem:s21+$0xFFFFFE20] =	vst v19;
	v9 =	vld.idx.msk [tilespmem:v14+s12+$0x0], $0xffff;
	v14 =	vadd.s32 s22, v2  }
0x168: {  	v19 =	vld.idx.msk [tilespmem:v20+s12+$0x0], $0xffff;
	[tilespmem:s21+$0xFFFFFEB0] =	vst v15;
	v15 =	vadd.s32 s28, v3  }
0x169: {  	v8 =	vld.idx.msk [tilespmem:v8+s12+$0x0], $0xffff;
	[tilespmem:s21+$0xFFFFFF30] =	vst v13;
	v13 =	vadd.s32 s29, v3  }
0x16a: {  	v12 =	vld.idx.msk [tilespmem:v12+s12+$0x0], $0xffff;
	[tilespmem:s21+$0xFFFFFFB0] =	vst v10;
	v10 =	vadd.s32 s30, v3  }
0x16b: {  	v20 =	vadd.s32 s20, v3;
	v18 =	vld.idx.msk [tilespmem:v18+s12+$0x0], $0xffff;
	[tilespmem:s21+$0x1C0] =	vst v16  }
0x16c: {  	v16 =	vadd.s32 s24, v2;
	[tilespmem:s21+$0x30] =	vst v17;
	v14 =	vld.idx.msk [tilespmem:v14+s12+$0x0], $0xffff  }
0x16d: {  	v17 =	vadd.s32 s25, v2;
	v15 =	vld.idx.msk [tilespmem:v15+s12+$0x0], $0xffff;
	[tilespmem:s21+$0xB0] =	vst v11  }
0x16e: {  	v11 =	vld.idx.msk [tilespmem:v13+s12+$0x0], $0xffff;
	[tilespmem:s21+$0x130] =	vst v9;
	v9 =	vadd.s32 s22, v1  }
0x16f: {  	v13 =	vadd.s32 s26, v2;
	[tilespmem:s21+$0xFFFFFE30] =	vst v19;
	v10 =	vld.idx.msk [tilespmem:v10+s12+$0x0], $0xffff  }
0x170: {  	v19 =	vld.idx.msk [tilespmem:v20+s12+$0x0], $0xffff;
	[tilespmem:s21+$0xFFFFFEC0] =	vst v8;
	v8 =	vadd.s32 s28, v2  }
0x171: {  	v16 =	vld.idx.msk [tilespmem:v16+s12+$0x0], $0xffff;
	[tilespmem:s21+$0xFFFFFF40] =	vst v12;
	v12 =	vadd.s32 s29, v2  }
0x172: {  	v20 =	vadd.s32 s30, v2;
	v17 =	vld.idx.msk [tilespmem:v17+s12+$0x0], $0xffff;
	[tilespmem:s21+$0x1D0] =	vst v14  }
0x173: {  	v14 =	vadd.s32 s20, v2;
	[tilespmem:s21+$0xFFFFFFC0] =	vst v18;
	v9 =	vld.idx.msk [tilespmem:v9+s12+$0x0], $0xffff  }
0x174: {  	v18 =	vadd.s32 s24, v1;
	v13 =	vld.idx.msk [tilespmem:v13+s12+$0x0], $0xffff;
	[tilespmem:s21+$0x40] =	vst v15  }
0x175: {  	v8 =	vld.idx.msk [tilespmem:v8+s12+$0x0], $0xffff;
	[tilespmem:s21+$0xC0] =	vst v11;
	v11 =	vadd.s32 s22, v0  }
0x176: {  	v15 =	vadd.s32 s25, v1;
	v12 =	vld.idx.msk [tilespmem:v12+s12+$0x0], $0xffff;
	[tilespmem:s21+$0x140] =	vst v10  }
0x177: {  	v10 =	vadd.s32 s26, v1;
	[tilespmem:s21+$0xFFFFFE40] =	vst v19;
	v19 =	vld.idx.msk [tilespmem:v20+s12+$0x0], $0xffff  }
0x178: {  	v14 =	vld.idx.msk [tilespmem:v14+s12+$0x0], $0xffff;
	[tilespmem:s21+$0xFFFFFED0] =	vst v16;
	v16 =	vadd.s32 s28, v1  }
0x179: {  	v20 =	vld.idx.msk [tilespmem:v18+s12+$0x0], $0xffff;
	v18 =	vadd.s32 s29, v1;
	[tilespmem:s21+$0x1E0] =	vst v9  }
0x17a: {  	v9 =	vadd.s32 s30, v1;
	[tilespmem:s21+$0xFFFFFF50] =	vst v17;
	v11 =	vld.idx.msk [tilespmem:v11+s12+$0x0], $0xffff  }
0x17b: {  	v17 =	vadd.s32 s20, v1;
	v15 =	vld.idx.msk [tilespmem:v15+s12+$0x0], $0xffff;
	[tilespmem:s21+$0xFFFFFFD0] =	vst v13  }
0x17c: {  	v21 =	vadd.s32 s23, v7;
	v22 =	vld.idx.msk [tilespmem:v10+s12+$0x0], $0xffff;
	[tilespmem:s21+$0x50] =	vst v8  }
0x17d: {  	v23 =	vadd.s32 s24, v0;
	v13 =	vld.idx.msk [tilespmem:v16+s12+$0x0], $0xffff;
	[tilespmem:s21+$0xD0] =	vst v12  }
0x17e: {  	v24 =	vadd.s32 s25, v0;
	v12 =	vld.idx.msk [tilespmem:v18+s12+$0x0], $0xffff;
	[tilespmem:s21+$0x150] =	vst v19  }
.Ltmp1:
0x17f: {  	v19 =	vadd.s32 s26, v0;
	[tilespmem:s21+$0xFFFFFE50] =	vst v14;
	v10 =	vld.idx.msk [tilespmem:v9+s12+$0x0], $0xffff;
	(pc) =	sbr.rel @p1 .LBB2_5-.Ltmp1, $4  }
0x180: {  	v18 =	vadd.s32 s28, v0;
	v9 =	vld.idx.msk [tilespmem:v17+s12+$0x0], $0xffff;
	[tilespmem:s21+$0x1F0] =	vst v11  }
0x181: {  	v17 =	vadd.s32 s29, v0;
	v8 =	vld.idx.msk [tilespmem:v21+s12+$0x0], $0xffff;
	[tilespmem:s21+$0xFFFFFEE0] =	vst v20  }
0x182: {  	v16 =	vadd.s32 s30, v0;
	v11 =	vld.idx.msk [tilespmem:v23+s12+$0x0], $0xffff;
	[tilespmem:s21+$0xFFFFFF60] =	vst v15  }
0x183: {  	s22 =	sadd.s32 $0x7, s23;
	v15 =	vadd.s32 s20, v0;
	s20 =	smov.u32 s23;
	s23 =	sadd.s32 $0x8, s23;
	v14 =	vld.idx.msk [tilespmem:v24+s12+$0x0], $0xffff;
	[tilespmem:s21+$0xFFFFFFE0] =	vst v22  }
0x184: {  	_ =	sdelay $0x1  }
0x185: {  	[tilespmem:s21+$0x60] =	vst v13  }
0x186: {  	[tilespmem:s21+$0xE0] =	vst v12  }
0x187: {  	s23 =	sadd.s32 $0x1, s20;
	v13 =	vadd.s32 s22, v7;
	v19 =	vld.idx.msk [tilespmem:v19+s12+$0x0], $0xffff;
	[tilespmem:s21+$0x160] =	vst v10  }
0x188: {  	s24 =	sadd.s32 $0x2, s20;
	s31 =	sadd.s32 $0x400, s21;
	v12 =	vadd.s32 s23, v7;
	v18 =	vld.idx.msk [tilespmem:v18+s12+$0x0], $0xffff;
	[tilespmem:s21+$0xFFFFFE60] =	vst v9  }
0x189: {  	s25 =	sadd.s32 $0x3, s20;
	v10 =	vadd.s32 s24, v7;
	v17 =	vld.idx.msk [tilespmem:v17+s12+$0x0], $0xffff;
	[tilespmem:s31+$0xFFFFFE00] =	vst v8  }
0x18a: {  	s26 =	sadd.s32 $0x4, s20;
	v9 =	vadd.s32 s25, v7;
	v16 =	vld.idx.msk [tilespmem:v16+s12+$0x0], $0xffff;
	[tilespmem:s21+$0xFFFFFEF0] =	vst v11  }
0x18b: {  	s28 =	sadd.s32 $0x5, s20;
	v15 =	vld.idx.msk [tilespmem:v15+s12+$0x0], $0xffff;
	v11 =	vadd.s32 s26, v7;
	[tilespmem:s21+$0xFFFFFF70] =	vst v14  }
0x18c: {  	s29 =	sadd.s32 $0x6, s20;
	v14 =	vadd.s32 s28, v7;
	v13 =	vld.idx.msk [tilespmem:v13+s12+$0x0], $0xffff;
	[tilespmem:s21+$0xFFFFFFF0] =	vst v19  }
0x18d: {  	v7 =	vadd.s32 s29, v7;
	v12 =	vld.idx.msk [tilespmem:v12+s12+$0x0], $0xffff;
	[tilespmem:s21+$0x70] =	vst v18  }
0x18e: {  	v10 =	vld.idx.msk [tilespmem:v10+s12+$0x0], $0xffff;
	v18 =	vadd.s32 s22, v6;
	[tilespmem:s21+$0xF0] =	vst v17  }
0x18f: {  	v9 =	vld.idx.msk [tilespmem:v9+s12+$0x0], $0xffff;
	[tilespmem:s21+$0x170] =	vst v16;
	v16 =	vadd.s32 s23, v6  }
0x190: {  	[tilespmem:s21+$0xFFFFFE70] =	vst v15;
	v15 =	vadd.s32 s24, v6;
	v11 =	vld.idx.msk [tilespmem:v11+s12+$0x0], $0xffff  }
0x191: {  	v14 =	vld.idx.msk [tilespmem:v14+s12+$0x0], $0xffff;
	[tilespmem:s31+$0x180] =	vst v13;
	v13 =	vadd.s32 s25, v6  }
0x192: {  	v7 =	vld.idx.msk [tilespmem:v7+s12+$0x0], $0xffff;
	[tilespmem:s31+$0xFFFFFE80] =	vst v12;
	v12 =	vadd.s32 s26, v6  }
0x193: {  	v17 =	vld.idx.msk [tilespmem:v18+s12+$0x0], $0xffff;
	[tilespmem:s31+$0xFFFFFF00] =	vst v10;
	v10 =	vadd.s32 s28, v6  }
0x194: {  	[tilespmem:s31+$0xFFFFFF80] =	vst v9;
	v9 =	vld.idx.msk [tilespmem:v16+s12+$0x0], $0xffff;
	v16 =	vadd.s32 s22, v5  }
0x195: {  	v15 =	vld.idx.msk [tilespmem:v15+s12+$0x0], $0xffff;
	[tilespmem:s31+$0x0] =	vst v11;
	v11 =	vadd.s32 s29, v6  }
0x196: {  	v6 =	vadd.s32 s20, v6;
	[tilespmem:s31+$0x80] =	vst v14;
	v13 =	vld.idx.msk [tilespmem:v13+s12+$0x0], $0xffff  }
0x197: {  	[tilespmem:s31+$0x100] =	vst v7;
	v7 =	vadd.s32 s23, v5;
	v12 =	vld.idx.msk [tilespmem:v12+s12+$0x0], $0xffff  }
0x198: {  	v14 =	vadd.s32 s24, v5;
	[tilespmem:s31+$0x190] =	vst v17;
	v10 =	vld.idx.msk [tilespmem:v10+s12+$0x0], $0xffff  }
0x199: {  	v8 =	vadd.s32 s25, v5;
	v16 =	vld.idx.msk [tilespmem:v16+s12+$0x0], $0xffff;
	[tilespmem:s31+$0xFFFFFE90] =	vst v9  }
0x19a: {  	[tilespmem:s31+$0xFFFFFF10] =	vst v15;
	v9 =	vld.idx.msk [tilespmem:v11+s12+$0x0], $0xffff;
	v11 =	vadd.s32 s26, v5  }
0x19b: {  	v15 =	vadd.s32 s22, v4;
	v6 =	vld.idx.msk [tilespmem:v6+s12+$0x0], $0xffff;
	[tilespmem:s31+$0xFFFFFF90] =	vst v13  }
0x19c: {  	v7 =	vld.idx.msk [tilespmem:v7+s12+$0x0], $0xffff;
	v13 =	vadd.s32 s28, v5;
	[tilespmem:s31+$0x10] =	vst v12  }
0x19d: {  	v12 =	vld.idx.msk [tilespmem:v14+s12+$0x0], $0xffff;
	v14 =	vadd.s32 s29, v5;
	[tilespmem:s31+$0x90] =	vst v10  }
0x19e: {  	v5 =	vadd.s32 s20, v5;
	v8 =	vld.idx.msk [tilespmem:v8+s12+$0x0], $0xffff;
	[tilespmem:s31+$0x1A0] =	vst v16  }
0x19f: {  	v10 =	vadd.s32 s23, v4;
	v11 =	vld.idx.msk [tilespmem:v11+s12+$0x0], $0xffff;
	[tilespmem:s31+$0x110] =	vst v9  }
0x1a0: {  	v9 =	vadd.s32 s24, v4;
	v15 =	vld.idx.msk [tilespmem:v15+s12+$0x0], $0xffff;
	[tilespmem:s31+$0xFFFFFE10] =	vst v6  }
0x1a1: {  	[tilespmem:s31+$0xFFFFFEA0] =	vst v7;
	v6 =	vld.idx.msk [tilespmem:v13+s12+$0x0], $0xffff;
	v13 =	vadd.s32 s25, v4  }
0x1a2: {  	v7 =	vld.idx.msk [tilespmem:v14+s12+$0x0], $0xffff;
	v14 =	vadd.s32 s22, v3;
	[tilespmem:s31+$0xFFFFFF20] =	vst v12  }
0x1a3: {  	v12 =	vadd.s32 s26, v4;
	v5 =	vld.idx.msk [tilespmem:v5+s12+$0x0], $0xffff;
	[tilespmem:s31+$0xFFFFFFA0] =	vst v8  }
0x1a4: {  	v8 =	vld.idx.msk [tilespmem:v10+s12+$0x0], $0xffff;
	v10 =	vadd.s32 s28, v4;
	[tilespmem:s31+$0x20] =	vst v11  }
0x1a5: {  	v9 =	vld.idx.msk [tilespmem:v9+s12+$0x0], $0xffff;
	v11 =	vadd.s32 s29, v4;
	[tilespmem:s31+$0x1B0] =	vst v15  }
0x1a6: {  	v4 =	vadd.s32 s20, v4;
	v13 =	vld.idx.msk [tilespmem:v13+s12+$0x0], $0xffff;
	[tilespmem:s31+$0xA0] =	vst v6  }
0x1a7: {  	v6 =	vadd.s32 s23, v3;
	v14 =	vld.idx.msk [tilespmem:v14+s12+$0x0], $0xffff;
	[tilespmem:s31+$0x120] =	vst v7  }
0x1a8: {  	v7 =	vld.idx.msk [tilespmem:v12+s12+$0x0], $0xffff;
	v12 =	vadd.s32 s24, v3;
	[tilespmem:s31+$0xFFFFFE20] =	vst v5  }
0x1a9: {  	v5 =	vld.idx.msk [tilespmem:v10+s12+$0x0], $0xffff;
	[tilespmem:s31+$0xFFFFFEB0] =	vst v8;
	v8 =	vadd.s32 s25, v3  }
0x1aa: {  	v10 =	vadd.s32 s22, v2;
	v11 =	vld.idx.msk [tilespmem:v11+s12+$0x0], $0xffff;
	[tilespmem:s31+$0xFFFFFF30] =	vst v9  }
0x1ab: {  	v4 =	vld.idx.msk [tilespmem:v4+s12+$0x0], $0xffff;
	v9 =	vadd.s32 s26, v3;
	[tilespmem:s31+$0xFFFFFFB0] =	vst v13  }
0x1ac: {  	v6 =	vld.idx.msk [tilespmem:v6+s12+$0x0], $0xffff;
	v13 =	vadd.s32 s28, v3;
	[tilespmem:s31+$0x1C0] =	vst v14  }
0x1ad: {  	v12 =	vld.idx.msk [tilespmem:v12+s12+$0x0], $0xffff;
	v14 =	vadd.s32 s29, v3;
	[tilespmem:s31+$0x30] =	vst v7  }
0x1ae: {  	v3 =	vadd.s32 s20, v3;
	[tilespmem:s31+$0xB0] =	vst v5;
	v5 =	vld.idx.msk [tilespmem:v8+s12+$0x0], $0xffff  }
0x1af: {  	v8 =	vadd.s32 s23, v2;
	v7 =	vld.idx.msk [tilespmem:v10+s12+$0x0], $0xffff;
	[tilespmem:s31+$0x130] =	vst v11  }
0x1b0: {  	v10 =	vadd.s32 s22, v1;
	v9 =	vld.idx.msk [tilespmem:v9+s12+$0x0], $0xffff;
	[tilespmem:s31+$0xFFFFFE30] =	vst v4  }
0x1b1: {  	v4 =	vadd.s32 s24, v2;
	v11 =	vld.idx.msk [tilespmem:v13+s12+$0x0], $0xffff;
	[tilespmem:s31+$0xFFFFFEC0] =	vst v6  }
0x1b2: {  	v6 =	vadd.s32 s25, v2;
	v13 =	vld.idx.msk [tilespmem:v14+s12+$0x0], $0xffff;
	[tilespmem:s31+$0xFFFFFF40] =	vst v12  }
0x1b3: {  	v3 =	vld.idx.msk [tilespmem:v3+s12+$0x0], $0xffff;
	v12 =	vadd.s32 s26, v2;
	[tilespmem:s31+$0xFFFFFFC0] =	vst v5  }
0x1b4: {  	[tilespmem:s31+$0x1D0] =	vst v7;
	v7 =	vld.idx.msk [tilespmem:v8+s12+$0x0], $0xffff;
	v8 =	vadd.s32 s28, v2  }
0x1b5: {  	v5 =	vadd.s32 s29, v2;
	v10 =	vld.idx.msk [tilespmem:v10+s12+$0x0], $0xffff;
	[tilespmem:s31+$0x40] =	vst v9  }
0x1b6: {  	v2 =	vadd.s32 s20, v2;
	v4 =	vld.idx.msk [tilespmem:v4+s12+$0x0], $0xffff;
	[tilespmem:s31+$0xC0] =	vst v11  }
0x1b7: {  	v9 =	vadd.s32 s22, v0;
	v6 =	vld.idx.msk [tilespmem:v6+s12+$0x0], $0xffff;
	[tilespmem:s31+$0x140] =	vst v13  }
0x1b8: {  	v11 =	vadd.s32 s23, v1;
	v12 =	vld.idx.msk [tilespmem:v12+s12+$0x0], $0xffff;
	[tilespmem:s31+$0xFFFFFE40] =	vst v3  }
0x1b9: {  	v3 =	vadd.s32 s24, v1;
	v8 =	vld.idx.msk [tilespmem:v8+s12+$0x0], $0xffff;
	[tilespmem:s31+$0xFFFFFED0] =	vst v7  }
0x1ba: {  	v7 =	vadd.s32 s25, v1;
	v5 =	vld.idx.msk [tilespmem:v5+s12+$0x0], $0xffff;
	[tilespmem:s31+$0x1E0] =	vst v10  }
0x1bb: {  	v2 =	vld.idx.msk [tilespmem:v2+s12+$0x0], $0xffff;
	v10 =	vadd.s32 s26, v1;
	[tilespmem:s31+$0xFFFFFF50] =	vst v4  }
0x1bc: {  	v4 =	vadd.s32 s28, v1;
	v9 =	vld.idx.msk [tilespmem:v9+s12+$0x0], $0xffff;
	[tilespmem:s31+$0xFFFFFFD0] =	vst v6  }
0x1bd: {  	v6 =	vld.idx.msk [tilespmem:v11+s12+$0x0], $0xffff;
	v11 =	vadd.s32 s29, v1;
	[tilespmem:s31+$0x50] =	vst v12  }
0x1be: {  	v1 =	vadd.s32 s20, v1;
	v3 =	vld.idx.msk [tilespmem:v3+s12+$0x0], $0xffff;
	[tilespmem:s31+$0xD0] =	vst v8  }
0x1bf: {  	v7 =	vld.idx.msk [tilespmem:v7+s12+$0x0], $0xffff;
	v8 =	vadd.s32 s23, v0;
	[tilespmem:s31+$0x150] =	vst v5  }
0x1c0: {  	[tilespmem:s31+$0xFFFFFE50] =	vst v2;
	v5 =	vld.idx.msk [tilespmem:v10+s12+$0x0], $0xffff;
	v10 =	vadd.s32 s24, v0  }
0x1c1: {  	v2 =	vld.idx.msk [tilespmem:v4+s12+$0x0], $0xffff;
	v4 =	vadd.s32 s25, v0;
	[tilespmem:s31+$0x1F0] =	vst v9  }
0x1c2: {  	v9 =	vld.idx.msk [tilespmem:v11+s12+$0x0], $0xffff;
	v11 =	vadd.s32 s26, v0;
	[tilespmem:s31+$0xFFFFFEE0] =	vst v6  }
0x1c3: {  	v1 =	vld.idx.msk [tilespmem:v1+s12+$0x0], $0xffff;
	v6 =	vadd.s32 s28, v0;
	[tilespmem:s31+$0xFFFFFF60] =	vst v3  }
0x1c4: {  	v3 =	vld.idx.msk [tilespmem:v8+s12+$0x0], $0xffff;
	v8 =	vadd.s32 s29, v0;
	[tilespmem:s31+$0xFFFFFFE0] =	vst v7  }
0x1c5: {  	v0 =	vadd.s32 s20, v0;
	v7 =	vld.idx.msk [tilespmem:v10+s12+$0x0], $0xffff;
	[tilespmem:s31+$0x60] =	vst v5  }
0x1c6: {  	v4 =	vld.idx.msk [tilespmem:v4+s12+$0x0], $0xffff;
	[tilespmem:s31+$0xE0] =	vst v2  }
0x1c7: {  	v2 =	vld.idx.msk [tilespmem:v11+s12+$0x0], $0xffff;
	[tilespmem:s31+$0x160] =	vst v9  }
0x1c8: {  	v5 =	vld.idx.msk [tilespmem:v6+s12+$0x0], $0xffff;
	[tilespmem:s31+$0xFFFFFE60] =	vst v1  }
0x1c9: {  	v1 =	vld.idx.msk [tilespmem:v8+s12+$0x0], $0xffff;
	[tilespmem:s31+$0xFFFFFEF0] =	vst v3  }
0x1ca: {  	v0 =	vld.idx.msk [tilespmem:v0+s12+$0x0], $0xffff;
	[tilespmem:s31+$0xFFFFFF70] =	vst v7  }
0x1cb: {  	s30 =	sadd.s32 s7, s19;
	[tilespmem:s31+$0xFFFFFFF0] =	vst v4  }
0x1cc: {  	s20 =	sshll.u32 s30, $0xD;
	[tilespmem:s31+$0x70] =	vst v2  }
0x1cd: {  	s20 =	sadd.s32 s8, s20;
	[tilespmem:s31+$0xF0] =	vst v5  }
0x1ce: {  	s20 =	sshrl.u32 s20, $0x3;
	[tilespmem:s31+$0x170] =	vst v1  }
0x1cf: {  	s20 =	sadd.s32 s2, s20;
	[tilespmem:s31+$0xFFFFFE70] =	vst v0  }
0x1d0: {  	[hbm4b:s20+s3] =	stream.linear.scatter [tilespmem:s13], [sflag:$0x1], $0x2000, $0x38;
	[tilespmem:$0x7938] =	vst v63  }
0x1d1: {  	s20 =	simm.s32 @!p0 $0x2  }
0x1d2: {  	s19 =	sor.u32 $0x1, s19;
	_ =	swait.ge @!p0 [sflag:s20], $0x2000  }
0x1d3: {  	s31 =	sshll.u32 s19, $0x7;
	[sflag:s20] =	ssyncset.done @!p0 $0x0  }
0x1d4: {  	s21 =	sand.u32 $0x3FFFFF80, s31;
	[sflag:s20] =	ssyncadd.s32 @!p0 $0xFFFFE000  }
0x1d5: {  	v7 =	vld [tilespmem:s21+$0x0];
	_ =	sdelay $0x2  }
0x1d6: {  	v6 =	vld [tilespmem:s21+$0x10]  }
0x1d7: {  	s20 =	simm.s32 $0x7;
	v5 =	vld [tilespmem:s21+$0x20]  }
0x1d8: {  	s22 =	simm.s32 $0x1;
	v4 =	vld [tilespmem:s21+$0x30];
	v9 =	vadd.s32 s20, v7  }
0x1d9: {  	s23 =	simm.s32 $0x2;
	v3 =	vld [tilespmem:s21+$0x40];
	v10 =	vadd.s32 s22, v7  }
0x1da: {  	s25 =	simm.s32 $0x3;
	v2 =	vld [tilespmem:s21+$0x50];
	v11 =	vadd.s32 s23, v7  }
0x1db: {  	s26 =	simm.s32 $0x4;
	v1 =	vld [tilespmem:s21+$0x60];
	v12 =	vadd.s32 s25, v7  }
0x1dc: {  	s30 =	simm.s32 $0x5;
	v0 =	vld [tilespmem:s21+$0x70];
	v13 =	vadd.s32 s26, v7  }
0x1dd: {  	s31 =	simm.s32 $0x6;
	v14 =	vadd.s32 s30, v7;
	v9 =	vld.idx.msk [tilespmem:v9+s12+$0x0], $0xffff  }
0x1de: {  	s24 =	simm.s32 $0x0;
	v15 =	vadd.s32 s31, v7;
	v10 =	vld.idx.msk [tilespmem:v10+s12+$0x0], $0xffff  }
0x1df: {  	v8 =	vadd.s32 s24, v7;
	v11 =	vld.idx.msk [tilespmem:v11+s12+$0x0], $0xffff  }
0x1e0: {  	v16 =	vadd.s32 s20, v6;
	v12 =	vld.idx.msk [tilespmem:v12+s12+$0x0], $0xffff  }
0x1e1: {  	s21 =	simm.s32 $0x5D28;
	v17 =	vadd.s32 s22, v6;
	v13 =	vld.idx.msk [tilespmem:v13+s12+$0x0], $0xffff  }
0x1e2: {  	v18 =	vadd.s32 s23, v6;
	v14 =	vld.idx.msk [tilespmem:v14+s12+$0x0], $0xffff;
	[tilespmem:s21+$0xFFFFFF90] =	vst v9  }
0x1e3: {  	v19 =	vadd.s32 s25, v6;
	v15 =	vld.idx.msk [tilespmem:v15+s12+$0x0], $0xffff;
	[tilespmem:s21+$0xFFFFFC90] =	vst v10  }
0x1e4: {  	v20 =	vadd.s32 s26, v6;
	v8 =	vld.idx.msk [tilespmem:v8+s12+$0x0], $0xffff;
	[tilespmem:s21+$0xFFFFFD10] =	vst v11  }
0x1e5: {  	v9 =	vadd.s32 s30, v6;
	[tilespmem:s21+$0xFFFFFD90] =	vst v12;
	v10 =	vld.idx.msk [tilespmem:v16+s12+$0x0], $0xffff  }
0x1e6: {  	v11 =	vadd.s32 s31, v6;
	[tilespmem:s21+$0xFFFFFE10] =	vst v13;
	v16 =	vld.idx.msk [tilespmem:v17+s12+$0x0], $0xffff  }
0x1e7: {  	v12 =	vadd.s32 s20, v5;
	[tilespmem:s21+$0xFFFFFE90] =	vst v14;
	v17 =	vld.idx.msk [tilespmem:v18+s12+$0x0], $0xffff  }
0x1e8: {  	[tilespmem:s21+$0xFFFFFF10] =	vst v15;
	v18 =	vadd.s32 s24, v6;
	v19 =	vld.idx.msk [tilespmem:v19+s12+$0x0], $0xffff  }
0x1e9: {  	v13 =	vadd.s32 s22, v5;
	[tilespmem:s21+$0xFFFFFC10] =	vst v8;
	v20 =	vld.idx.msk [tilespmem:v20+s12+$0x0], $0xffff  }
0x1ea: {  	v14 =	vadd.s32 s23, v5;
	v9 =	vld.idx.msk [tilespmem:v9+s12+$0x0], $0xffff;
	[tilespmem:s21+$0xFFFFFFA0] =	vst v10  }
0x1eb: {  	v15 =	vadd.s32 s25, v5;
	v11 =	vld.idx.msk [tilespmem:v11+s12+$0x0], $0xffff;
	[tilespmem:s21+$0xFFFFFCA0] =	vst v16  }
0x1ec: {  	v8 =	vadd.s32 s26, v5;
	[tilespmem:s21+$0xFFFFFD20] =	vst v17;
	v10 =	vld.idx.msk [tilespmem:v12+s12+$0x0], $0xffff  }
0x1ed: {  	v16 =	vadd.s32 s30, v5;
	[tilespmem:s21+$0xFFFFFDA0] =	vst v19;
	v12 =	vld.idx.msk [tilespmem:v18+s12+$0x0], $0xffff  }
0x1ee: {  	v17 =	vadd.s32 s20, v4;
	[tilespmem:s21+$0xFFFFFE20] =	vst v20;
	v13 =	vld.idx.msk [tilespmem:v13+s12+$0x0], $0xffff  }
0x1ef: {  	v14 =	vld.idx.msk [tilespmem:v14+s12+$0x0], $0xffff;
	v18 =	vadd.s32 s31, v5;
	[tilespmem:s21+$0xFFFFFEA0] =	vst v9  }
0x1f0: {  	v19 =	vadd.s32 s24, v5;
	v15 =	vld.idx.msk [tilespmem:v15+s12+$0x0], $0xffff;
	[tilespmem:s21+$0xFFFFFF20] =	vst v11  }
0x1f1: {  	v20 =	vadd.s32 s22, v4;
	v8 =	vld.idx.msk [tilespmem:v8+s12+$0x0], $0xffff;
	[tilespmem:s21+$0xFFFFFFB0] =	vst v10  }
0x1f2: {  	v9 =	vadd.s32 s23, v4;
	v16 =	vld.idx.msk [tilespmem:v16+s12+$0x0], $0xffff;
	[tilespmem:s21+$0xFFFFFC20] =	vst v12  }
0x1f3: {  	v10 =	vadd.s32 s25, v4;
	[tilespmem:s21+$0xFFFFFCB0] =	vst v13;
	v11 =	vld.idx.msk [tilespmem:v17+s12+$0x0], $0xffff  }
0x1f4: {  	v12 =	vadd.s32 s26, v4;
	[tilespmem:s21+$0xFFFFFD30] =	vst v14;
	v17 =	vld.idx.msk [tilespmem:v18+s12+$0x0], $0xffff  }
0x1f5: {  	v14 =	vadd.s32 s30, v4;
	[tilespmem:s21+$0xFFFFFDB0] =	vst v15;
	v18 =	vld.idx.msk [tilespmem:v19+s12+$0x0], $0xffff  }
0x1f6: {  	v13 =	vadd.s32 s20, v3;
	[tilespmem:s21+$0xFFFFFE30] =	vst v8;
	v19 =	vld.idx.msk [tilespmem:v20+s12+$0x0], $0xffff  }
0x1f7: {  	v15 =	vadd.s32 s31, v4;
	v9 =	vld.idx.msk [tilespmem:v9+s12+$0x0], $0xffff;
	[tilespmem:s21+$0xFFFFFEB0] =	vst v16  }
0x1f8: {  	v20 =	vadd.s32 s24, v4;
	v10 =	vld.idx.msk [tilespmem:v10+s12+$0x0], $0xffff;
	[tilespmem:s21+$0xFFFFFFC0] =	vst v11  }
0x1f9: {  	v8 =	vadd.s32 s22, v3;
	v12 =	vld.idx.msk [tilespmem:v12+s12+$0x0], $0xffff;
	[tilespmem:s21+$0xFFFFFF30] =	vst v17  }
0x1fa: {  	v14 =	vld.idx.msk [tilespmem:v14+s12+$0x0], $0xffff;
	v11 =	vadd.s32 s23, v3;
	[tilespmem:s21+$0xFFFFFC30] =	vst v18  }
0x1fb: {  	v16 =	vadd.s32 s25, v3;
	[tilespmem:s21+$0xFFFFFCC0] =	vst v19;
	v13 =	vld.idx.msk [tilespmem:v13+s12+$0x0], $0xffff  }
0x1fc: {  	v19 =	vadd.s32 s26, v3;
	v15 =	vld.idx.msk [tilespmem:v15+s12+$0x0], $0xffff;
	[tilespmem:s21+$0xFFFFFD40] =	vst v9  }
0x1fd: {  	v17 =	vadd.s32 s20, v2;
	v18 =	vld.idx.msk [tilespmem:v20+s12+$0x0], $0xffff;
	[tilespmem:s21+$0xFFFFFDC0] =	vst v10  }
0x1fe: {  	v8 =	vld.idx.msk [tilespmem:v8+s12+$0x0], $0xffff;
	v9 =	vadd.s32 s30, v3;
	[tilespmem:s21+$0xFFFFFE40] =	vst v12  }
0x1ff: {  	v20 =	vadd.s32 s24, v3;
	[tilespmem:s21+$0xFFFFFEC0] =	vst v14;
	v11 =	vld.idx.msk [tilespmem:v11+s12+$0x0], $0xffff  }
0x200: {  	v10 =	vadd.s32 s31, v3;
	v16 =	vld.idx.msk [tilespmem:v16+s12+$0x0], $0xffff;
	[tilespmem:s21+$0xFFFFFFD0] =	vst v13  }
0x201: {  	v19 =	vld.idx.msk [tilespmem:v19+s12+$0x0], $0xffff;
	v13 =	vadd.s32 s22, v2;
	[tilespmem:s21+$0xFFFFFF40] =	vst v15  }
0x202: {  	[tilespmem:s21+$0xFFFFFC40] =	vst v18;
	v15 =	vadd.s32 s25, v2;
	v12 =	vld.idx.msk [tilespmem:v17+s12+$0x0], $0xffff  }
0x203: {  	[tilespmem:s21+$0xFFFFFCD0] =	vst v8;
	v8 =	vadd.s32 s26, v2;
	v9 =	vld.idx.msk [tilespmem:v9+s12+$0x0], $0xffff  }
0x204: {  	v17 =	vadd.s32 s23, v2;
	v18 =	vld.idx.msk [tilespmem:v20+s12+$0x0], $0xffff  }
0x205: {  	v14 =	vadd.s32 s20, v1;
	v10 =	vld.idx.msk [tilespmem:v10+s12+$0x0], $0xffff;
	[tilespmem:s21+$0xFFFFFD50] =	vst v11  }
0x206: {  	v11 =	vadd.s32 s30, v2;
	[tilespmem:s21+$0xFFFFFDD0] =	vst v16;
	v13 =	vld.idx.msk [tilespmem:v13+s12+$0x0], $0xffff  }
0x207: {  	v20 =	vadd.s32 s31, v2;
	[tilespmem:s21+$0xFFFFFE50] =	vst v19;
	v15 =	vld.idx.msk [tilespmem:v15+s12+$0x0], $0xffff  }
0x208: {  	v8 =	vld.idx.msk [tilespmem:v8+s12+$0x0], $0xffff;
	[tilespmem:s21+$0xFFFFFFE0] =	vst v12;
	v12 =	vadd.s32 s24, v2  }
0x209: {  	v16 =	vadd.s32 s22, v1;
	v17 =	vld.idx.msk [tilespmem:v17+s12+$0x0], $0xffff;
	[tilespmem:s21+$0xFFFFFED0] =	vst v9  }
0x20a: {  	v19 =	vadd.s32 s23, v1;
	[tilespmem:s21+$0xFFFFFC50] =	vst v18;
	v14 =	vld.idx.msk [tilespmem:v14+s12+$0x0], $0xffff  }
0x20b: {  	v9 =	vadd.s32 s20, v0;
	[tilespmem:s21+$0xFFFFFF50] =	vst v10;
	v11 =	vld.idx.msk [tilespmem:v11+s12+$0x0], $0xffff  }
0x20c: {  	s20 =	simm.s32 $0x8;
	v10 =	vadd.s32 s25, v1;
	v18 =	vld.idx.msk [tilespmem:v20+s12+$0x0], $0xffff;
	[tilespmem:s21+$0xFFFFFCE0] =	vst v13  }
0x20d: {  	[tilespmem:s21+$0xFFFFFDE0] =	vst v15;
	v15 =	vadd.s32 s20, v7;
	v20 =	vld.idx.msk [tilespmem:v12+s12+$0x0], $0xffff  }
0x20e: {  	v12 =	vadd.s32 s26, v1;
	v16 =	vld.idx.msk [tilespmem:v16+s12+$0x0], $0xffff;
	[tilespmem:s21+$0xFFFFFD60] =	vst v17  }
0x20f: {  	v21 =	vadd.s32 s30, v1;
	[tilespmem:s21+$0xFFFFFFF0] =	vst v14;
	v22 =	vld.idx.msk [tilespmem:v19+s12+$0x0], $0xffff  }
0x210: {  	v14 =	vadd.s32 s31, v1;
	v17 =	vld.idx.msk [tilespmem:v9+s12+$0x0], $0xffff  }
0x211: {  	v24 =	vadd.s32 s22, v0;
	[tilespmem:s21+$0xFFFFFE60] =	vst v8;
	v23 =	vld.idx.msk [tilespmem:v10+s12+$0x0], $0xffff  }
0x212: {  	v9 =	vadd.s32 s24, v1;
	[tilespmem:s21+$0xFFFFFEE0] =	vst v11;
	v8 =	vld.idx.msk [tilespmem:v15+s12+$0x0], $0xffff  }
0x213: {  	v25 =	vadd.s32 s23, v0;
	[tilespmem:s21+$0xFFFFFF60] =	vst v18;
	v13 =	vld.idx.msk [tilespmem:v12+s12+$0x0], $0xffff  }
0x214: {  	v19 =	vadd.s32 s25, v0;
	v12 =	vld.idx.msk [tilespmem:v21+s12+$0x0], $0xffff;
	[tilespmem:s21+$0xFFFFFC60] =	vst v20  }
0x215: {  	v18 =	vadd.s32 s26, v0;
	[tilespmem:s21+$0xFFFFFCF0] =	vst v16;
	v10 =	vld.idx.msk [tilespmem:v14+s12+$0x0], $0xffff  }
0x216: {  	v11 =	vld.idx.msk [tilespmem:v24+s12+$0x0], $0xffff;
	[tilespmem:s21+$0x0] =	vst v17;
	v17 =	vadd.s32 s30, v0  }
0x217: {  	v16 =	vadd.s32 s31, v0;
	[tilespmem:s21+$0xFFFFFD70] =	vst v22;
	v9 =	vld.idx.msk [tilespmem:v9+s12+$0x0], $0xffff  }
0x218: {  	s22 =	simm.s32 $0xF;
	s23 =	simm.s32 $0x10;
	v15 =	vadd.s32 s24, v0;
	v14 =	vld.idx.msk [tilespmem:v25+s12+$0x0], $0xffff;
	[tilespmem:s21+$0xFFFFFDF0] =	vst v23  }
.LBB2_7:
0x219: {  	p0 =	slt.u32 s23, $0x38;
	s24 =	sadd.s32 $0x1, s20;
	v20 =	vadd.s32 s22, v7;
	v19 =	vld.idx.msk [tilespmem:v19+s12+$0x0], $0xffff;
	[tilespmem:s21+$0xFFFFFE70] =	vst v13  }
0x21a: {  	s25 =	sadd.s32 $0x2, s20;
	v13 =	vadd.s32 s24, v7;
	v18 =	vld.idx.msk [tilespmem:v18+s12+$0x0], $0xffff;
	[tilespmem:s21+$0xFFFFFEF0] =	vst v12  }
0x21b: {  	s26 =	sadd.s32 $0x3, s20;
	v12 =	vadd.s32 s25, v7;
	v17 =	vld.idx.msk [tilespmem:v17+s12+$0x0], $0xffff;
	[tilespmem:s21+$0xFFFFFF70] =	vst v10  }
0x21c: {  	s28 =	sadd.s32 $0x4, s20;
	v10 =	vadd.s32 s26, v7;
	[tilespmem:s21+$0xFFFFFC70] =	vst v9;
	v9 =	vld.idx.msk [tilespmem:v16+s12+$0x0], $0xffff  }
0x21d: {  	s29 =	sadd.s32 $0x5, s20;
	v16 =	vadd.s32 s28, v7;
	v15 =	vld.idx.msk [tilespmem:v15+s12+$0x0], $0xffff;
	[tilespmem:s21+$0xFFFFFD00] =	vst v11  }
0x21e: {  	s30 =	sadd.s32 $0x6, s20;
	v11 =	vadd.s32 s29, v7;
	v20 =	vld.idx.msk [tilespmem:v20+s12+$0x0], $0xffff;
	[tilespmem:s21+$0xFFFFFD80] =	vst v14  }
0x21f: {  	v14 =	vadd.s32 s30, v7;
	v13 =	vld.idx.msk [tilespmem:v13+s12+$0x0], $0xffff;
	[tilespmem:s21+$0xFFFFFE00] =	vst v19  }
0x220: {  	v19 =	vadd.s32 s22, v6;
	v12 =	vld.idx.msk [tilespmem:v12+s12+$0x0], $0xffff;
	[tilespmem:s21+$0xFFFFFE80] =	vst v18  }
0x221: {  	v18 =	vadd.s32 s24, v6;
	v10 =	vld.idx.msk [tilespmem:v10+s12+$0x0], $0xffff;
	[tilespmem:s21+$0xFFFFFF00] =	vst v17  }
0x222: {  	v17 =	vadd.s32 s25, v6;
	v16 =	vld.idx.msk [tilespmem:v16+s12+$0x0], $0xffff;
	[tilespmem:s21+$0xFFFFFF80] =	vst v9  }
0x223: {  	v9 =	vadd.s32 s26, v6;
	v11 =	vld.idx.msk [tilespmem:v11+s12+$0x0], $0xffff;
	[tilespmem:s21+$0xFFFFFC80] =	vst v15;
	s21 =	sadd.s32 $0x400, s21  }
0x224: {  	v15 =	vadd.s32 s28, v6;
	v14 =	vld.idx.msk [tilespmem:v14+s12+$0x0], $0xffff;
	[tilespmem:s21+$0xFFFFFF90] =	vst v20  }
0x225: {  	[tilespmem:s21+$0xFFFFFC90] =	vst v13;
	v13 =	vadd.s32 s29, v6;
	v19 =	vld.idx.msk [tilespmem:v19+s12+$0x0], $0xffff  }
0x226: {  	v18 =	vld.idx.msk [tilespmem:v18+s12+$0x0], $0xffff;
	[tilespmem:s21+$0xFFFFFD10] =	vst v12;
	v12 =	vadd.s32 s30, v6  }
0x227: {  	v17 =	vld.idx.msk [tilespmem:v17+s12+$0x0], $0xffff;
	[tilespmem:s21+$0xFFFFFD90] =	vst v10;
	v10 =	vadd.s32 s22, v5  }
0x228: {  	v20 =	vadd.s32 s20, v6;
	v9 =	vld.idx.msk [tilespmem:v9+s12+$0x0], $0xffff;
	[tilespmem:s21+$0xFFFFFE10] =	vst v16  }
0x229: {  	v16 =	vadd.s32 s24, v5;
	v15 =	vld.idx.msk [tilespmem:v15+s12+$0x0], $0xffff;
	[tilespmem:s21+$0xFFFFFE90] =	vst v11  }
0x22a: {  	v11 =	vadd.s32 s25, v5;
	v13 =	vld.idx.msk [tilespmem:v13+s12+$0x0], $0xffff;
	[tilespmem:s21+$0xFFFFFF10] =	vst v14  }
0x22b: {  	v14 =	vadd.s32 s26, v5;
	v12 =	vld.idx.msk [tilespmem:v12+s12+$0x0], $0xffff;
	[tilespmem:s21+$0xFFFFFFA0] =	vst v19  }
0x22c: {  	[tilespmem:s21+$0xFFFFFC10] =	vst v8;
	v8 =	vadd.s32 s28, v5;
	v10 =	vld.idx.msk [tilespmem:v10+s12+$0x0], $0xffff  }
0x22d: {  	v19 =	vld.idx.msk [tilespmem:v20+s12+$0x0], $0xffff;
	[tilespmem:s21+$0xFFFFFCA0] =	vst v18;
	v18 =	vadd.s32 s29, v5  }
0x22e: {  	v16 =	vld.idx.msk [tilespmem:v16+s12+$0x0], $0xffff;
	[tilespmem:s21+$0xFFFFFD20] =	vst v17;
	v17 =	vadd.s32 s22, v4  }
0x22f: {  	v11 =	vld.idx.msk [tilespmem:v11+s12+$0x0], $0xffff;
	[tilespmem:s21+$0xFFFFFDA0] =	vst v9;
	v9 =	vadd.s32 s30, v5  }
0x230: {  	v20 =	vadd.s32 s20, v5;
	v14 =	vld.idx.msk [tilespmem:v14+s12+$0x0], $0xffff;
	[tilespmem:s21+$0xFFFFFE20] =	vst v15  }
0x231: {  	v15 =	vadd.s32 s24, v4;
	v8 =	vld.idx.msk [tilespmem:v8+s12+$0x0], $0xffff;
	[tilespmem:s21+$0xFFFFFEA0] =	vst v13  }
0x232: {  	v13 =	vadd.s32 s25, v4;
	v18 =	vld.idx.msk [tilespmem:v18+s12+$0x0], $0xffff;
	[tilespmem:s21+$0xFFFFFFB0] =	vst v10  }
0x233: {  	v10 =	vadd.s32 s26, v4;
	[tilespmem:s21+$0xFFFFFF20] =	vst v12;
	v12 =	vld.idx.msk [tilespmem:v17+s12+$0x0], $0xffff  }
0x234: {  	v17 =	vadd.s32 s28, v4;
	[tilespmem:s21+$0xFFFFFC20] =	vst v19;
	v9 =	vld.idx.msk [tilespmem:v9+s12+$0x0], $0xffff  }
0x235: {  	v19 =	vld.idx.msk [tilespmem:v20+s12+$0x0], $0xffff;
	[tilespmem:s21+$0xFFFFFCB0] =	vst v16;
	v16 =	vadd.s32 s22, v3  }
0x236: {  	v15 =	vld.idx.msk [tilespmem:v15+s12+$0x0], $0xffff;
	[tilespmem:s21+$0xFFFFFD30] =	vst v11;
	v11 =	vadd.s32 s29, v4  }
0x237: {  	v13 =	vld.idx.msk [tilespmem:v13+s12+$0x0], $0xffff;
	[tilespmem:s21+$0xFFFFFDB0] =	vst v14;
	v14 =	vadd.s32 s30, v4  }
0x238: {  	v20 =	vadd.s32 s20, v4;
	v10 =	vld.idx.msk [tilespmem:v10+s12+$0x0], $0xffff;
	[tilespmem:s21+$0xFFFFFE30] =	vst v8  }
0x239: {  	v8 =	vadd.s32 s24, v3;
	v17 =	vld.idx.msk [tilespmem:v17+s12+$0x0], $0xffff;
	[tilespmem:s21+$0xFFFFFFC0] =	vst v12  }
0x23a: {  	v12 =	vadd.s32 s25, v3;
	[tilespmem:s21+$0xFFFFFEB0] =	vst v18;
	v16 =	vld.idx.msk [tilespmem:v16+s12+$0x0], $0xffff  }
0x23b: {  	v18 =	vadd.s32 s26, v3;
	v11 =	vld.idx.msk [tilespmem:v11+s12+$0x0], $0xffff;
	[tilespmem:s21+$0xFFFFFF30] =	vst v9  }
0x23c: {  	[tilespmem:s21+$0xFFFFFC30] =	vst v19;
	v9 =	vld.idx.msk [tilespmem:v14+s12+$0x0], $0xffff;
	v14 =	vadd.s32 s22, v2  }
0x23d: {  	v19 =	vld.idx.msk [tilespmem:v20+s12+$0x0], $0xffff;
	[tilespmem:s21+$0xFFFFFCC0] =	vst v15;
	v15 =	vadd.s32 s28, v3  }
0x23e: {  	v8 =	vld.idx.msk [tilespmem:v8+s12+$0x0], $0xffff;
	[tilespmem:s21+$0xFFFFFD40] =	vst v13;
	v13 =	vadd.s32 s29, v3  }
0x23f: {  	v12 =	vld.idx.msk [tilespmem:v12+s12+$0x0], $0xffff;
	[tilespmem:s21+$0xFFFFFDC0] =	vst v10;
	v10 =	vadd.s32 s30, v3  }
0x240: {  	v20 =	vadd.s32 s20, v3;
	v18 =	vld.idx.msk [tilespmem:v18+s12+$0x0], $0xffff;
	[tilespmem:s21+$0xFFFFFFD0] =	vst v16  }
0x241: {  	v16 =	vadd.s32 s24, v2;
	[tilespmem:s21+$0xFFFFFE40] =	vst v17;
	v14 =	vld.idx.msk [tilespmem:v14+s12+$0x0], $0xffff  }
0x242: {  	v17 =	vadd.s32 s25, v2;
	v15 =	vld.idx.msk [tilespmem:v15+s12+$0x0], $0xffff;
	[tilespmem:s21+$0xFFFFFEC0] =	vst v11  }
0x243: {  	v11 =	vld.idx.msk [tilespmem:v13+s12+$0x0], $0xffff;
	[tilespmem:s21+$0xFFFFFF40] =	vst v9;
	v9 =	vadd.s32 s22, v1  }
0x244: {  	v13 =	vadd.s32 s26, v2;
	[tilespmem:s21+$0xFFFFFC40] =	vst v19;
	v10 =	vld.idx.msk [tilespmem:v10+s12+$0x0], $0xffff  }
0x245: {  	v19 =	vld.idx.msk [tilespmem:v20+s12+$0x0], $0xffff;
	[tilespmem:s21+$0xFFFFFCD0] =	vst v8;
	v8 =	vadd.s32 s28, v2  }
0x246: {  	v16 =	vld.idx.msk [tilespmem:v16+s12+$0x0], $0xffff;
	[tilespmem:s21+$0xFFFFFD50] =	vst v12;
	v12 =	vadd.s32 s29, v2  }
0x247: {  	v20 =	vadd.s32 s30, v2;
	v17 =	vld.idx.msk [tilespmem:v17+s12+$0x0], $0xffff;
	[tilespmem:s21+$0xFFFFFFE0] =	vst v14  }
0x248: {  	v14 =	vadd.s32 s20, v2;
	[tilespmem:s21+$0xFFFFFDD0] =	vst v18;
	v9 =	vld.idx.msk [tilespmem:v9+s12+$0x0], $0xffff  }
0x249: {  	v18 =	vadd.s32 s24, v1;
	v13 =	vld.idx.msk [tilespmem:v13+s12+$0x0], $0xffff;
	[tilespmem:s21+$0xFFFFFE50] =	vst v15  }
0x24a: {  	v8 =	vld.idx.msk [tilespmem:v8+s12+$0x0], $0xffff;
	[tilespmem:s21+$0xFFFFFED0] =	vst v11;
	v11 =	vadd.s32 s22, v0  }
0x24b: {  	v15 =	vadd.s32 s25, v1;
	v12 =	vld.idx.msk [tilespmem:v12+s12+$0x0], $0xffff;
	[tilespmem:s21+$0xFFFFFF50] =	vst v10  }
0x24c: {  	v10 =	vadd.s32 s26, v1;
	[tilespmem:s21+$0xFFFFFC50] =	vst v19;
	v19 =	vld.idx.msk [tilespmem:v20+s12+$0x0], $0xffff  }
0x24d: {  	v14 =	vld.idx.msk [tilespmem:v14+s12+$0x0], $0xffff;
	[tilespmem:s21+$0xFFFFFCE0] =	vst v16;
	v16 =	vadd.s32 s28, v1  }
0x24e: {  	v20 =	vld.idx.msk [tilespmem:v18+s12+$0x0], $0xffff;
	v18 =	vadd.s32 s29, v1;
	[tilespmem:s21+$0xFFFFFFF0] =	vst v9  }
0x24f: {  	v9 =	vadd.s32 s30, v1;
	[tilespmem:s21+$0xFFFFFD60] =	vst v17;
	v11 =	vld.idx.msk [tilespmem:v11+s12+$0x0], $0xffff  }
0x250: {  	v17 =	vadd.s32 s20, v1;
	v15 =	vld.idx.msk [tilespmem:v15+s12+$0x0], $0xffff;
	[tilespmem:s21+$0xFFFFFDE0] =	vst v13  }
0x251: {  	v21 =	vadd.s32 s23, v7;
	v22 =	vld.idx.msk [tilespmem:v10+s12+$0x0], $0xffff;
	[tilespmem:s21+$0xFFFFFE60] =	vst v8  }
0x252: {  	v23 =	vadd.s32 s24, v0;
	v13 =	vld.idx.msk [tilespmem:v16+s12+$0x0], $0xffff;
	[tilespmem:s21+$0xFFFFFEE0] =	vst v12  }
0x253: {  	v24 =	vadd.s32 s25, v0;
	v12 =	vld.idx.msk [tilespmem:v18+s12+$0x0], $0xffff;
	[tilespmem:s21+$0xFFFFFF60] =	vst v19  }
.Ltmp2:
0x254: {  	v19 =	vadd.s32 s26, v0;
	[tilespmem:s21+$0xFFFFFC60] =	vst v14;
	v10 =	vld.idx.msk [tilespmem:v9+s12+$0x0], $0xffff;
	(pc) =	sbr.rel @p0 .LBB2_7-.Ltmp2, $4  }
0x255: {  	v18 =	vadd.s32 s28, v0;
	v9 =	vld.idx.msk [tilespmem:v17+s12+$0x0], $0xffff;
	[tilespmem:s21+$0x0] =	vst v11  }
0x256: {  	v17 =	vadd.s32 s29, v0;
	v8 =	vld.idx.msk [tilespmem:v21+s12+$0x0], $0xffff;
	[tilespmem:s21+$0xFFFFFCF0] =	vst v20  }
0x257: {  	v16 =	vadd.s32 s30, v0;
	v11 =	vld.idx.msk [tilespmem:v23+s12+$0x0], $0xffff;
	[tilespmem:s21+$0xFFFFFD70] =	vst v15  }
0x258: {  	s22 =	sadd.s32 $0x7, s23;
	v15 =	vadd.s32 s20, v0;
	s20 =	smov.u32 s23;
	s23 =	sadd.s32 $0x8, s23;
	v14 =	vld.idx.msk [tilespmem:v24+s12+$0x0], $0xffff;
	[tilespmem:s21+$0xFFFFFDF0] =	vst v22  }
0x259: {  	_ =	sdelay $0x1  }
0x25a: {  	[tilespmem:s21+$0xFFFFFE70] =	vst v13  }
0x25b: {  	[tilespmem:s21+$0xFFFFFEF0] =	vst v12  }
0x25c: {  	v26 =	vadd.s32 s22, v7;
	v19 =	vld.idx.msk [tilespmem:v19+s12+$0x0], $0xffff;
	[tilespmem:s21+$0xFFFFFF70] =	vst v10  }
0x25d: {  	s23 =	sadd.s32 $0x1, s20;
	s31 =	sadd.s32 $0x400, s21;
	v43 =	vadd.s32 s20, v6;
	v18 =	vld.idx.msk [tilespmem:v18+s12+$0x0], $0xffff;
	[tilespmem:s21+$0xFFFFFC70] =	vst v9  }
0x25e: {  	s24 =	sadd.s32 $0x2, s20;
	s25 =	sadd.s32 $0x3, s20;
	v33 =	vadd.s32 s22, v6;
	v27 =	vadd.s32 s23, v7;
	v17 =	vld.idx.msk [tilespmem:v17+s12+$0x0], $0xffff;
	[tilespmem:s31+$0xFFFFFC10] =	vst v8  }
0x25f: {  	v28 =	vadd.s32 s24, v7;
	v29 =	vadd.s32 s25, v7;
	v16 =	vld.idx.msk [tilespmem:v16+s12+$0x0], $0xffff;
	[tilespmem:s21+$0xFFFFFD00] =	vst v11  }
0x260: {  	s26 =	sadd.s32 $0x4, s20;
	v34 =	vadd.s32 s23, v6;
	v35 =	vadd.s32 s24, v6;
	v15 =	vld.idx.msk [tilespmem:v15+s12+$0x0], $0xffff;
	[tilespmem:s21+$0xFFFFFD80] =	vst v14  }
0x261: {  	s28 =	sadd.s32 $0x5, s20;
	s29 =	sadd.s32 $0x6, s20;
	v30 =	vadd.s32 s26, v7;
	v36 =	vadd.s32 s25, v6;
	v37 =	vadd.s32 s26, v6;
	v13 =	vld.idx.msk [tilespmem:v26+s12+$0x0], $0xffff;
	[tilespmem:s21+$0xFFFFFE00] =	vst v19  }
0x262: {  	v31 =	vadd.s32 s28, v7;
	v39 =	vadd.s32 s28, v6;
	v42 =	vadd.s32 s29, v6;
	v6 =	vld.idx.msk [tilespmem:v43+s12+$0x0], $0xffff;
	[tilespmem:s21+$0xFFFFFE80] =	vst v18  }
0x263: {  	v32 =	vadd.s32 s29, v7;
	v12 =	vld.idx.msk [tilespmem:v27+s12+$0x0], $0xffff;
	[tilespmem:s21+$0xFFFFFF00] =	vst v17  }
0x264: {  	v10 =	vld.idx.msk [tilespmem:v28+s12+$0x0], $0xffff;
	[tilespmem:s21+$0xFFFFFF80] =	vst v16  }
0x265: {  	v53 =	vadd.s32 s20, v5;
	v9 =	vld.idx.msk [tilespmem:v29+s12+$0x0], $0xffff;
	[tilespmem:s21+$0xFFFFFC80] =	vst v15  }
0x266: {  	v11 =	vld.idx.msk [tilespmem:v30+s12+$0x0], $0xffff;
	[tilespmem:s31+$0xFFFFFF90] =	vst v13  }
0x267: {  	v41 =	vadd.s32 s22, v5;
	v14 =	vld.idx.msk [tilespmem:v31+s12+$0x0], $0xffff;
	[tilespmem:s31+$0xFFFFFC20] =	vst v6  }
0x268: {  	v44 =	vadd.s32 s23, v5;
	v45 =	vadd.s32 s24, v5;
	v7 =	vld.idx.msk [tilespmem:v32+s12+$0x0], $0xffff;
	[tilespmem:s31+$0xFFFFFC90] =	vst v12  }
0x269: {  	v46 =	vadd.s32 s25, v5;
	v48 =	vadd.s32 s26, v5;
	v38 =	vld.idx.msk [tilespmem:v33+s12+$0x0], $0xffff;
	[tilespmem:s31+$0xFFFFFD10] =	vst v10  }
0x26a: {  	v50 =	vadd.s32 s28, v5;
	v52 =	vadd.s32 s29, v5;
	[tilespmem:s31+$0xFFFFFD90] =	vst v9;
	v5 =	vld.idx.msk [tilespmem:v53+s12+$0x0], $0xffff  }
0x26b: {  	[tilespmem:s31+$0xFFFFFE10] =	vst v11;
	v40 =	vld.idx.msk [tilespmem:v34+s12+$0x0], $0xffff  }
0x26c: {  	[tilespmem:s31+$0xFFFFFE90] =	vst v14;
	v15 =	vld.idx.msk [tilespmem:v35+s12+$0x0], $0xffff  }
0x26d: {  	[tilespmem:s31+$0xFFFFFF10] =	vst v7;
	v13 =	vld.idx.msk [tilespmem:v36+s12+$0x0], $0xffff  }
0x26e: {  	v12 =	vld.idx.msk [tilespmem:v37+s12+$0x0], $0xffff;
	[tilespmem:s31+$0xFFFFFFA0] =	vst v38  }
0x26f: {  	v10 =	vld.idx.msk [tilespmem:v39+s12+$0x0], $0xffff;
	[tilespmem:s31+$0xFFFFFC30] =	vst v5  }
0x270: {  	v47 =	vld.idx.msk [tilespmem:v42+s12+$0x0], $0xffff;
	[tilespmem:s31+$0xFFFFFCA0] =	vst v40  }
0x271: {  	v16 =	vld.idx.msk [tilespmem:v41+s12+$0x0], $0xffff;
	[tilespmem:s31+$0xFFFFFD20] =	vst v15  }
0x272: {  	[tilespmem:s31+$0xFFFFFDA0] =	vst v13;
	v7 =	vld.idx.msk [tilespmem:v44+s12+$0x0], $0xffff  }
0x273: {  	v49 =	vadd.s32 s22, v4;
	[tilespmem:s31+$0xFFFFFE20] =	vst v12;
	v51 =	vld.idx.msk [tilespmem:v45+s12+$0x0], $0xffff  }
0x274: {  	v54 =	vadd.s32 s23, v4;
	[tilespmem:s31+$0xFFFFFEA0] =	vst v10;
	v8 =	vld.idx.msk [tilespmem:v46+s12+$0x0], $0xffff  }
0x275: {  	v55 =	vadd.s32 s24, v4;
	[tilespmem:s31+$0xFFFFFF20] =	vst v47;
	v11 =	vld.idx.msk [tilespmem:v48+s12+$0x0], $0xffff  }
0x276: {  	v57 =	vadd.s32 s25, v4;
	v56 =	vld.idx.msk [tilespmem:v50+s12+$0x0], $0xffff;
	[tilespmem:s31+$0xFFFFFFB0] =	vst v16  }
0x277: {  	v60 =	vadd.s32 s26, v4;
	v58 =	vld.idx.msk [tilespmem:v52+s12+$0x0], $0xffff;
	[tilespmem:s31+$0xFFFFFCB0] =	vst v7  }
0x278: {  	v62 =	vadd.s32 s28, v4;
	v15 =	vld.idx.msk [tilespmem:v49+s12+$0x0], $0xffff;
	[tilespmem:s31+$0xFFFFFD30] =	vst v51  }
0x279: {  	v63 =	vadd.s32 s29, v4;
	[tilespmem:s31+$0xFFFFFDB0] =	vst v8;
	v61 =	vld.idx.msk [tilespmem:v54+s12+$0x0], $0xffff  }
0x27a: {  	v16 =	vadd.s32 s20, v4;
	[tilespmem:s31+$0xFFFFFE30] =	vst v11;
	v9 =	vld.idx.msk [tilespmem:v55+s12+$0x0], $0xffff  }
0x27b: {  	v59 =	vadd.s32 s22, v3;
	[tilespmem:s31+$0xFFFFFEB0] =	vst v56;
	v13 =	vld.idx.msk [tilespmem:v57+s12+$0x0], $0xffff  }
0x27c: {  	v17 =	vadd.s32 s23, v3;
	[tilespmem:s31+$0xFFFFFF30] =	vst v58;
	v18 =	vld.idx.msk [tilespmem:v60+s12+$0x0], $0xffff  }
0x27d: {  	v19 =	vadd.s32 s24, v3;
	v20 =	vld.idx.msk [tilespmem:v62+s12+$0x0], $0xffff;
	[tilespmem:s31+$0xFFFFFFC0] =	vst v15  }
0x27e: {  	v22 =	vadd.s32 s25, v3;
	v11 =	vld.idx.msk [tilespmem:v63+s12+$0x0], $0xffff;
	[tilespmem:s31+$0xFFFFFCC0] =	vst v61  }
0x27f: {  	v23 =	vadd.s32 s26, v3;
	v4 =	vld.idx.msk [tilespmem:v16+s12+$0x0], $0xffff;
	[tilespmem:s31+$0xFFFFFD40] =	vst v9  }
0x280: {  	v24 =	vadd.s32 s28, v3;
	v14 =	vld.idx.msk [tilespmem:v59+s12+$0x0], $0xffff;
	[tilespmem:s31+$0xFFFFFDC0] =	vst v13  }
0x281: {  	v25 =	vadd.s32 s29, v3;
	[tilespmem:s31+$0xFFFFFE40] =	vst v18;
	v6 =	vld.idx.msk [tilespmem:v17+s12+$0x0], $0xffff  }
0x282: {  	v26 =	vadd.s32 s20, v3;
	[tilespmem:s31+$0xFFFFFEC0] =	vst v20;
	v12 =	vld.idx.msk [tilespmem:v19+s12+$0x0], $0xffff  }
0x283: {  	v21 =	vadd.s32 s22, v2;
	[tilespmem:s31+$0xFFFFFF40] =	vst v11;
	v28 =	vld.idx.msk [tilespmem:v22+s12+$0x0], $0xffff  }
0x284: {  	v29 =	vadd.s32 s23, v2;
	v9 =	vld.idx.msk [tilespmem:v23+s12+$0x0], $0xffff;
	[tilespmem:s31+$0xFFFFFC40] =	vst v4  }
0x285: {  	v31 =	vadd.s32 s24, v2;
	v32 =	vld.idx.msk [tilespmem:v24+s12+$0x0], $0xffff;
	[tilespmem:s31+$0xFFFFFFD0] =	vst v14  }
0x286: {  	v33 =	vadd.s32 s25, v2;
	v34 =	vld.idx.msk [tilespmem:v25+s12+$0x0], $0xffff;
	[tilespmem:s31+$0xFFFFFCD0] =	vst v6  }
0x287: {  	v35 =	vadd.s32 s26, v2;
	v3 =	vld.idx.msk [tilespmem:v26+s12+$0x0], $0xffff;
	[tilespmem:s31+$0xFFFFFD50] =	vst v12  }
0x288: {  	v37 =	vadd.s32 s28, v2;
	v27 =	vld.idx.msk [tilespmem:v21+s12+$0x0], $0xffff;
	[tilespmem:s31+$0xFFFFFDD0] =	vst v28  }
0x289: {  	v38 =	vadd.s32 s29, v2;
	[tilespmem:s31+$0xFFFFFE50] =	vst v9;
	v36 =	vld.idx.msk [tilespmem:v29+s12+$0x0], $0xffff  }
0x28a: {  	v39 =	vadd.s32 s20, v2;
	[tilespmem:s31+$0xFFFFFED0] =	vst v32;
	v4 =	vld.idx.msk [tilespmem:v31+s12+$0x0], $0xffff  }
0x28b: {  	v30 =	vadd.s32 s22, v1;
	[tilespmem:s31+$0xFFFFFF50] =	vst v34;
	v6 =	vld.idx.msk [tilespmem:v33+s12+$0x0], $0xffff  }
0x28c: {  	v41 =	vadd.s32 s23, v1;
	v12 =	vld.idx.msk [tilespmem:v35+s12+$0x0], $0xffff;
	[tilespmem:s31+$0xFFFFFC50] =	vst v3  }
0x28d: {  	v42 =	vadd.s32 s24, v1;
	v8 =	vld.idx.msk [tilespmem:v37+s12+$0x0], $0xffff;
	[tilespmem:s31+$0xFFFFFFE0] =	vst v27  }
0x28e: {  	v43 =	vadd.s32 s25, v1;
	v5 =	vld.idx.msk [tilespmem:v38+s12+$0x0], $0xffff;
	[tilespmem:s31+$0xFFFFFCE0] =	vst v36  }
0x28f: {  	v44 =	vadd.s32 s26, v1;
	v2 =	vld.idx.msk [tilespmem:v39+s12+$0x0], $0xffff;
	[tilespmem:s31+$0xFFFFFD60] =	vst v4  }
0x290: {  	v45 =	vadd.s32 s28, v1;
	v10 =	vld.idx.msk [tilespmem:v30+s12+$0x0], $0xffff;
	[tilespmem:s31+$0xFFFFFDE0] =	vst v6  }
0x291: {  	v47 =	vadd.s32 s29, v1;
	[tilespmem:s31+$0xFFFFFE60] =	vst v12;
	v46 =	vld.idx.msk [tilespmem:v41+s12+$0x0], $0xffff  }
0x292: {  	v48 =	vadd.s32 s20, v1;
	[tilespmem:s31+$0xFFFFFEE0] =	vst v8;
	v3 =	vld.idx.msk [tilespmem:v42+s12+$0x0], $0xffff  }
0x293: {  	v40 =	vadd.s32 s22, v0;
	[tilespmem:s31+$0xFFFFFF60] =	vst v5;
	v7 =	vld.idx.msk [tilespmem:v43+s12+$0x0], $0xffff  }
0x294: {  	v49 =	vadd.s32 s23, v0;
	v50 =	vld.idx.msk [tilespmem:v44+s12+$0x0], $0xffff;
	[tilespmem:s31+$0xFFFFFC60] =	vst v2  }
0x295: {  	v51 =	vadd.s32 s24, v0;
	v52 =	vld.idx.msk [tilespmem:v45+s12+$0x0], $0xffff;
	[tilespmem:s31+$0xFFFFFFF0] =	vst v10  }
0x296: {  	v53 =	vadd.s32 s25, v0;
	v54 =	vld.idx.msk [tilespmem:v47+s12+$0x0], $0xffff;
	[tilespmem:s31+$0xFFFFFCF0] =	vst v46  }
0x297: {  	v55 =	vadd.s32 s26, v0;
	v1 =	vld.idx.msk [tilespmem:v48+s12+$0x0], $0xffff;
	[tilespmem:s31+$0xFFFFFD70] =	vst v3  }
0x298: {  	v56 =	vadd.s32 s28, v0;
	v9 =	vld.idx.msk [tilespmem:v40+s12+$0x0], $0xffff;
	[tilespmem:s31+$0xFFFFFDF0] =	vst v7  }
0x299: {  	v58 =	vadd.s32 s29, v0;
	[tilespmem:s31+$0xFFFFFE70] =	vst v50;
	v57 =	vld.idx.msk [tilespmem:v49+s12+$0x0], $0xffff  }
0x29a: {  	v59 =	vadd.s32 s20, v0;
	[tilespmem:s31+$0xFFFFFEF0] =	vst v52;
	v60 =	vld.idx.msk [tilespmem:v51+s12+$0x0], $0xffff  }
0x29b: {  	[tilespmem:s31+$0xFFFFFF70] =	vst v54;
	v4 =	vld.idx.msk [tilespmem:v53+s12+$0x0], $0xffff  }
0x29c: {  	v61 =	vld.idx.msk [tilespmem:v55+s12+$0x0], $0xffff;
	[tilespmem:s31+$0xFFFFFC70] =	vst v1  }
0x29d: {  	v62 =	vld.idx.msk [tilespmem:v56+s12+$0x0], $0xffff;
	[tilespmem:s31+$0x0] =	vst v9  }
0x29e: {  	v63 =	vld.idx.msk [tilespmem:v58+s12+$0x0], $0xffff;
	[tilespmem:s31+$0xFFFFFD00] =	vst v57  }
0x29f: {  	s18 =	sadd.s32 $0x1, s18;
	v0 =	vld.idx.msk [tilespmem:v59+s12+$0x0], $0xffff;
	[tilespmem:s31+$0xFFFFFD80] =	vst v60  }
0x2a0: {  	s19 =	sadd.s32 s7, s19;
	p0 =	sne.s32 s18, $0x20;
	[tilespmem:s31+$0xFFFFFE00] =	vst v4  }
.Ltmp3:
0x2a1: {  	s19 =	sshll.u32 s19, $0xD;
	[tilespmem:s31+$0xFFFFFE80] =	vst v61;
	(pc) =	sbr.rel @p0 .LBB2_4-.Ltmp3, $4  }
0x2a2: {  	s19 =	sadd.s32 s8, s19;
	[tilespmem:s31+$0xFFFFFF00] =	vst v62  }
0x2a3: {  	s19 =	sshrl.u32 s19, $0x3;
	[tilespmem:s31+$0xFFFFFF80] =	vst v63  }
0x2a4: {  	s19 =	sadd.s32 s2, s19;
	[tilespmem:s31+$0xFFFFFC80] =	vst v0  }
0x2a5: {  	[hbm4b:s19+s3] =	stream.linear.scatter [tilespmem:s14], [sflag:$0x2], $0x2000, $0x38;
	[tilespmem:$0x7938] =	vst v63  }
0x2a6: {  	s16 =	sadd.s32 $0x1, s16  }
0x2a7: {  	_ =	swait.ge [sflag:s5], $0x2000;
	p0 =	sne.s32 s16, s9  }
.Ltmp4:
0x2a8: {  	[sflag:s5] =	ssyncset.done $0x0;
	(pc) =	sbr.rel @p0 .LBB2_1-.Ltmp4, $4  }
0x2a9: {  	[sflag:s5] =	ssyncadd.s32 $0xFFFFE000  }
0x2aa: {  	_ =	swait.ge [sflag:s15], $0x2000  }
0x2ab: {  	[sflag:s15] =	ssyncset.done $0x0  }
0x2ac: {  	[sflag:s15] =	ssyncadd.s32 $0xFFFFE000  }
0x2ad: {  	_ =	sfence.sel $0x180000  }
0x2ae: {  	[bflag:$0x0] =	sbarrier.arrive $0xFFFF  }
0x2af: {  	p0 =	sne.s32 s1, $0x0;
	_ =	strace $0x90000047  }
0x2b0: {  	s0 =	sadd.s32 @!p0 $0x100000, s0;
	[bflag:$0x2] =	sbarrier.arrive $0xFFFF  }
0x2b1: {  	[sflag:s0] =	ssyncadd.tile.s32 @!p0 $0x1;
	_ =	shalt  }
.Lfunc_end2:
_tile_overlayer_lowered:
.L_overlay_start_2:
0x2b2: {  	(tag) =	ssettag $0x2  }
0x2b3: {  	s0 =	rddreg [dreg:$0x0];
	s2 =	stileid.u32  }
0x2b4: {  	s1 =	rddreg [dreg:$0x1];
	p0 =	sne.s32 s2, $0x0  }
0x2b5: {  	s3 =	rddreg [dreg:$0x2];
	[bflag:$0x3] =	sbarrier.arrive $0xFFFF;
	s2 =	simm.s32 @!p0 $0x1C03  }
0x2b6: {  	[timem:s3], [sflag:s2] =	dma.local @!p0 [hbm:s0], s1  }
0x2b7: {  	s0 =	simm.s32 @!p0 $0x3  }
0x2b8: {  	_ =	swait.ge @!p0 [sflag:s0], s1  }
0x2b9: {  	s1 =	ssub.s32 @!p0 $0x0, s1;
	[sflag:s0] =	ssyncset.done @!p0 $0x0  }
0x2ba: {  	[sflag:s0] =	ssyncadd.s32 @!p0 s1  }
0x2bb: {  	[bflag:$0x3] =	sbarrier.arrive $0xFFFF  }
0x2bc: {  	_ =	shalt  }

</sc_bundles>
